<compile_context>
chip_gen: v7x
topology: tpu7x:2x2x1
jax: 0.10.2.dev20260603
libtpu: 0.0.44.dev20260713+nightly
codegen_flags: <defaults>
</compile_context>

<pallas_src>
import jax
import jax.numpy as jnp
from jax import lax
from jax.experimental import pallas as pl
from jax.experimental.pallas import tpu as pltpu
from jax.experimental.pallas import tpu_sc as plsc

N_NODES = 10000
N_EDGES = 320000
DIM = 128
BN_EPS = 1e-5
LEAKY_SLOPE = 0.01

NC, NS = 2, 16
NW = NC * NS
K = 128
NCHUNK = 80
EPW = NCHUNK * K
EPAD = NW * EPW
NPAD = 10240
ROWS_PW = NPAD // NS
NCHUNK2 = 158
NPHASE = 2
CPQ = NCHUNK2 // NPHASE
EPW2 = NCHUNK2 * K
EPAD2 = NS * EPW2
HDIM = DIM // NC


def _sc_hist_body(dst_hbm, out_hbm, idx_v, ones_v, zbuf_v, hist_sh):
    c = lax.axis_index("c")
    s = lax.axis_index("s")
    w = c * NS + s
    for i in range(K // 16):
        ones_v[pl.ds(16 * i, 16)] = jnp.ones((16,), jnp.float32)
    for i in range(ROWS_PW // 16):
        zbuf_v[pl.ds(16 * i, 16)] = jnp.zeros((16,), jnp.float32)
    pltpu.sync_copy(zbuf_v, hist_sh.at[pl.ds(s * ROWS_PW, ROWS_PW)])
    plsc.subcore_barrier()
    pltpu.sync_copy(dst_hbm.at[w], idx_v)

    def chunk(j, carry):
        pltpu.sync_copy(ones_v, hist_sh.at[idx_v.at[j]], add=True)
        return carry

    lax.fori_loop(0, NCHUNK, chunk, 0)
    plsc.subcore_barrier()
    pltpu.sync_copy(hist_sh.at[pl.ds(s * ROWS_PW, ROWS_PW)], zbuf_v)
    pltpu.sync_copy(zbuf_v, out_hbm.at[c, pl.ds(s * ROWS_PW, ROWS_PW)])


def _sc_agg_body(src_hbm, dst_hbm, y_hbm, out_hbm, sidx_v, didx_v,
                 bufa_v, bufb_v, y_sh, acc_sh, sema, semb):
    c = lax.axis_index("c")
    s = lax.axis_index("s")
    for r in range(16):
        for i in range(HDIM // 16):
            bufa_v[r, pl.ds(16 * i, 16)] = jnp.zeros((16,), jnp.float32)

    def zinit(t, carry):
        pltpu.sync_copy(bufa_v.at[pl.ds(0, 16)],
                        acc_sh.at[pl.ds(s * ROWS_PW + 16 * t, 16)])
        return carry

    lax.fori_loop(0, ROWS_PW // 16, zinit, 0)

    def ystage(t, carry):
        base = s * (N_NODES // NS) + 125 * t
        pltpu.sync_copy(y_hbm.at[c, pl.ds(base, 125)],
                        bufb_v.at[pl.ds(0, 125)])
        pltpu.sync_copy(bufb_v.at[pl.ds(0, 125)], y_sh.at[pl.ds(base, 125)])
        return carry

    lax.fori_loop(0, (N_NODES // NS) // 125, ystage, 0)
    plsc.subcore_barrier()

    def gather_start(j, buf, sem):
        pltpu.async_copy(y_sh.at[sidx_v.at[j]], buf, sem)

    def gather_wait(buf, sem):
        pltpu.make_async_copy(y_sh.at[sidx_v.at[0]], buf, sem).wait()

    def scat(j, buf):
        pltpu.sync_copy(buf, acc_sh.at[didx_v.at[j]], add=True)

    for p in range(NPHASE):
        pltpu.sync_copy(src_hbm.at[s, p], sidx_v)
        pltpu.sync_copy(dst_hbm.at[s, p], didx_v)
        gather_start(0, bufa_v, sema)
        gather_start(1, bufb_v, semb)

        def pair(t, carry):
            j0 = 2 * t
            gather_wait(bufa_v, sema)
            scat(j0, bufa_v)
            gather_start(j0 + 2, bufa_v, sema)
            gather_wait(bufb_v, semb)
            scat(j0 + 1, bufb_v)
            gather_start(j0 + 3, bufb_v, semb)
            return carry

        lax.fori_loop(0, CPQ // 2 - 1, pair, 0)
        gather_wait(bufa_v, sema)
        scat(CPQ - 3, bufa_v)
        gather_start(CPQ - 1, bufa_v, sema)
        gather_wait(bufb_v, semb)
        scat(CPQ - 2, bufb_v)
        gather_wait(bufa_v, sema)
        scat(CPQ - 1, bufa_v)
    plsc.subcore_barrier()

    def writeback(t, carry):
        base = s * ROWS_PW + K * t
        pltpu.sync_copy(acc_sh.at[pl.ds(base, K)], bufa_v)
        pltpu.sync_copy(bufa_v, out_hbm.at[c, pl.ds(base, K)])
        return carry

    lax.fori_loop(0, ROWS_PW // K, writeback, 0)


def _tc_dense_body(fea_ref, w1t_ref, b1_ref, g_ref, be_ref, mu_ref, var_ref,
                   wgt_ref, h_ref, y2_ref):
    x = jnp.dot(fea_ref[...], w1t_ref[...], preferred_element_type=jnp.float32)
    x = x + b1_ref[...]
    scale = g_ref[...] * lax.rsqrt(var_ref[...] + BN_EPS)
    x = (x - mu_ref[...]) * scale + be_ref[...]
    x = jnp.where(x >= 0, x, LEAKY_SLOPE * x)
    xw = jnp.dot(x, wgt_ref[...], preferred_element_type=jnp.float32)
    deg = h_ref[0] + h_ref[1] + 1.0
    dis = lax.rsqrt(deg)
    y = dis * xw
    y2_ref[0] = y[:, :HDIM]
    y2_ref[1] = y[:, HDIM:]


def _tc_final_body(p_ref, y_ref, h_ref, bg_ref, o_ref):
    deg = h_ref[0] + h_ref[1] + 1.0
    dis = lax.rsqrt(deg)
    acc = jnp.concatenate([p_ref[0] + y_ref[0], p_ref[1] + y_ref[1]], axis=1)
    o_ref[...] = dis * acc + bg_ref[...]


_mesh = plsc.VectorSubcoreMesh(core_axis_name="c", subcore_axis_name="s",
                               num_cores=NC, num_subcores=NS)

_sc_hist = pl.kernel(
    _sc_hist_body,
    out_type=jax.ShapeDtypeStruct((NC, NPAD), jnp.float32),
    mesh=_mesh,
    scratch_types=[
        pltpu.VMEM((NCHUNK, K), jnp.int32),
        pltpu.VMEM((K,), jnp.float32),
        pltpu.VMEM((ROWS_PW,), jnp.float32),
        pltpu.VMEM_SHARED((NPAD,), jnp.float32),
    ],
)

_sc_agg = pl.kernel(
    _sc_agg_body,
    out_type=jax.ShapeDtypeStruct((NC, NPAD, HDIM), jnp.float32),
    mesh=_mesh,
    scratch_types=[
        pltpu.VMEM((CPQ, K), jnp.int32),
        pltpu.VMEM((CPQ, K), jnp.int32),
        pltpu.VMEM((K, HDIM), jnp.float32),
        pltpu.VMEM((K, HDIM), jnp.float32),
        pltpu.VMEM_SHARED((N_NODES, HDIM), jnp.float32),
        pltpu.VMEM_SHARED((NPAD, HDIM), jnp.float32),
        pltpu.SemaphoreType.DMA,
        pltpu.SemaphoreType.DMA,
    ],
    compiler_params=pltpu.CompilerParams(use_tc_tiling_on_sc=False),
)

_ROWBLK = 1000
_GRID = N_NODES // _ROWBLK

_tc_dense = pl.pallas_call(
    _tc_dense_body,
    grid=(_GRID,),
    in_specs=[
        pl.BlockSpec((_ROWBLK, DIM), lambda i: (i, 0)),
        pl.BlockSpec((DIM, DIM), lambda i: (0, 0)),
        pl.BlockSpec((1, DIM), lambda i: (0, 0)),
        pl.BlockSpec((1, DIM), lambda i: (0, 0)),
        pl.BlockSpec((1, DIM), lambda i: (0, 0)),
        pl.BlockSpec((1, DIM), lambda i: (0, 0)),
        pl.BlockSpec((1, DIM), lambda i: (0, 0)),
        pl.BlockSpec((DIM, DIM), lambda i: (0, 0)),
        pl.BlockSpec((NC, _ROWBLK, 1), lambda i: (0, i, 0)),
    ],
    out_specs=pl.BlockSpec((NC, _ROWBLK, HDIM), lambda i: (0, i, 0)),
    out_shape=jax.ShapeDtypeStruct((NC, N_NODES, HDIM), jnp.float32),
)

_tc_final = pl.pallas_call(
    _tc_final_body,
    grid=(_GRID,),
    in_specs=[
        pl.BlockSpec((NC, _ROWBLK, HDIM), lambda i: (0, i, 0)),
        pl.BlockSpec((NC, _ROWBLK, HDIM), lambda i: (0, i, 0)),
        pl.BlockSpec((NC, _ROWBLK, 1), lambda i: (0, i, 0)),
        pl.BlockSpec((1, DIM), lambda i: (0, 0)),
    ],
    out_specs=pl.BlockSpec((_ROWBLK, DIM), lambda i: (i, 0)),
    out_shape=jax.ShapeDtypeStruct((N_NODES, DIM), jnp.float32),
)


@jax.jit
def _impl(fea, edges, W1, b1, bn_gamma, bn_beta, bn_mean, bn_var, Wg, bg):
    spad = jnp.zeros((EPAD2 - N_EDGES,), dtype=edges.dtype)
    dpad = jnp.full((EPAD2 - N_EDGES,), N_NODES, dtype=edges.dtype)
    src = jnp.concatenate([edges[0], spad])
    dst = jnp.concatenate([edges[1], dpad])
    dpad_h = jnp.full((EPAD - N_EDGES,), N_NODES, dtype=edges.dtype)
    dst_h = jnp.concatenate([edges[1], dpad_h])

    hist = _sc_hist(dst_h.reshape(NW, NCHUNK, K))
    hist3 = hist[:, :N_NODES].reshape(NC, N_NODES, 1)
    y2 = _tc_dense(fea, W1.T, b1.reshape(1, DIM), bn_gamma.reshape(1, DIM),
                   bn_beta.reshape(1, DIM), bn_mean.reshape(1, DIM),
                   bn_var.reshape(1, DIM), Wg.T, hist3)
    parts = _sc_agg(src.reshape(NS, NPHASE, CPQ, K),
                    dst.reshape(NS, NPHASE, CPQ, K),
                    y2)
    return _tc_final(parts, y2, hist3, bg.reshape(1, DIM))


def kernel(fea, edges, W1, b1, bn_gamma, bn_beta, bn_mean, bn_var, Wg, bg):
    return _impl(fea, edges, W1, b1, bn_gamma, bn_beta, bn_mean, bn_var, Wg, bg)

# --- scband reference (transcript-rebuilt; emitter-appended) ---
"""Pipeline reference for scband-gcnlayer-88295937671172 (READ-ONLY COPY).

The authoritative reference and input builder live on the scoring server;
editing this copy changes nothing except your own understanding.
"""

import jax, jax.numpy as jnp
import numpy as np

N_NODES = 10000
N_EDGES = 320000
IN_DIM = 128
OUT_DIM = 128
BN_EPS = 1e-5
LEAKY_SLOPE = 0.01


def setup_inputs(seed: int = 0) -> dict:
    key = jax.random.key(seed)
    ks = jax.random.split(key, 8)
    fea = jax.random.normal(ks[0], (N_NODES, IN_DIM), dtype=jnp.float32)
    edges = jax.random.randint(ks[1], (2, N_EDGES), 0, N_NODES, dtype=jnp.int32)
    # nn.Linear(in_dim, in_dim): weight [in, in], bias [in]
    lim1 = 1.0 / np.sqrt(IN_DIM)
    W1 = jax.random.uniform(ks[2], (IN_DIM, IN_DIM), dtype=jnp.float32, minval=-lim1, maxval=lim1)
    b1 = jax.random.uniform(ks[3], (IN_DIM,), dtype=jnp.float32, minval=-lim1, maxval=lim1)
    # BatchNorm1d params/buffers (eval mode: running stats)
    bn_gamma = jnp.ones((IN_DIM,), dtype=jnp.float32)
    bn_beta = jnp.zeros((IN_DIM,), dtype=jnp.float32)
    bn_mean = jnp.zeros((IN_DIM,), dtype=jnp.float32)
    bn_var = jnp.ones((IN_DIM,), dtype=jnp.float32)
    # GCNConv(in_dim, out_dim): linear weight [out, in], bias [out]
    limg = 1.0 / np.sqrt(IN_DIM)
    Wg = jax.random.uniform(ks[4], (OUT_DIM, IN_DIM), dtype=jnp.float32, minval=-limg, maxval=limg)
    bg = jnp.zeros((OUT_DIM,), dtype=jnp.float32)
    return {"fea": fea, "edges": edges, "W1": W1, "b1": b1,
            "bn_gamma": bn_gamma, "bn_beta": bn_beta, "bn_mean": bn_mean, "bn_var": bn_var,
            "Wg": Wg, "bg": bg}


def reference(fea, edges, W1, b1, bn_gamma, bn_beta, bn_mean, bn_var, Wg, bg):
    # x = linear(fea)
    x = fea @ W1.T + b1
    # BatchNorm1d (eval mode, running stats)
    x = (x - bn_mean) * jax.lax.rsqrt(bn_var + BN_EPS) * bn_gamma + bn_beta
    # Dropout is identity in eval mode; LeakyReLU
    x = jnp.where(x >= 0, x, LEAKY_SLOPE * x)
    # GCNConv: x' = D^{-1/2} (A + I) D^{-1/2} (x W^T) + b
    N = x.shape[0]
    loop = jnp.arange(N, dtype=edges.dtype)
    src = jnp.concatenate([edges[0], loop])
    dst = jnp.concatenate([edges[1], loop])
    deg = jnp.zeros((N,), dtype=x.dtype).at[dst].add(1.0)
    deg_inv_sqrt = jnp.where(deg > 0, jax.lax.rsqrt(deg), 0.0)
    norm = deg_inv_sqrt[src] * deg_inv_sqrt[dst]
    xw = x @ Wg.T
    msg = xw[src] * norm[:, None]
    out = jnp.zeros((N, xw.shape[1]), dtype=x.dtype).at[dst].add(msg)
    out = out + bg
    # softmax=False -> identity activation2
    return out

if __name__ == "__main__":
    import jax
    _d = setup_inputs()
    print(jax.jit(kernel)(*tuple(_d.values())))

</pallas_src>

<mosaic_0001>
#map = affine_map<(d0, d1) -> (0, 0, 0, 0)>
#map1 = affine_map<(d0, d1) -> (0, 0, 0)>
module attributes {stable_mosaic.version = 14 : i64} {
  func.func @_sc_agg_body(%arg0: i32, %arg1: i32, %arg2: memref<16x2x79x128xi32, #tpu.memory_space<hbm>>, %arg3: memref<16x2x79x128xi32, #tpu.memory_space<hbm>>, %arg4: memref<2x10000x64xf32, #tpu.memory_space<hbm>>, %arg5: memref<2x10240x64xf32, #tpu.memory_space<hbm>>, %arg6: memref<79x128xi32, #tpu.memory_space<vmem>>, %arg7: memref<79x128xi32, #tpu.memory_space<vmem>>, %arg8: memref<128x64xf32, #tpu.memory_space<vmem>>, %arg9: memref<128x64xf32, #tpu.memory_space<vmem>>, %arg10: memref<10000x64xf32, #tpu.memory_space<vmem_shared>>, %arg11: memref<10240x64xf32, #tpu.memory_space<vmem_shared>>, %arg12: memref<!tpu.dma_semaphore, #tpu.memory_space<semaphore_mem>>, %arg13: memref<!tpu.dma_semaphore, #tpu.memory_space<semaphore_mem>>) attributes {dimension_semantics = [#tpu.dimension_semantics<core_parallel>, #tpu.dimension_semantics<subcore_parallel>], iteration_bounds = array<i64: 2, 16>, scalar_prefetch = 0 : i64, scratch_operands = 8 : i64, tpu.core_type = #tpu.core_type<sc_vector_subcore>, window_params = [{transform_indices = #map}, {transform_indices = #map}, {transform_indices = #map1}, {transform_indices = #map1}]} {
    %broadcast_in_dim3A = arith.constant 0.000000e+00 : f32
    %broadcast_in_dim3A_0 = vector.broadcast %broadcast_in_dim3A : f32 to vector<16xf32>
    %swap3A = arith.constant 0 : i32
    %swap3A_1 = arith.index_cast %swap3A : i32 to index
    %swap3A_2 = arith.constant 0 : index
    %swap3A_3 = tpu.vector_load %arg8[%swap3A_1, %swap3A_2] {strides = array<i32>} : memref<128x64xf32, #tpu.memory_space<vmem>>, vector<1x16xf32>,
    %swap3A_4 = vector.shape_cast %swap3A_3 : vector<1x16xf32> to vector<16xf32>
    %swap3A_5 = vector.shape_cast %broadcast_in_dim3A_0 : vector<16xf32> to vector<1x16xf32>
    tpu.vector_store %arg8[%swap3A_1, %swap3A_2], %swap3A_5 {strides = array<i32>} : memref<128x64xf32, #tpu.memory_space<vmem>>, vector<1x16xf32>,
    %broadcast_in_dim3A_6 = arith.constant 0.000000e+00 : f32
    %broadcast_in_dim3A_7 = vector.broadcast %broadcast_in_dim3A_6 : f32 to vector<16xf32>
    %swap3A_8 = arith.constant 0 : i32
    %swap3A_9 = arith.index_cast %swap3A_8 : i32 to index
    %swap3A_10 = arith.constant 16 : index
    %swap3A_11 = tpu.vector_load %arg8[%swap3A_9, %swap3A_10] {strides = array<i32>} : memref<128x64xf32, #tpu.memory_space<vmem>>, vector<1x16xf32>,
    %swap3A_12 = vector.shape_cast %swap3A_11 : vector<1x16xf32> to vector<16xf32>
    %swap3A_13 = vector.shape_cast %broadcast_in_dim3A_7 : vector<16xf32> to vector<1x16xf32>
    tpu.vector_store %arg8[%swap3A_9, %swap3A_10], %swap3A_13 {strides = array<i32>} : memref<128x64xf32, #tpu.memory_space<vmem>>, vector<1x16xf32>,
    %broadcast_in_dim3A_14 = arith.constant 0.000000e+00 : f32
    %broadcast_in_dim3A_15 = vector.broadcast %broadcast_in_dim3A_14 : f32 to vector<16xf32>
    %swap3A_16 = arith.constant 0 : i32
    %swap3A_17 = arith.index_cast %swap3A_16 : i32 to index
    %swap3A_18 = arith.constant 32 : index
    %swap3A_19 = tpu.vector_load %arg8[%swap3A_17, %swap3A_18] {strides = array<i32>} : memref<128x64xf32, #tpu.memory_space<vmem>>, vector<1x16xf32>,
    %swap3A_20 = vector.shape_cast %swap3A_19 : vector<1x16xf32> to vector<16xf32>
    %swap3A_21 = vector.shape_cast %broadcast_in_dim3A_15 : vector<16xf32> to vector<1x16xf32>
    tpu.vector_store %arg8[%swap3A_17, %swap3A_18], %swap3A_21 {strides = array<i32>} : memref<128x64xf32, #tpu.memory_space<vmem>>, vector<1x16xf32>,
    %broadcast_in_dim3A_22 = arith.constant 0.000000e+00 : f32
    %broadcast_in_dim3A_23 = vector.broadcast %broadcast_in_dim3A_22 : f32 to vector<16xf32>
    %swap3A_24 = arith.constant 0 : i32
    %swap3A_25 = arith.index_cast %swap3A_24 : i32 to index
    %swap3A_26 = arith.constant 48 : index
    %swap3A_27 = tpu.vector_load %arg8[%swap3A_25, %swap3A_26] {strides = array<i32>} : memref<128x64xf32, #tpu.memory_space<vmem>>, vector<1x16xf32>,
    %swap3A_28 = vector.shape_cast %swap3A_27 : vector<1x16xf32> to vector<16xf32>
    %swap3A_29 = vector.shape_cast %broadcast_in_dim3A_23 : vector<16xf32> to vector<1x16xf32>
    tpu.vector_store %arg8[%swap3A_25, %swap3A_26], %swap3A_29 {strides = array<i32>} : memref<128x64xf32, #tpu.memory_space<vmem>>, vector<1x16xf32>,
    %broadcast_in_dim3A_30 = arith.constant 0.000000e+00 : f32
    %broadcast_in_dim3A_31 = vector.broadcast %broadcast_in_dim3A_30 : f32 to vector<16xf32>
    %swap3A_32 = arith.constant 1 : i32
    %swap3A_33 = arith.index_cast %swap3A_32 : i32 to index
    %swap3A_34 = arith.constant 0 : index
    %swap3A_35 = tpu.vector_load %arg8[%swap3A_33, %swap3A_34] {strides = array<i32>} : memref<128x64xf32, #tpu.memory_space<vmem>>, vector<1x16xf32>,
    %swap3A_36 = vector.shape_cast %swap3A_35 : vector<1x16xf32> to vector<16xf32>
    %swap3A_37 = vector.shape_cast %broadcast_in_dim3A_31 : vector<16xf32> to vector<1x16xf32>
    tpu.vector_store %arg8[%swap3A_33, %swap3A_34], %swap3A_37 {strides = array<i32>} : memref<128x64xf32, #tpu.memory_space<vmem>>, vector<1x16xf32>,
    %broadcast_in_dim3A_38 = arith.constant 0.000000e+00 : f32
    %broadcast_in_dim3A_39 = vector.broadcast %broadcast_in_dim3A_38 : f32 to vector<16xf32>
    %swap3A_40 = arith.constant 1 : i32
    %swap3A_41 = arith.index_cast %swap3A_40 : i32 to index
    %swap3A_42 = arith.constant 16 : index
    %swap3A_43 = tpu.vector_load %arg8[%swap3A_41, %swap3A_42] {strides = array<i32>} : memref<128x64xf32, #tpu.memory_space<vmem>>, vector<1x16xf32>,
    %swap3A_44 = vector.shape_cast %swap3A_43 : vector<1x16xf32> to vector<16xf32>
    %swap3A_45 = vector.shape_cast %broadcast_in_dim3A_39 : vector<16xf32> to vector<1x16xf32>
    tpu.vector_store %arg8[%swap3A_41, %swap3A_42], %swap3A_45 {strides = array<i32>} : memref<128x64xf32, #tpu.memory_space<vmem>>, vector<1x16xf32>,
    %broadcast_in_dim3A_46 = arith.constant 0.000000e+00 : f32
    %broadcast_in_dim3A_47 = vector.broadcast %broadcast_in_dim3A_46 : f32 to vector<16xf32>
    %swap3A_48 = arith.constant 1 : i32
    %swap3A_49 = arith.index_cast %swap3A_48 : i32 to index
    %swap3A_50 = arith.constant 32 : index
    %swap3A_51 = tpu.vector_load %arg8[%swap3A_49, %swap3A_50] {strides = array<i32>} : memref<128x64xf32, #tpu.memory_space<vmem>>, vector<1x16xf32>,
    %swap3A_52 = vector.shape_cast %swap3A_51 : vector<1x16xf32> to vector<16xf32>
    %swap3A_53 = vector.shape_cast %broadcast_in_dim3A_47 : vector<16xf32> to vector<1x16xf32>
    tpu.vector_store %arg8[%swap3A_49, %swap3A_50], %swap3A_53 {strides = array<i32>} : memref<128x64xf32, #tpu.memory_space<vmem>>, vector<1x16xf32>,
    %broadcast_in_dim3A_54 = arith.constant 0.000000e+00 : f32
    %broadcast_in_dim3A_55 = vector.broadcast %broadcast_in_dim3A_54 : f32 to vector<16xf32>
    %swap3A_56 = arith.constant 1 : i32
    %swap3A_57 = arith.index_cast %swap3A_56 : i32 to index
    %swap3A_58 = arith.constant 48 : index
    %swap3A_59 = tpu.vector_load %arg8[%swap3A_57, %swap3A_58] {strides = array<i32>} : memref<128x64xf32, #tpu.memory_space<vmem>>, vector<1x16xf32>,
    %swap3A_60 = vector.shape_cast %swap3A_59 : vector<1x16xf32> to vector<16xf32>
    %swap3A_61 = vector.shape_cast %broadcast_in_dim3A_55 : vector<16xf32> to vector<1x16xf32>
    tpu.vector_store %arg8[%swap3A_57, %swap3A_58], %swap3A_61 {strides = array<i32>} : memref<128x64xf32, #tpu.memory_space<vmem>>, vector<1x16xf32>,
    %broadcast_in_dim3A_62 = arith.constant 0.000000e+00 : f32
    %broadcast_in_dim3A_63 = vector.broadcast %broadcast_in_dim3A_62 : f32 to vector<16xf32>
    %swap3A_64 = arith.constant 2 : i32
    %swap3A_65 = arith.index_cast %swap3A_64 : i32 to index
    %swap3A_66 = arith.constant 0 : index
    %swap3A_67 = tpu.vector_load %arg8[%swap3A_65, %swap3A_66] {strides = array<i32>} : memref<128x64xf32, #tpu.memory_space<vmem>>, vector<1x16xf32>,
    %swap3A_68 = vector.shape_cast %swap3A_67 : vector<1x16xf32> to vector<16xf32>
    %swap3A_69 = vector.shape_cast %broadcast_in_dim3A_63 : vector<16xf32> to vector<1x16xf32>
    tpu.vector_store %arg8[%swap3A_65, %swap3A_66], %swap3A_69 {strides = array<i32>} : memref<128x64xf32, #tpu.memory_space<vmem>>, vector<1x16xf32>,
    %broadcast_in_dim3A_70 = arith.constant 0.000000e+00 : f32
    %broadcast_in_dim3A_71 = vector.broadcast %broadcast_in_dim3A_70 : f32 to vector<16xf32>
    %swap3A_72 = arith.constant 2 : i32
    %swap3A_73 = arith.index_cast %swap3A_72 : i32 to index
    %swap3A_74 = arith.constant 16 : index
    %swap3A_75 = tpu.vector_load %arg8[%swap3A_73, %swap3A_74] {strides = array<i32>} : memref<128x64xf32, #tpu.memory_space<vmem>>, vector<1x16xf32>,
    %swap3A_76 = vector.shape_cast %swap3A_75 : vector<1x16xf32> to vector<16xf32>
    %swap3A_77 = vector.shape_cast %broadcast_in_dim3A_71 : vector<16xf32> to vector<1x16xf32>
    tpu.vector_store %arg8[%swap3A_73, %swap3A_74], %swap3A_77 {strides = array<i32>} : memref<128x64xf32, #tpu.memory_space<vmem>>, vector<1x16xf32>,
    %broadcast_in_dim3A_78 = arith.constant 0.000000e+00 : f32
    %broadcast_in_dim3A_79 = vector.broadcast %broadcast_in_dim3A_78 : f32 to vector<16xf32>
    %swap3A_80 = arith.constant 2 : i32
    %swap3A_81 = arith.index_cast %swap3A_80 : i32 to index
    %swap3A_82 = arith.constant 32 : index
    %swap3A_83 = tpu.vector_load %arg8[%swap3A_81, %swap3A_82] {strides = array<i32>} : memref<128x64xf32, #tpu.memory_space<vmem>>, vector<1x16xf32>,
    %swap3A_84 = vector.shape_cast %swap3A_83 : vector<1x16xf32> to vector<16xf32>
    %swap3A_85 = vector.shape_cast %broadcast_in_dim3A_79 : vector<16xf32> to vector<1x16xf32>
    tpu.vector_store %arg8[%swap3A_81, %swap3A_82], %swap3A_85 {strides = array<i32>} : memref<128x64xf32, #tpu.memory_space<vmem>>, vector<1x16xf32>,
    %broadcast_in_dim3A_86 = arith.constant 0.000000e+00 : f32
    %broadcast_in_dim3A_87 = vector.broadcast %broadcast_in_dim3A_86 : f32 to vector<16xf32>
    %swap3A_88 = arith.constant 2 : i32
    %swap3A_89 = arith.index_cast %swap3A_88 : i32 to index
    %swap3A_90 = arith.constant 48 : index
    %swap3A_91 = tpu.vector_load %arg8[%swap3A_89, %swap3A_90] {strides = array<i32>} : memref<128x64xf32, #tpu.memory_space<vmem>>, vector<1x16xf32>,
    %swap3A_92 = vector.shape_cast %swap3A_91 : vector<1x16xf32> to vector<16xf32>
    %swap3A_93 = vector.shape_cast %broadcast_in_dim3A_87 : vector<16xf32> to vector<1x16xf32>
    tpu.vector_store %arg8[%swap3A_89, %swap3A_90], %swap3A_93 {strides = array<i32>} : memref<128x64xf32, #tpu.memory_space<vmem>>, vector<1x16xf32>,
    %broadcast_in_dim3A_94 = arith.constant 0.000000e+00 : f32
    %broadcast_in_dim3A_95 = vector.broadcast %broadcast_in_dim3A_94 : f32 to vector<16xf32>
    %swap3A_96 = arith.constant 3 : i32
    %swap3A_97 = arith.index_cast %swap3A_96 : i32 to index
    %swap3A_98 = arith.constant 0 : index
    %swap3A_99 = tpu.vector_load %arg8[%swap3A_97, %swap3A_98] {strides = array<i32>} : memref<128x64xf32, #tpu.memory_space<vmem>>, vector<1x16xf32>,
    %swap3A_100 = vector.shape_cast %swap3A_99 : vector<1x16xf32> to vector<16xf32>
    %swap3A_101 = vector.shape_cast %broadcast_in_dim3A_95 : vector<16xf32> to vector<1x16xf32>
    tpu.vector_store %arg8[%swap3A_97, %swap3A_98], %swap3A_101 {strides = array<i32>} : memref<128x64xf32, #tpu.memory_space<vmem>>, vector<1x16xf32>,
    %broadcast_in_dim3A_102 = arith.constant 0.000000e+00 : f32
    %broadcast_in_dim3A_103 = vector.broadcast %broadcast_in_dim3A_102 : f32 to vector<16xf32>
    %swap3A_104 = arith.constant 3 : i32
    %swap3A_105 = arith.index_cast %swap3A_104 : i32 to index
    %swap3A_106 = arith.constant 16 : index
    %swap3A_107 = tpu.vector_load %arg8[%swap3A_105, %swap3A_106] {strides = array<i32>} : memref<128x64xf32, #tpu.memory_space<vmem>>, vector<1x16xf32>,
    %swap3A_108 = vector.shape_cast %swap3A_107 : vector<1x16xf32> to vector<16xf32>
    %swap3A_109 = vector.shape_cast %broadcast_in_dim3A_103 : vector<16xf32> to vector<1x16xf32>
    tpu.vector_store %arg8[%swap3A_105, %swap3A_106], %swap3A_109 {strides = array<i32>} : memref<128x64xf32, #tpu.memory_space<vmem>>, vector<1x16xf32>,
    %broadcast_in_dim3A_110 = arith.constant 0.000000e+00 : f32
    %broadcast_in_dim3A_111 = vector.broadcast %broadcast_in_dim3A_110 : f32 to vector<16xf32>
    %swap3A_112 = arith.constant 3 : i32
    %swap3A_113 = arith.index_cast %swap3A_112 : i32 to index
    %swap3A_114 = arith.constant 32 : index
    %swap3A_115 = tpu.vector_load %arg8[%swap3A_113, %swap3A_114] {strides = array<i32>} : memref<128x64xf32, #tpu.memory_space<vmem>>, vector<1x16xf32>,
    %swap3A_116 = vector.shape_cast %swap3A_115 : vector<1x16xf32> to vector<16xf32>
    %swap3A_117 = vector.shape_cast %broadcast_in_dim3A_111 : vector<16xf32> to vector<1x16xf32>
    tpu.vector_store %arg8[%swap3A_113, %swap3A_114], %swap3A_117 {strides = array<i32>} : memref<128x64xf32, #tpu.memory_space<vmem>>, vector<1x16xf32>,
    %broadcast_in_dim3A_118 = arith.constant 0.000000e+00 : f32
    %broadcast_in_dim3A_119 = vector.broadcast %broadcast_in_dim3A_118 : f32 to vector<16xf32>
    %swap3A_120 = arith.constant 3 : i32
    %swap3A_121 = arith.index_cast %swap3A_120 : i32 to index
    %swap3A_122 = arith.constant 48 : index
    %swap3A_123 = tpu.vector_load %arg8[%swap3A_121, %swap3A_122] {strides = array<i32>} : memref<128x64xf32, #tpu.memory_space<vmem>>, vector<1x16xf32>,
    %swap3A_124 = vector.shape_cast %swap3A_123 : vector<1x16xf32> to vector<16xf32>
    %swap3A_125 = vector.shape_cast %broadcast_in_dim3A_119 : vector<16xf32> to vector<1x16xf32>
    tpu.vector_store %arg8[%swap3A_121, %swap3A_122], %swap3A_125 {strides = array<i32>} : memref<128x64xf32, #tpu.memory_space<vmem>>, vector<1x16xf32>,
    %broadcast_in_dim3A_126 = arith.constant 0.000000e+00 : f32
    %broadcast_in_dim3A_127 = vector.broadcast %broadcast_in_dim3A_126 : f32 to vector<16xf32>
    %swap3A_128 = arith.constant 4 : i32
    %swap3A_129 = arith.index_cast %swap3A_128 : i32 to index
    %swap3A_130 = arith.constant 0 : index
    %swap3A_131 = tpu.vector_load %arg8[%swap3A_129, %swap3A_130] {strides = array<i32>} : memref<128x64xf32, #tpu.memory_space<vmem>>, vector<1x16xf32>,
    %swap3A_132 = vector.shape_cast %swap3A_131 : vector<1x16xf32> to vector<16xf32>
    %swap3A_133 = vector.shape_cast %broadcast_in_dim3A_127 : vector<16xf32> to vector<1x16xf32>
    tpu.vector_store %arg8[%swap3A_129, %swap3A_130], %swap3A_133 {strides = array<i32>} : memref<128x64xf32, #tpu.memory_space<vmem>>, vector<1x16xf32>,
    %broadcast_in_dim3A_134 = arith.constant 0.000000e+00 : f32
    %broadcast_in_dim3A_135 = vector.broadcast %broadcast_in_dim3A_134 : f32 to vector<16xf32>
    %swap3A_136 = arith.constant 4 : i32
    %swap3A_137 = arith.index_cast %swap3A_136 : i32 to index
    %swap3A_138 = arith.constant 16 : index
    %swap3A_139 = tpu.vector_load %arg8[%swap3A_137, %swap3A_138] {strides = array<i32>} : memref<128x64xf32, #tpu.memory_space<vmem>>, vector<1x16xf32>,
    %swap3A_140 = vector.shape_cast %swap3A_139 : vector<1x16xf32> to vector<16xf32>
    %swap3A_141 = vector.shape_cast %broadcast_in_dim3A_135 : vector<16xf32> to vector<1x16xf32>
    tpu.vector_store %arg8[%swap3A_137, %swap3A_138], %swap3A_141 {strides = array<i32>} : memref<128x64xf32, #tpu.memory_space<vmem>>, vector<1x16xf32>,
    %broadcast_in_dim3A_142 = arith.constant 0.000000e+00 : f32
    %broadcast_in_dim3A_143 = vector.broadcast %broadcast_in_dim3A_142 : f32 to vector<16xf32>
    %swap3A_144 = arith.constant 4 : i32
    %swap3A_145 = arith.index_cast %swap3A_144 : i32 to index
    %swap3A_146 = arith.constant 32 : index
    %swap3A_147 = tpu.vector_load %arg8[%swap3A_145, %swap3A_146] {strides = array<i32>} : memref<128x64xf32, #tpu.memory_space<vmem>>, vector<1x16xf32>,
    %swap3A_148 = vector.shape_cast %swap3A_147 : vector<1x16xf32> to vector<16xf32>
    %swap3A_149 = vector.shape_cast %broadcast_in_dim3A_143 : vector<16xf32> to vector<1x16xf32>
    tpu.vector_store %arg8[%swap3A_145, %swap3A_146], %swap3A_149 {strides = array<i32>} : memref<128x64xf32, #tpu.memory_space<vmem>>, vector<1x16xf32>,
    %broadcast_in_dim3A_150 = arith.constant 0.000000e+00 : f32
    %broadcast_in_dim3A_151 = vector.broadcast %broadcast_in_dim3A_150 : f32 to vector<16xf32>
    %swap3A_152 = arith.constant 4 : i32
    %swap3A_153 = arith.index_cast %swap3A_152 : i32 to index
    %swap3A_154 = arith.constant 48 : index
    %swap3A_155 = tpu.vector_load %arg8[%swap3A_153, %swap3A_154] {strides = array<i32>} : memref<128x64xf32, #tpu.memory_space<vmem>>, vector<1x16xf32>,
    %swap3A_156 = vector.shape_cast %swap3A_155 : vector<1x16xf32> to vector<16xf32>
    %swap3A_157 = vector.shape_cast %broadcast_in_dim3A_151 : vector<16xf32> to vector<1x16xf32>
    tpu.vector_store %arg8[%swap3A_153, %swap3A_154], %swap3A_157 {strides = array<i32>} : memref<128x64xf32, #tpu.memory_space<vmem>>, vector<1x16xf32>,
    %broadcast_in_dim3A_158 = arith.constant 0.000000e+00 : f32
    %broadcast_in_dim3A_159 = vector.broadcast %broadcast_in_dim3A_158 : f32 to vector<16xf32>
    %swap3A_160 = arith.constant 5 : i32
    %swap3A_161 = arith.index_cast %swap3A_160 : i32 to index
    %swap3A_162 = arith.constant 0 : index
    %swap3A_163 = tpu.vector_load %arg8[%swap3A_161, %swap3A_162] {strides = array<i32>} : memref<128x64xf32, #tpu.memory_space<vmem>>, vector<1x16xf32>,
    %swap3A_164 = vector.shape_cast %swap3A_163 : vector<1x16xf32> to vector<16xf32>
    %swap3A_165 = vector.shape_cast %broadcast_in_dim3A_159 : vector<16xf32> to vector<1x16xf32>
    tpu.vector_store %arg8[%swap3A_161, %swap3A_162], %swap3A_165 {strides = array<i32>} : memref<128x64xf32, #tpu.memory_space<vmem>>, vector<1x16xf32>,
    %broadcast_in_dim3A_166 = arith.constant 0.000000e+00 : f32
    %broadcast_in_dim3A_167 = vector.broadcast %broadcast_in_dim3A_166 : f32 to vector<16xf32>
    %swap3A_168 = arith.constant 5 : i32
    %swap3A_169 = arith.index_cast %swap3A_168 : i32 to index
    %swap3A_170 = arith.constant 16 : index
    %swap3A_171 = tpu.vector_load %arg8[%swap3A_169, %swap3A_170] {strides = array<i32>} : memref<128x64xf32, #tpu.memory_space<vmem>>, vector<1x16xf32>,
    %swap3A_172 = vector.shape_cast %swap3A_171 : vector<1x16xf32> to vector<16xf32>
    %swap3A_173 = vector.shape_cast %broadcast_in_dim3A_167 : vector<16xf32> to vector<1x16xf32>
    tpu.vector_store %arg8[%swap3A_169, %swap3A_170], %swap3A_173 {strides = array<i32>} : memref<128x64xf32, #tpu.memory_space<vmem>>, vector<1x16xf32>,
    %broadcast_in_dim3A_174 = arith.constant 0.000000e+00 : f32
    %broadcast_in_dim3A_175 = vector.broadcast %broadcast_in_dim3A_174 : f32 to vector<16xf32>
    %swap3A_176 = arith.constant 5 : i32
    %swap3A_177 = arith.index_cast %swap3A_176 : i32 to index
    %swap3A_178 = arith.constant 32 : index
    %swap3A_179 = tpu.vector_load %arg8[%swap3A_177, %swap3A_178] {strides = array<i32>} : memref<128x64xf32, #tpu.memory_space<vmem>>, vector<1x16xf32>,
    %swap3A_180 = vector.shape_cast %swap3A_179 : vector<1x16xf32> to vector<16xf32>
    %swap3A_181 = vector.shape_cast %broadcast_in_dim3A_175 : vector<16xf32> to vector<1x16xf32>
    tpu.vector_store %arg8[%swap3A_177, %swap3A_178], %swap3A_181 {strides = array<i32>} : memref<128x64xf32, #tpu.memory_space<vmem>>, vector<1x16xf32>,
    %broadcast_in_dim3A_182 = arith.constant 0.000000e+00 : f32
    %broadcast_in_dim3A_183 = vector.broadcast %broadcast_in_dim3A_182 : f32 to vector<16xf32>
    %swap3A_184 = arith.constant 5 : i32
    %swap3A_185 = arith.index_cast %swap3A_184 : i32 to index
    %swap3A_186 = arith.constant 48 : index
    %swap3A_187 = tpu.vector_load %arg8[%swap3A_185, %swap3A_186] {strides = array<i32>} : memref<128x64xf32, #tpu.memory_space<vmem>>, vector<1x16xf32>,
    %swap3A_188 = vector.shape_cast %swap3A_187 : vector<1x16xf32> to vector<16xf32>
    %swap3A_189 = vector.shape_cast %broadcast_in_dim3A_183 : vector<16xf32> to vector<1x16xf32>
    tpu.vector_store %arg8[%swap3A_185, %swap3A_186], %swap3A_189 {strides = array<i32>} : memref<128x64xf32, #tpu.memory_space<vmem>>, vector<1x16xf32>,
    %broadcast_in_dim3A_190 = arith.constant 0.000000e+00 : f32
    %broadcast_in_dim3A_191 = vector.broadcast %broadcast_in_dim3A_190 : f32 to vector<16xf32>
    %swap3A_192 = arith.constant 6 : i32
    %swap3A_193 = arith.index_cast %swap3A_192 : i32 to index
    %swap3A_194 = arith.constant 0 : index
    %swap3A_195 = tpu.vector_load %arg8[%swap3A_193, %swap3A_194] {strides = array<i32>} : memref<128x64xf32, #tpu.memory_space<vmem>>, vector<1x16xf32>,
    %swap3A_196 = vector.shape_cast %swap3A_195 : vector<1x16xf32> to vector<16xf32>
    %swap3A_197 = vector.shape_cast %broadcast_in_dim3A_191 : vector<16xf32> to vector<1x16xf32>
    tpu.vector_store %arg8[%swap3A_193, %swap3A_194], %swap3A_197 {strides = array<i32>} : memref<128x64xf32, #tpu.memory_space<vmem>>, vector<1x16xf32>,
    %broadcast_in_dim3A_198 = arith.constant 0.000000e+00 : f32
    %broadcast_in_dim3A_199 = vector.broadcast %broadcast_in_dim3A_198 : f32 to vector<16xf32>
    %swap3A_200 = arith.constant 6 : i32
    %swap3A_201 = arith.index_cast %swap3A_200 : i32 to index
    %swap3A_202 = arith.constant 16 : index
    %swap3A_203 = tpu.vector_load %arg8[%swap3A_201, %swap3A_202] {strides = array<i32>} : memref<128x64xf32, #tpu.memory_space<vmem>>, vector<1x16xf32>,
    %swap3A_204 = vector.shape_cast %swap3A_203 : vector<1x16xf32> to vector<16xf32>
    %swap3A_205 = vector.shape_cast %broadcast_in_dim3A_199 : vector<16xf32> to vector<1x16xf32>
    tpu.vector_store %arg8[%swap3A_201, %swap3A_202], %swap3A_205 {strides = array<i32>} : memref<128x64xf32, #tpu.memory_space<vmem>>, vector<1x16xf32>,
    %broadcast_in_dim3A_206 = arith.constant 0.000000e+00 : f32
    %broadcast_in_dim3A_207 = vector.broadcast %broadcast_in_dim3A_206 : f32 to vector<16xf32>
    %swap3A_208 = arith.constant 6 : i32
    %swap3A_209 = arith.index_cast %swap3A_208 : i32 to index
    %swap3A_210 = arith.constant 32 : index
    %swap3A_211 = tpu.vector_load %arg8[%swap3A_209, %swap3A_210] {strides = array<i32>} : memref<128x64xf32, #tpu.memory_space<vmem>>, vector<1x16xf32>,
    %swap3A_212 = vector.shape_cast %swap3A_211 : vector<1x16xf32> to vector<16xf32>
    %swap3A_213 = vector.shape_cast %broadcast_in_dim3A_207 : vector<16xf32> to vector<1x16xf32>
    tpu.vector_store %arg8[%swap3A_209, %swap3A_210], %swap3A_213 {strides = array<i32>} : memref<128x64xf32, #tpu.memory_space<vmem>>, vector<1x16xf32>,
    %broadcast_in_dim3A_214 = arith.constant 0.000000e+00 : f32
    %broadcast_in_dim3A_215 = vector.broadcast %broadcast_in_dim3A_214 : f32 to vector<16xf32>
    %swap3A_216 = arith.constant 6 : i32
    %swap3A_217 = arith.index_cast %swap3A_216 : i32 to index
    %swap3A_218 = arith.constant 48 : index
    %swap3A_219 = tpu.vector_load %arg8[%swap3A_217, %swap3A_218] {strides = array<i32>} : memref<128x64xf32, #tpu.memory_space<vmem>>, vector<1x16xf32>,
    %swap3A_220 = vector.shape_cast %swap3A_219 : vector<1x16xf32> to vector<16xf32>
    %swap3A_221 = vector.shape_cast %broadcast_in_dim3A_215 : vector<16xf32> to vector<1x16xf32>
    tpu.vector_store %arg8[%swap3A_217, %swap3A_218], %swap3A_221 {strides = array<i32>} : memref<128x64xf32, #tpu.memory_space<vmem>>, vector<1x16xf32>,
    %broadcast_in_dim3A_222 = arith.constant 0.000000e+00 : f32
    %broadcast_in_dim3A_223 = vector.broadcast %broadcast_in_dim3A_222 : f32 to vector<16xf32>
    %swap3A_224 = arith.constant 7 : i32
    %swap3A_225 = arith.index_cast %swap3A_224 : i32 to index
    %swap3A_226 = arith.constant 0 : index
    %swap3A_227 = tpu.vector_load %arg8[%swap3A_225, %swap3A_226] {strides = array<i32>} : memref<128x64xf32, #tpu.memory_space<vmem>>, vector<1x16xf32>,
    %swap3A_228 = vector.shape_cast %swap3A_227 : vector<1x16xf32> to vector<16xf32>
    %swap3A_229 = vector.shape_cast %broadcast_in_dim3A_223 : vector<16xf32> to vector<1x16xf32>
    tpu.vector_store %arg8[%swap3A_225, %swap3A_226], %swap3A_229 {strides = array<i32>} : memref<128x64xf32, #tpu.memory_space<vmem>>, vector<1x16xf32>,
    %broadcast_in_dim3A_230 = arith.constant 0.000000e+00 : f32
    %broadcast_in_dim3A_231 = vector.broadcast %broadcast_in_dim3A_230 : f32 to vector<16xf32>
    %swap3A_232 = arith.constant 7 : i32
    %swap3A_233 = arith.index_cast %swap3A_232 : i32 to index
    %swap3A_234 = arith.constant 16 : index
    %swap3A_235 = tpu.vector_load %arg8[%swap3A_233, %swap3A_234] {strides = array<i32>} : memref<128x64xf32, #tpu.memory_space<vmem>>, vector<1x16xf32>,
    %swap3A_236 = vector.shape_cast %swap3A_235 : vector<1x16xf32> to vector<16xf32>
    %swap3A_237 = vector.shape_cast %broadcast_in_dim3A_231 : vector<16xf32> to vector<1x16xf32>
    tpu.vector_store %arg8[%swap3A_233, %swap3A_234], %swap3A_237 {strides = array<i32>} : memref<128x64xf32, #tpu.memory_space<vmem>>, vector<1x16xf32>,
    %broadcast_in_dim3A_238 = arith.constant 0.000000e+00 : f32
    %broadcast_in_dim3A_239 = vector.broadcast %broadcast_in_dim3A_238 : f32 to vector<16xf32>
    %swap3A_240 = arith.constant 7 : i32
    %swap3A_241 = arith.index_cast %swap3A_240 : i32 to index
    %swap3A_242 = arith.constant 32 : index
    %swap3A_243 = tpu.vector_load %arg8[%swap3A_241, %swap3A_242] {strides = array<i32>} : memref<128x64xf32, #tpu.memory_space<vmem>>, vector<1x16xf32>,
    %swap3A_244 = vector.shape_cast %swap3A_243 : vector<1x16xf32> to vector<16xf32>
    %swap3A_245 = vector.shape_cast %broadcast_in_dim3A_239 : vector<16xf32> to vector<1x16xf32>
    tpu.vector_store %arg8[%swap3A_241, %swap3A_242], %swap3A_245 {strides = array<i32>} : memref<128x64xf32, #tpu.memory_space<vmem>>, vector<1x16xf32>,
    %broadcast_in_dim3A_246 = arith.constant 0.000000e+00 : f32
    %broadcast_in_dim3A_247 = vector.broadcast %broadcast_in_dim3A_246 : f32 to vector<16xf32>
    %swap3A_248 = arith.constant 7 : i32
    %swap3A_249 = arith.index_cast %swap3A_248 : i32 to index
    %swap3A_250 = arith.constant 48 : index
    %swap3A_251 = tpu.vector_load %arg8[%swap3A_249, %swap3A_250] {strides = array<i32>} : memref<128x64xf32, #tpu.memory_space<vmem>>, vector<1x16xf32>,
    %swap3A_252 = vector.shape_cast %swap3A_251 : vector<1x16xf32> to vector<16xf32>
    %swap3A_253 = vector.shape_cast %broadcast_in_dim3A_247 : vector<16xf32> to vector<1x16xf32>
    tpu.vector_store %arg8[%swap3A_249, %swap3A_250], %swap3A_253 {strides = array<i32>} : memref<128x64xf32, #tpu.memory_space<vmem>>, vector<1x16xf32>,
    %broadcast_in_dim3A_254 = arith.constant 0.000000e+00 : f32
    %broadcast_in_dim3A_255 = vector.broadcast %broadcast_in_dim3A_254 : f32 to vector<16xf32>
    %swap3A_256 = arith.constant 8 : i32
    %swap3A_257 = arith.index_cast %swap3A_256 : i32 to index
    %swap3A_258 = arith.constant 0 : index
    %swap3A_259 = tpu.vector_load %arg8[%swap3A_257, %swap3A_258] {strides = array<i32>} : memref<128x64xf32, #tpu.memory_space<vmem>>, vector<1x16xf32>,
    %swap3A_260 = vector.shape_cast %swap3A_259 : vector<1x16xf32> to vector<16xf32>
    %swap3A_261 = vector.shape_cast %broadcast_in_dim3A_255 : vector<16xf32> to vector<1x16xf32>
    tpu.vector_store %arg8[%swap3A_257, %swap3A_258], %swap3A_261 {strides = array<i32>} : memref<128x64xf32, #tpu.memory_space<vmem>>, vector<1x16xf32>,
    %broadcast_in_dim3A_262 = arith.constant 0.000000e+00 : f32
    %broadcast_in_dim3A_263 = vector.broadcast %broadcast_in_dim3A_262 : f32 to vector<16xf32>
    %swap3A_264 = arith.constant 8 : i32
    %swap3A_265 = arith.index_cast %swap3A_264 : i32 to index
    %swap3A_266 = arith.constant 16 : index
    %swap3A_267 = tpu.vector_load %arg8[%swap3A_265, %swap3A_266] {strides = array<i32>} : memref<128x64xf32, #tpu.memory_space<vmem>>, vector<1x16xf32>,
    %swap3A_268 = vector.shape_cast %swap3A_267 : vector<1x16xf32> to vector<16xf32>
    %swap3A_269 = vector.shape_cast %broadcast_in_dim3A_263 : vector<16xf32> to vector<1x16xf32>
    tpu.vector_store %arg8[%swap3A_265, %swap3A_266], %swap3A_269 {strides = array<i32>} : memref<128x64xf32, #tpu.memory_space<vmem>>, vector<1x16xf32>,
    %broadcast_in_dim3A_270 = arith.constant 0.000000e+00 : f32
    %broadcast_in_dim3A_271 = vector.broadcast %broadcast_in_dim3A_270 : f32 to vector<16xf32>
    %swap3A_272 = arith.constant 8 : i32
    %swap3A_273 = arith.index_cast %swap3A_272 : i32 to index
    %swap3A_274 = arith.constant 32 : index
    %swap3A_275 = tpu.vector_load %arg8[%swap3A_273, %swap3A_274] {strides = array<i32>} : memref<128x64xf32, #tpu.memory_space<vmem>>, vector<1x16xf32>,
    %swap3A_276 = vector.shape_cast %swap3A_275 : vector<1x16xf32> to vector<16xf32>
    %swap3A_277 = vector.shape_cast %broadcast_in_dim3A_271 : vector<16xf32> to vector<1x16xf32>
    tpu.vector_store %arg8[%swap3A_273, %swap3A_274], %swap3A_277 {strides = array<i32>} : memref<128x64xf32, #tpu.memory_space<vmem>>, vector<1x16xf32>,
    %broadcast_in_dim3A_278 = arith.constant 0.000000e+00 : f32
    %broadcast_in_dim3A_279 = vector.broadcast %broadcast_in_dim3A_278 : f32 to vector<16xf32>
    %swap3A_280 = arith.constant 8 : i32
    %swap3A_281 = arith.index_cast %swap3A_280 : i32 to index
    %swap3A_282 = arith.constant 48 : index
    %swap3A_283 = tpu.vector_load %arg8[%swap3A_281, %swap3A_282] {strides = array<i32>} : memref<128x64xf32, #tpu.memory_space<vmem>>, vector<1x16xf32>,
    %swap3A_284 = vector.shape_cast %swap3A_283 : vector<1x16xf32> to vector<16xf32>
    %swap3A_285 = vector.shape_cast %broadcast_in_dim3A_279 : vector<16xf32> to vector<1x16xf32>
    tpu.vector_store %arg8[%swap3A_281, %swap3A_282], %swap3A_285 {strides = array<i32>} : memref<128x64xf32, #tpu.memory_space<vmem>>, vector<1x16xf32>,
    %broadcast_in_dim3A_286 = arith.constant 0.000000e+00 : f32
    %broadcast_in_dim3A_287 = vector.broadcast %broadcast_in_dim3A_286 : f32 to vector<16xf32>
    %swap3A_288 = arith.constant 9 : i32
    %swap3A_289 = arith.index_cast %swap3A_288 : i32 to index
    %swap3A_290 = arith.constant 0 : index
    %swap3A_291 = tpu.vector_load %arg8[%swap3A_289, %swap3A_290] {strides = array<i32>} : memref<128x64xf32, #tpu.memory_space<vmem>>, vector<1x16xf32>,
    %swap3A_292 = vector.shape_cast %swap3A_291 : vector<1x16xf32> to vector<16xf32>
    %swap3A_293 = vector.shape_cast %broadcast_in_dim3A_287 : vector<16xf32> to vector<1x16xf32>
    tpu.vector_store %arg8[%swap3A_289, %swap3A_290], %swap3A_293 {strides = array<i32>} : memref<128x64xf32, #tpu.memory_space<vmem>>, vector<1x16xf32>,
    %broadcast_in_dim3A_294 = arith.constant 0.000000e+00 : f32
    %broadcast_in_dim3A_295 = vector.broadcast %broadcast_in_dim3A_294 : f32 to vector<16xf32>
    %swap3A_296 = arith.constant 9 : i32
    %swap3A_297 = arith.index_cast %swap3A_296 : i32 to index
    %swap3A_298 = arith.constant 16 : index
    %swap3A_299 = tpu.vector_load %arg8[%swap3A_297, %swap3A_298] {strides = array<i32>} : memref<128x64xf32, #tpu.memory_space<vmem>>, vector<1x16xf32>,
    %swap3A_300 = vector.shape_cast %swap3A_299 : vector<1x16xf32> to vector<16xf32>
    %swap3A_301 = vector.shape_cast %broadcast_in_dim3A_295 : vector<16xf32> to vector<1x16xf32>
    tpu.vector_store %arg8[%swap3A_297, %swap3A_298], %swap3A_301 {strides = array<i32>} : memref<128x64xf32, #tpu.memory_space<vmem>>, vector<1x16xf32>,
    %broadcast_in_dim3A_302 = arith.constant 0.000000e+00 : f32
    %broadcast_in_dim3A_303 = vector.broadcast %broadcast_in_dim3A_302 : f32 to vector<16xf32>
    %swap3A_304 = arith.constant 9 : i32
    %swap3A_305 = arith.index_cast %swap3A_304 : i32 to index
    %swap3A_306 = arith.constant 32 : index
    %swap3A_307 = tpu.vector_load %arg8[%swap3A_305, %swap3A_306] {strides = array<i32>} : memref<128x64xf32, #tpu.memory_space<vmem>>, vector<1x16xf32>,
    %swap3A_308 = vector.shape_cast %swap3A_307 : vector<1x16xf32> to vector<16xf32>
    %swap3A_309 = vector.shape_cast %broadcast_in_dim3A_303 : vector<16xf32> to vector<1x16xf32>
    tpu.vector_store %arg8[%swap3A_305, %swap3A_306], %swap3A_309 {strides = array<i32>} : memref<128x64xf32, #tpu.memory_space<vmem>>, vector<1x16xf32>,
    %broadcast_in_dim3A_310 = arith.constant 0.000000e+00 : f32
    %broadcast_in_dim3A_311 = vector.broadcast %broadcast_in_dim3A_310 : f32 to vector<16xf32>
    %swap3A_312 = arith.constant 9 : i32
    %swap3A_313 = arith.index_cast %swap3A_312 : i32 to index
    %swap3A_314 = arith.constant 48 : index
    %swap3A_315 = tpu.vector_load %arg8[%swap3A_313, %swap3A_314] {strides = array<i32>} : memref<128x64xf32, #tpu.memory_space<vmem>>, vector<1x16xf32>,
    %swap3A_316 = vector.shape_cast %swap3A_315 : vector<1x16xf32> to vector<16xf32>
    %swap3A_317 = vector.shape_cast %broadcast_in_dim3A_311 : vector<16xf32> to vector<1x16xf32>
    tpu.vector_store %arg8[%swap3A_313, %swap3A_314], %swap3A_317 {strides = array<i32>} : memref<128x64xf32, #tpu.memory_space<vmem>>, vector<1x16xf32>,
    %broadcast_in_dim3A_318 = arith.constant 0.000000e+00 : f32
    %broadcast_in_dim3A_319 = vector.broadcast %broadcast_in_dim3A_318 : f32 to vector<16xf32>
    %swap3A_320 = arith.constant 10 : i32
    %swap3A_321 = arith.index_cast %swap3A_320 : i32 to index
    %swap3A_322 = arith.constant 0 : index
    %swap3A_323 = tpu.vector_load %arg8[%swap3A_321, %swap3A_322] {strides = array<i32>} : memref<128x64xf32, #tpu.memory_space<vmem>>, vector<1x16xf32>,
    %swap3A_324 = vector.shape_cast %swap3A_323 : vector<1x16xf32> to vector<16xf32>
    %swap3A_325 = vector.shape_cast %broadcast_in_dim3A_319 : vector<16xf32> to vector<1x16xf32>
    tpu.vector_store %arg8[%swap3A_321, %swap3A_322], %swap3A_325 {strides = array<i32>} : memref<128x64xf32, #tpu.memory_space<vmem>>, vector<1x16xf32>,
    %broadcast_in_dim3A_326 = arith.constant 0.000000e+00 : f32
    %broadcast_in_dim3A_327 = vector.broadcast %broadcast_in_dim3A_326 : f32 to vector<16xf32>
    %swap3A_328 = arith.constant 10 : i32
    %swap3A_329 = arith.index_cast %swap3A_328 : i32 to index
    %swap3A_330 = arith.constant 16 : index
    %swap3A_331 = tpu.vector_load %arg8[%swap3A_329, %swap3A_330] {strides = array<i32>} : memref<128x64xf32, #tpu.memory_space<vmem>>, vector<1x16xf32>,
    %swap3A_332 = vector.shape_cast %swap3A_331 : vector<1x16xf32> to vector<16xf32>
    %swap3A_333 = vector.shape_cast %broadcast_in_dim3A_327 : vector<16xf32> to vector<1x16xf32>
    tpu.vector_store %arg8[%swap3A_329, %swap3A_330], %swap3A_333 {strides = array<i32>} : memref<128x64xf32, #tpu.memory_space<vmem>>, vector<1x16xf32>,
    %broadcast_in_dim3A_334 = arith.constant 0.000000e+00 : f32
    %broadcast_in_dim3A_335 = vector.broadcast %broadcast_in_dim3A_334 : f32 to vector<16xf32>
    %swap3A_336 = arith.constant 10 : i32
    %swap3A_337 = arith.index_cast %swap3A_336 : i32 to index
    %swap3A_338 = arith.constant 32 : index
    %swap3A_339 = tpu.vector_load %arg8[%swap3A_337, %swap3A_338] {strides = array<i32>} : memref<128x64xf32, #tpu.memory_space<vmem>>, vector<1x16xf32>,
    %swap3A_340 = vector.shape_cast %swap3A_339 : vector<1x16xf32> to vector<16xf32>
    %swap3A_341 = vector.shape_cast %broadcast_in_dim3A_335 : vector<16xf32> to vector<1x16xf32>
    tpu.vector_store %arg8[%swap3A_337, %swap3A_338], %swap3A_341 {strides = array<i32>} : memref<128x64xf32, #tpu.memory_space<vmem>>, vector<1x16xf32>,
    %broadcast_in_dim3A_342 = arith.constant 0.000000e+00 : f32
    %broadcast_in_dim3A_343 = vector.broadcast %broadcast_in_dim3A_342 : f32 to vector<16xf32>
    %swap3A_344 = arith.constant 10 : i32
    %swap3A_345 = arith.index_cast %swap3A_344 : i32 to index
    %swap3A_346 = arith.constant 48 : index
    %swap3A_347 = tpu.vector_load %arg8[%swap3A_345, %swap3A_346] {strides = array<i32>} : memref<128x64xf32, #tpu.memory_space<vmem>>, vector<1x16xf32>,
    %swap3A_348 = vector.shape_cast %swap3A_347 : vector<1x16xf32> to vector<16xf32>
    %swap3A_349 = vector.shape_cast %broadcast_in_dim3A_343 : vector<16xf32> to vector<1x16xf32>
    tpu.vector_store %arg8[%swap3A_345, %swap3A_346], %swap3A_349 {strides = array<i32>} : memref<128x64xf32, #tpu.memory_space<vmem>>, vector<1x16xf32>,
    %broadcast_in_dim3A_350 = arith.constant 0.000000e+00 : f32
    %broadcast_in_dim3A_351 = vector.broadcast %broadcast_in_dim3A_350 : f32 to vector<16xf32>
    %swap3A_352 = arith.constant 11 : i32
    %swap3A_353 = arith.index_cast %swap3A_352 : i32 to index
    %swap3A_354 = arith.constant 0 : index
    %swap3A_355 = tpu.vector_load %arg8[%swap3A_353, %swap3A_354] {strides = array<i32>} : memref<128x64xf32, #tpu.memory_space<vmem>>, vector<1x16xf32>,
    %swap3A_356 = vector.shape_cast %swap3A_355 : vector<1x16xf32> to vector<16xf32>
    %swap3A_357 = vector.shape_cast %broadcast_in_dim3A_351 : vector<16xf32> to vector<1x16xf32>
    tpu.vector_store %arg8[%swap3A_353, %swap3A_354], %swap3A_357 {strides = array<i32>} : memref<128x64xf32, #tpu.memory_space<vmem>>, vector<1x16xf32>,
    %broadcast_in_dim3A_358 = arith.constant 0.000000e+00 : f32
    %broadcast_in_dim3A_359 = vector.broadcast %broadcast_in_dim3A_358 : f32 to vector<16xf32>
    %swap3A_360 = arith.constant 11 : i32
    %swap3A_361 = arith.index_cast %swap3A_360 : i32 to index
    %swap3A_362 = arith.constant 16 : index
    %swap3A_363 = tpu.vector_load %arg8[%swap3A_361, %swap3A_362] {strides = array<i32>} : memref<128x64xf32, #tpu.memory_space<vmem>>, vector<1x16xf32>,
    %swap3A_364 = vector.shape_cast %swap3A_363 : vector<1x16xf32> to vector<16xf32>
    %swap3A_365 = vector.shape_cast %broadcast_in_dim3A_359 : vector<16xf32> to vector<1x16xf32>
    tpu.vector_store %arg8[%swap3A_361, %swap3A_362], %swap3A_365 {strides = array<i32>} : memref<128x64xf32, #tpu.memory_space<vmem>>, vector<1x16xf32>,
    %broadcast_in_dim3A_366 = arith.constant 0.000000e+00 : f32
    %broadcast_in_dim3A_367 = vector.broadcast %broadcast_in_dim3A_366 : f32 to vector<16xf32>
    %swap3A_368 = arith.constant 11 : i32
    %swap3A_369 = arith.index_cast %swap3A_368 : i32 to index
    %swap3A_370 = arith.constant 32 : index
    %swap3A_371 = tpu.vector_load %arg8[%swap3A_369, %swap3A_370] {strides = array<i32>} : memref<128x64xf32, #tpu.memory_space<vmem>>, vector<1x16xf32>,
    %swap3A_372 = vector.shape_cast %swap3A_371 : vector<1x16xf32> to vector<16xf32>
    %swap3A_373 = vector.shape_cast %broadcast_in_dim3A_367 : vector<16xf32> to vector<1x16xf32>
    tpu.vector_store %arg8[%swap3A_369, %swap3A_370], %swap3A_373 {strides = array<i32>} : memref<128x64xf32, #tpu.memory_space<vmem>>, vector<1x16xf32>,
    %broadcast_in_dim3A_374 = arith.constant 0.000000e+00 : f32
    %broadcast_in_dim3A_375 = vector.broadcast %broadcast_in_dim3A_374 : f32 to vector<16xf32>
    %swap3A_376 = arith.constant 11 : i32
    %swap3A_377 = arith.index_cast %swap3A_376 : i32 to index
    %swap3A_378 = arith.constant 48 : index
    %swap3A_379 = tpu.vector_load %arg8[%swap3A_377, %swap3A_378] {strides = array<i32>} : memref<128x64xf32, #tpu.memory_space<vmem>>, vector<1x16xf32>,
    %swap3A_380 = vector.shape_cast %swap3A_379 : vector<1x16xf32> to vector<16xf32>
    %swap3A_381 = vector.shape_cast %broadcast_in_dim3A_375 : vector<16xf32> to vector<1x16xf32>
    tpu.vector_store %arg8[%swap3A_377, %swap3A_378], %swap3A_381 {strides = array<i32>} : memref<128x64xf32, #tpu.memory_space<vmem>>, vector<1x16xf32>,
    %broadcast_in_dim3A_382 = arith.constant 0.000000e+00 : f32
    %broadcast_in_dim3A_383 = vector.broadcast %broadcast_in_dim3A_382 : f32 to vector<16xf32>
    %swap3A_384 = arith.constant 12 : i32
    %swap3A_385 = arith.index_cast %swap3A_384 : i32 to index
    %swap3A_386 = arith.constant 0 : index
    %swap3A_387 = tpu.vector_load %arg8[%swap3A_385, %swap3A_386] {strides = array<i32>} : memref<128x64xf32, #tpu.memory_space<vmem>>, vector<1x16xf32>,
    %swap3A_388 = vector.shape_cast %swap3A_387 : vector<1x16xf32> to vector<16xf32>
    %swap3A_389 = vector.shape_cast %broadcast_in_dim3A_383 : vector<16xf32> to vector<1x16xf32>
    tpu.vector_store %arg8[%swap3A_385, %swap3A_386], %swap3A_389 {strides = array<i32>} : memref<128x64xf32, #tpu.memory_space<vmem>>, vector<1x16xf32>,
    %broadcast_in_dim3A_390 = arith.constant 0.000000e+00 : f32
    %broadcast_in_dim3A_391 = vector.broadcast %broadcast_in_dim3A_390 : f32 to vector<16xf32>
    %swap3A_392 = arith.constant 12 : i32
    %swap3A_393 = arith.index_cast %swap3A_392 : i32 to index
    %swap3A_394 = arith.constant 16 : index
    %swap3A_395 = tpu.vector_load %arg8[%swap3A_393, %swap3A_394] {strides = array<i32>} : memref<128x64xf32, #tpu.memory_space<vmem>>, vector<1x16xf32>,
    %swap3A_396 = vector.shape_cast %swap3A_395 : vector<1x16xf32> to vector<16xf32>
    %swap3A_397 = vector.shape_cast %broadcast_in_dim3A_391 : vector<16xf32> to vector<1x16xf32>
    tpu.vector_store %arg8[%swap3A_393, %swap3A_394], %swap3A_397 {strides = array<i32>} : memref<128x64xf32, #tpu.memory_space<vmem>>, vector<1x16xf32>,
    %broadcast_in_dim3A_398 = arith.constant 0.000000e+00 : f32
    %broadcast_in_dim3A_399 = vector.broadcast %broadcast_in_dim3A_398 : f32 to vector<16xf32>
    %swap3A_400 = arith.constant 12 : i32
    %swap3A_401 = arith.index_cast %swap3A_400 : i32 to index
    %swap3A_402 = arith.constant 32 : index
    %swap3A_403 = tpu.vector_load %arg8[%swap3A_401, %swap3A_402] {strides = array<i32>} : memref<128x64xf32, #tpu.memory_space<vmem>>, vector<1x16xf32>,
    %swap3A_404 = vector.shape_cast %swap3A_403 : vector<1x16xf32> to vector<16xf32>
    %swap3A_405 = vector.shape_cast %broadcast_in_dim3A_399 : vector<16xf32> to vector<1x16xf32>
    tpu.vector_store %arg8[%swap3A_401, %swap3A_402], %swap3A_405 {strides = array<i32>} : memref<128x64xf32, #tpu.memory_space<vmem>>, vector<1x16xf32>,
    %broadcast_in_dim3A_406 = arith.constant 0.000000e+00 : f32
    %broadcast_in_dim3A_407 = vector.broadcast %broadcast_in_dim3A_406 : f32 to vector<16xf32>
    %swap3A_408 = arith.constant 12 : i32
    %swap3A_409 = arith.index_cast %swap3A_408 : i32 to index
    %swap3A_410 = arith.constant 48 : index
    %swap3A_411 = tpu.vector_load %arg8[%swap3A_409, %swap3A_410] {strides = array<i32>} : memref<128x64xf32, #tpu.memory_space<vmem>>, vector<1x16xf32>,
    %swap3A_412 = vector.shape_cast %swap3A_411 : vector<1x16xf32> to vector<16xf32>
    %swap3A_413 = vector.shape_cast %broadcast_in_dim3A_407 : vector<16xf32> to vector<1x16xf32>
    tpu.vector_store %arg8[%swap3A_409, %swap3A_410], %swap3A_413 {strides = array<i32>} : memref<128x64xf32, #tpu.memory_space<vmem>>, vector<1x16xf32>,
    %broadcast_in_dim3A_414 = arith.constant 0.000000e+00 : f32
    %broadcast_in_dim3A_415 = vector.broadcast %broadcast_in_dim3A_414 : f32 to vector<16xf32>
    %swap3A_416 = arith.constant 13 : i32
    %swap3A_417 = arith.index_cast %swap3A_416 : i32 to index
    %swap3A_418 = arith.constant 0 : index
    %swap3A_419 = tpu.vector_load %arg8[%swap3A_417, %swap3A_418] {strides = array<i32>} : memref<128x64xf32, #tpu.memory_space<vmem>>, vector<1x16xf32>,
    %swap3A_420 = vector.shape_cast %swap3A_419 : vector<1x16xf32> to vector<16xf32>
    %swap3A_421 = vector.shape_cast %broadcast_in_dim3A_415 : vector<16xf32> to vector<1x16xf32>
    tpu.vector_store %arg8[%swap3A_417, %swap3A_418], %swap3A_421 {strides = array<i32>} : memref<128x64xf32, #tpu.memory_space<vmem>>, vector<1x16xf32>,
    %broadcast_in_dim3A_422 = arith.constant 0.000000e+00 : f32
    %broadcast_in_dim3A_423 = vector.broadcast %broadcast_in_dim3A_422 : f32 to vector<16xf32>
    %swap3A_424 = arith.constant 13 : i32
    %swap3A_425 = arith.index_cast %swap3A_424 : i32 to index
    %swap3A_426 = arith.constant 16 : index
    %swap3A_427 = tpu.vector_load %arg8[%swap3A_425, %swap3A_426] {strides = array<i32>} : memref<128x64xf32, #tpu.memory_space<vmem>>, vector<1x16xf32>,
    %swap3A_428 = vector.shape_cast %swap3A_427 : vector<1x16xf32> to vector<16xf32>
    %swap3A_429 = vector.shape_cast %broadcast_in_dim3A_423 : vector<16xf32> to vector<1x16xf32>
    tpu.vector_store %arg8[%swap3A_425, %swap3A_426], %swap3A_429 {strides = array<i32>} : memref<128x64xf32, #tpu.memory_space<vmem>>, vector<1x16xf32>,
    %broadcast_in_dim3A_430 = arith.constant 0.000000e+00 : f32
    %broadcast_in_dim3A_431 = vector.broadcast %broadcast_in_dim3A_430 : f32 to vector<16xf32>
    %swap3A_432 = arith.constant 13 : i32
    %swap3A_433 = arith.index_cast %swap3A_432 : i32 to index
    %swap3A_434 = arith.constant 32 : index
    %swap3A_435 = tpu.vector_load %arg8[%swap3A_433, %swap3A_434] {strides = array<i32>} : memref<128x64xf32, #tpu.memory_space<vmem>>, vector<1x16xf32>,
    %swap3A_436 = vector.shape_cast %swap3A_435 : vector<1x16xf32> to vector<16xf32>
    %swap3A_437 = vector.shape_cast %broadcast_in_dim3A_431 : vector<16xf32> to vector<1x16xf32>
    tpu.vector_store %arg8[%swap3A_433, %swap3A_434], %swap3A_437 {strides = array<i32>} : memref<128x64xf32, #tpu.memory_space<vmem>>, vector<1x16xf32>,
    %broadcast_in_dim3A_438 = arith.constant 0.000000e+00 : f32
    %broadcast_in_dim3A_439 = vector.broadcast %broadcast_in_dim3A_438 : f32 to vector<16xf32>
    %swap3A_440 = arith.constant 13 : i32
    %swap3A_441 = arith.index_cast %swap3A_440 : i32 to index
    %swap3A_442 = arith.constant 48 : index
    %swap3A_443 = tpu.vector_load %arg8[%swap3A_441, %swap3A_442] {strides = array<i32>} : memref<128x64xf32, #tpu.memory_space<vmem>>, vector<1x16xf32>,
    %swap3A_444 = vector.shape_cast %swap3A_443 : vector<1x16xf32> to vector<16xf32>
    %swap3A_445 = vector.shape_cast %broadcast_in_dim3A_439 : vector<16xf32> to vector<1x16xf32>
    tpu.vector_store %arg8[%swap3A_441, %swap3A_442], %swap3A_445 {strides = array<i32>} : memref<128x64xf32, #tpu.memory_space<vmem>>, vector<1x16xf32>,
    %broadcast_in_dim3A_446 = arith.constant 0.000000e+00 : f32
    %broadcast_in_dim3A_447 = vector.broadcast %broadcast_in_dim3A_446 : f32 to vector<16xf32>
    %swap3A_448 = arith.constant 14 : i32
    %swap3A_449 = arith.index_cast %swap3A_448 : i32 to index
    %swap3A_450 = arith.constant 0 : index
    %swap3A_451 = tpu.vector_load %arg8[%swap3A_449, %swap3A_450] {strides = array<i32>} : memref<128x64xf32, #tpu.memory_space<vmem>>, vector<1x16xf32>,
    %swap3A_452 = vector.shape_cast %swap3A_451 : vector<1x16xf32> to vector<16xf32>
    %swap3A_453 = vector.shape_cast %broadcast_in_dim3A_447 : vector<16xf32> to vector<1x16xf32>
    tpu.vector_store %arg8[%swap3A_449, %swap3A_450], %swap3A_453 {strides = array<i32>} : memref<128x64xf32, #tpu.memory_space<vmem>>, vector<1x16xf32>,
    %broadcast_in_dim3A_454 = arith.constant 0.000000e+00 : f32
    %broadcast_in_dim3A_455 = vector.broadcast %broadcast_in_dim3A_454 : f32 to vector<16xf32>
    %swap3A_456 = arith.constant 14 : i32
    %swap3A_457 = arith.index_cast %swap3A_456 : i32 to index
    %swap3A_458 = arith.constant 16 : index
    %swap3A_459 = tpu.vector_load %arg8[%swap3A_457, %swap3A_458] {strides = array<i32>} : memref<128x64xf32, #tpu.memory_space<vmem>>, vector<1x16xf32>,
    %swap3A_460 = vector.shape_cast %swap3A_459 : vector<1x16xf32> to vector<16xf32>
    %swap3A_461 = vector.shape_cast %broadcast_in_dim3A_455 : vector<16xf32> to vector<1x16xf32>
    tpu.vector_store %arg8[%swap3A_457, %swap3A_458], %swap3A_461 {strides = array<i32>} : memref<128x64xf32, #tpu.memory_space<vmem>>, vector<1x16xf32>,
    %broadcast_in_dim3A_462 = arith.constant 0.000000e+00 : f32
    %broadcast_in_dim3A_463 = vector.broadcast %broadcast_in_dim3A_462 : f32 to vector<16xf32>
    %swap3A_464 = arith.constant 14 : i32
    %swap3A_465 = arith.index_cast %swap3A_464 : i32 to index
    %swap3A_466 = arith.constant 32 : index
    %swap3A_467 = tpu.vector_load %arg8[%swap3A_465, %swap3A_466] {strides = array<i32>} : memref<128x64xf32, #tpu.memory_space<vmem>>, vector<1x16xf32>,
    %swap3A_468 = vector.shape_cast %swap3A_467 : vector<1x16xf32> to vector<16xf32>
    %swap3A_469 = vector.shape_cast %broadcast_in_dim3A_463 : vector<16xf32> to vector<1x16xf32>
    tpu.vector_store %arg8[%swap3A_465, %swap3A_466], %swap3A_469 {strides = array<i32>} : memref<128x64xf32, #tpu.memory_space<vmem>>, vector<1x16xf32>,
    %broadcast_in_dim3A_470 = arith.constant 0.000000e+00 : f32
    %broadcast_in_dim3A_471 = vector.broadcast %broadcast_in_dim3A_470 : f32 to vector<16xf32>
    %swap3A_472 = arith.constant 14 : i32
    %swap3A_473 = arith.index_cast %swap3A_472 : i32 to index
    %swap3A_474 = arith.constant 48 : index
    %swap3A_475 = tpu.vector_load %arg8[%swap3A_473, %swap3A_474] {strides = array<i32>} : memref<128x64xf32, #tpu.memory_space<vmem>>, vector<1x16xf32>,
    %swap3A_476 = vector.shape_cast %swap3A_475 : vector<1x16xf32> to vector<16xf32>
    %swap3A_477 = vector.shape_cast %broadcast_in_dim3A_471 : vector<16xf32> to vector<1x16xf32>
    tpu.vector_store %arg8[%swap3A_473, %swap3A_474], %swap3A_477 {strides = array<i32>} : memref<128x64xf32, #tpu.memory_space<vmem>>, vector<1x16xf32>,
    %broadcast_in_dim3A_478 = arith.constant 0.000000e+00 : f32
    %broadcast_in_dim3A_479 = vector.broadcast %broadcast_in_dim3A_478 : f32 to vector<16xf32>
    %swap3A_480 = arith.constant 15 : i32
    %swap3A_481 = arith.index_cast %swap3A_480 : i32 to index
    %swap3A_482 = arith.constant 0 : index
    %swap3A_483 = tpu.vector_load %arg8[%swap3A_481, %swap3A_482] {strides = array<i32>} : memref<128x64xf32, #tpu.memory_space<vmem>>, vector<1x16xf32>,
    %swap3A_484 = vector.shape_cast %swap3A_483 : vector<1x16xf32> to vector<16xf32>
    %swap3A_485 = vector.shape_cast %broadcast_in_dim3A_479 : vector<16xf32> to vector<1x16xf32>
    tpu.vector_store %arg8[%swap3A_481, %swap3A_482], %swap3A_485 {strides = array<i32>} : memref<128x64xf32, #tpu.memory_space<vmem>>, vector<1x16xf32>,
    %broadcast_in_dim3A_486 = arith.constant 0.000000e+00 : f32
    %broadcast_in_dim3A_487 = vector.broadcast %broadcast_in_dim3A_486 : f32 to vector<16xf32>
    %swap3A_488 = arith.constant 15 : i32
    %swap3A_489 = arith.index_cast %swap3A_488 : i32 to index
    %swap3A_490 = arith.constant 16 : index
    %swap3A_491 = tpu.vector_load %arg8[%swap3A_489, %swap3A_490] {strides = array<i32>} : memref<128x64xf32, #tpu.memory_space<vmem>>, vector<1x16xf32>,
    %swap3A_492 = vector.shape_cast %swap3A_491 : vector<1x16xf32> to vector<16xf32>
    %swap3A_493 = vector.shape_cast %broadcast_in_dim3A_487 : vector<16xf32> to vector<1x16xf32>
    tpu.vector_store %arg8[%swap3A_489, %swap3A_490], %swap3A_493 {strides = array<i32>} : memref<128x64xf32, #tpu.memory_space<vmem>>, vector<1x16xf32>,
    %broadcast_in_dim3A_494 = arith.constant 0.000000e+00 : f32
    %broadcast_in_dim3A_495 = vector.broadcast %broadcast_in_dim3A_494 : f32 to vector<16xf32>
    %swap3A_496 = arith.constant 15 : i32
    %swap3A_497 = arith.index_cast %swap3A_496 : i32 to index
    %swap3A_498 = arith.constant 32 : index
    %swap3A_499 = tpu.vector_load %arg8[%swap3A_497, %swap3A_498] {strides = array<i32>} : memref<128x64xf32, #tpu.memory_space<vmem>>, vector<1x16xf32>,
    %swap3A_500 = vector.shape_cast %swap3A_499 : vector<1x16xf32> to vector<16xf32>
    %swap3A_501 = vector.shape_cast %broadcast_in_dim3A_495 : vector<16xf32> to vector<1x16xf32>
    tpu.vector_store %arg8[%swap3A_497, %swap3A_498], %swap3A_501 {strides = array<i32>} : memref<128x64xf32, #tpu.memory_space<vmem>>, vector<1x16xf32>,
    %broadcast_in_dim3A_502 = arith.constant 0.000000e+00 : f32
    %broadcast_in_dim3A_503 = vector.broadcast %broadcast_in_dim3A_502 : f32 to vector<16xf32>
    %swap3A_504 = arith.constant 15 : i32
    %swap3A_505 = arith.index_cast %swap3A_504 : i32 to index
    %swap3A_506 = arith.constant 48 : index
    %swap3A_507 = tpu.vector_load %arg8[%swap3A_505, %swap3A_506] {strides = array<i32>} : memref<128x64xf32, #tpu.memory_space<vmem>>, vector<1x16xf32>,
    %swap3A_508 = vector.shape_cast %swap3A_507 : vector<1x16xf32> to vector<16xf32>
    %swap3A_509 = vector.shape_cast %broadcast_in_dim3A_503 : vector<16xf32> to vector<1x16xf32>
    tpu.vector_store %arg8[%swap3A_505, %swap3A_506], %swap3A_509 {strides = array<i32>} : memref<128x64xf32, #tpu.memory_space<vmem>>, vector<1x16xf32>,
    %scan3A = arith.constant 0 : i32
    %scan3A_510 = arith.constant 0 : i32
    %scan3A_511 = arith.constant 40 : i32
    %scan3A_512 = arith.addi %scan3A_510, %scan3A_511 : i32
    %scan3A_513 = arith.constant 1 : i32
    scf.for %scan3A_631 = %scan3A_510 to %scan3A_512 step %scan3A_513  : i32 {
      %mul3A = arith.constant 640 : i32
      %mul3A_632 = arith.muli %arg1, %mul3A : i32
      %mul3A_633 = arith.constant 16 : i32
      %mul3A_634 = arith.muli %mul3A_633, %scan3A_631 : i32
      %add3A = arith.addi %mul3A_632, %mul3A_634 : i32
      "tpu.region"() ({
        %run_scoped3A_635 = tpu.sem_alloc : memref<!tpu.dma_semaphore, #tpu.memory_space<semaphore_mem>>
        %dma_start3A_636 = arith.constant 0 : i32
        %dma_start3A_637 = arith.constant 0 : i32
        %dma_start3A_638 = tpu.memref_slice %arg8[%dma_start3A_636, %dma_start3A_637] : memref<128x64xf32, #tpu.memory_space<vmem>> -> memref<16x64xf32, #tpu.memory_space<vmem>>
        %dma_start3A_639 = arith.constant 0 : i32
        %dma_start3A_640 = tpu.memref_slice %arg11[%add3A, %dma_start3A_639] : memref<10240x64xf32, #tpu.memory_space<vmem_shared>> -> memref<16x64xf32, #tpu.memory_space<vmem_shared>>
        %dma_start3A_641 = arith.constant 0 : i32
        %dma_start3A_642 = tpu.memref_slice %arg11[%add3A, %dma_start3A_641] : memref<10240x64xf32, #tpu.memory_space<vmem_shared>> -> memref<16x64xf32, #tpu.memory_space<vmem_shared>>
        %dma_start3A_643 = arith.constant 0 : i32
        %dma_start3A_644 = arith.constant 0 : i32
        %dma_start3A_645 = tpu.memref_slice %arg8[%dma_start3A_643, %dma_start3A_644] : memref<128x64xf32, #tpu.memory_space<vmem>> -> memref<16x64xf32, #tpu.memory_space<vmem>>
        tpu.enqueue_dma source(%dma_start3A_645 : memref<16x64xf32, #tpu.memory_space<vmem>>) target(%dma_start3A_642 : memref<16x64xf32, #tpu.memory_space<vmem_shared>>) target_semaphore(%run_scoped3A_635 : memref<!tpu.dma_semaphore, #tpu.memory_space<semaphore_mem>>)
        %dma_wait3A_646 = arith.constant 0 : i32
        %dma_wait3A_647 = arith.constant 0 : i32
        %dma_wait3A_648 = tpu.memref_slice %arg8[%dma_wait3A_646, %dma_wait3A_647] : memref<128x64xf32, #tpu.memory_space<vmem>> -> memref<16x64xf32, #tpu.memory_space<vmem>>
        %dma_wait3A_649 = arith.constant 0 : i32
        %dma_wait3A_650 = tpu.memref_slice %arg11[%add3A, %dma_wait3A_649] : memref<10240x64xf32, #tpu.memory_space<vmem_shared>> -> memref<16x64xf32, #tpu.memory_space<vmem_shared>>
        %dma_wait3A_651 = arith.constant 0 : i32
        %dma_wait3A_652 = tpu.memref_slice %arg11[%add3A, %dma_wait3A_651] : memref<10240x64xf32, #tpu.memory_space<vmem_shared>> -> memref<16x64xf32, #tpu.memory_space<vmem_shared>>
        %dma_wait3A_653 = arith.constant 0 : i32
        %dma_wait3A_654 = arith.constant 0 : i32
        %dma_wait3A_655 = tpu.memref_slice %arg8[%dma_wait3A_653, %dma_wait3A_654] : memref<128x64xf32, #tpu.memory_space<vmem>> -> memref<16x64xf32, #tpu.memory_space<vmem>>
        tpu.wait_dma2 semaphore(%run_scoped3A_635 : memref<!tpu.dma_semaphore, #tpu.memory_space<semaphore_mem>>) src(%dma_wait3A_655 : memref<16x64xf32, #tpu.memory_space<vmem>>) dst(%dma_wait3A_652 : memref<16x64xf32, #tpu.memory_space<vmem_shared>>)
        tpu.yield
      }) : () -> ()
    }
    %scan3A_514 = arith.constant 40 : i32
    %scan3A_515 = arith.constant 0 : i32
    %scan3A_516 = arith.constant 0 : i32
    %scan3A_517 = arith.constant 5 : i32
    %scan3A_518 = arith.addi %scan3A_516, %scan3A_517 : i32
    %scan3A_519 = arith.constant 1 : i32
    scf.for %scan3A_631 = %scan3A_516 to %scan3A_518 step %scan3A_519  : i32 {
      %mul3A = arith.constant 625 : i32
      %mul3A_632 = arith.muli %arg1, %mul3A : i32
      %mul3A_633 = arith.constant 125 : i32
      %mul3A_634 = arith.muli %mul3A_633, %scan3A_631 : i32
      %add3A = arith.addi %mul3A_632, %mul3A_634 : i32
      "tpu.region"() ({
        %run_scoped3A_635 = tpu.sem_alloc : memref<!tpu.dma_semaphore, #tpu.memory_space<semaphore_mem>>
        %dma_start3A_636 = arith.constant 0 : i32
        %dma_start3A_637 = arith.constant 0 : i32
        %dma_start3A_638 = tpu.memref_slice %arg9[%dma_start3A_636, %dma_start3A_637] : memref<128x64xf32, #tpu.memory_space<vmem>> -> memref<125x64xf32, #tpu.memory_space<vmem>>
        %dma_start3A_639 = arith.constant 0 : i32
        %dma_start3A_640 = tpu.memref_slice %arg4[%arg0, %add3A, %dma_start3A_639] : memref<2x10000x64xf32, #tpu.memory_space<hbm>> -> memref<1x125x64xf32, #tpu.memory_space<hbm>>
        %dma_start3A_641 = tpu.memref_squeeze %dma_start3A_640 : memref<1x125x64xf32, #tpu.memory_space<hbm>> -> memref<125x64xf32, #tpu.memory_space<hbm>>
        %dma_start3A_642 = arith.constant 0 : i32
        %dma_start3A_643 = arith.constant 0 : i32
        %dma_start3A_644 = tpu.memref_slice %arg9[%dma_start3A_642, %dma_start3A_643] : memref<128x64xf32, #tpu.memory_space<vmem>> -> memref<125x64xf32, #tpu.memory_space<vmem>>
        %dma_start3A_645 = arith.constant 0 : i32
        %dma_start3A_646 = tpu.memref_slice %arg4[%arg0, %add3A, %dma_start3A_645] : memref<2x10000x64xf32, #tpu.memory_space<hbm>> -> memref<1x125x64xf32, #tpu.memory_space<hbm>>
        %dma_start3A_647 = tpu.memref_squeeze %dma_start3A_646 : memref<1x125x64xf32, #tpu.memory_space<hbm>> -> memref<125x64xf32, #tpu.memory_space<hbm>>
        tpu.enqueue_dma source(%dma_start3A_647 : memref<125x64xf32, #tpu.memory_space<hbm>>) target(%dma_start3A_644 : memref<125x64xf32, #tpu.memory_space<vmem>>) target_semaphore(%run_scoped3A_635 : memref<!tpu.dma_semaphore, #tpu.memory_space<semaphore_mem>>)
        %dma_wait3A_648 = arith.constant 0 : i32
        %dma_wait3A_649 = arith.constant 0 : i32
        %dma_wait3A_650 = tpu.memref_slice %arg9[%dma_wait3A_648, %dma_wait3A_649] : memref<128x64xf32, #tpu.memory_space<vmem>> -> memref<125x64xf32, #tpu.memory_space<vmem>>
        %dma_wait3A_651 = arith.constant 0 : i32
        %dma_wait3A_652 = tpu.memref_slice %arg4[%arg0, %add3A, %dma_wait3A_651] : memref<2x10000x64xf32, #tpu.memory_space<hbm>> -> memref<1x125x64xf32, #tpu.memory_space<hbm>>
        %dma_wait3A_653 = tpu.memref_squeeze %dma_wait3A_652 : memref<1x125x64xf32, #tpu.memory_space<hbm>> -> memref<125x64xf32, #tpu.memory_space<hbm>>
        %dma_wait3A_654 = arith.constant 0 : i32
        %dma_wait3A_655 = arith.constant 0 : i32
        %dma_wait3A_656 = tpu.memref_slice %arg9[%dma_wait3A_654, %dma_wait3A_655] : memref<128x64xf32, #tpu.memory_space<vmem>> -> memref<125x64xf32, #tpu.memory_space<vmem>>
        %dma_wait3A_657 = arith.constant 0 : i32
        %dma_wait3A_658 = tpu.memref_slice %arg4[%arg0, %add3A, %dma_wait3A_657] : memref<2x10000x64xf32, #tpu.memory_space<hbm>> -> memref<1x125x64xf32, #tpu.memory_space<hbm>>
        %dma_wait3A_659 = tpu.memref_squeeze %dma_wait3A_658 : memref<1x125x64xf32, #tpu.memory_space<hbm>> -> memref<125x64xf32, #tpu.memory_space<hbm>>
        tpu.wait_dma2 semaphore(%run_scoped3A_635 : memref<!tpu.dma_semaphore, #tpu.memory_space<semaphore_mem>>) src(%dma_wait3A_659 : memref<125x64xf32, #tpu.memory_space<hbm>>) dst(%dma_wait3A_656 : memref<125x64xf32, #tpu.memory_space<vmem>>)
        tpu.yield
      }) : () -> ()
      "tpu.region"() ({
        %run_scoped3A_635 = tpu.sem_alloc : memref<!tpu.dma_semaphore, #tpu.memory_space<semaphore_mem>>
        %dma_start3A_636 = arith.constant 0 : i32
        %dma_start3A_637 = arith.constant 0 : i32
        %dma_start3A_638 = tpu.memref_slice %arg9[%dma_start3A_636, %dma_start3A_637] : memref<128x64xf32, #tpu.memory_space<vmem>> -> memref<125x64xf32, #tpu.memory_space<vmem>>
        %dma_start3A_639 = arith.constant 0 : i32
        %dma_start3A_640 = tpu.memref_slice %arg10[%add3A, %dma_start3A_639] : memref<10000x64xf32, #tpu.memory_space<vmem_shared>> -> memref<125x64xf32, #tpu.memory_space<vmem_shared>>
        %dma_start3A_641 = arith.constant 0 : i32
        %dma_start3A_642 = tpu.memref_slice %arg10[%add3A, %dma_start3A_641] : memref<10000x64xf32, #tpu.memory_space<vmem_shared>> -> memref<125x64xf32, #tpu.memory_space<vmem_shared>>
        %dma_start3A_643 = arith.constant 0 : i32
        %dma_start3A_644 = arith.constant 0 : i32
        %dma_start3A_645 = tpu.memref_slice %arg9[%dma_start3A_643, %dma_start3A_644] : memref<128x64xf32, #tpu.memory_space<vmem>> -> memref<125x64xf32, #tpu.memory_space<vmem>>
        tpu.enqueue_dma source(%dma_start3A_645 : memref<125x64xf32, #tpu.memory_space<vmem>>) target(%dma_start3A_642 : memref<125x64xf32, #tpu.memory_space<vmem_shared>>) target_semaphore(%run_scoped3A_635 : memref<!tpu.dma_semaphore, #tpu.memory_space<semaphore_mem>>)
        %dma_wait3A_646 = arith.constant 0 : i32
        %dma_wait3A_647 = arith.constant 0 : i32
        %dma_wait3A_648 = tpu.memref_slice %arg9[%dma_wait3A_646, %dma_wait3A_647] : memref<128x64xf32, #tpu.memory_space<vmem>> -> memref<125x64xf32, #tpu.memory_space<vmem>>
        %dma_wait3A_649 = arith.constant 0 : i32
        %dma_wait3A_650 = tpu.memref_slice %arg10[%add3A, %dma_wait3A_649] : memref<10000x64xf32, #tpu.memory_space<vmem_shared>> -> memref<125x64xf32, #tpu.memory_space<vmem_shared>>
        %dma_wait3A_651 = arith.constant 0 : i32
        %dma_wait3A_652 = tpu.memref_slice %arg10[%add3A, %dma_wait3A_651] : memref<10000x64xf32, #tpu.memory_space<vmem_shared>> -> memref<125x64xf32, #tpu.memory_space<vmem_shared>>
        %dma_wait3A_653 = arith.constant 0 : i32
        %dma_wait3A_654 = arith.constant 0 : i32
        %dma_wait3A_655 = tpu.memref_slice %arg9[%dma_wait3A_653, %dma_wait3A_654] : memref<128x64xf32, #tpu.memory_space<vmem>> -> memref<125x64xf32, #tpu.memory_space<vmem>>
        tpu.wait_dma2 semaphore(%run_scoped3A_635 : memref<!tpu.dma_semaphore, #tpu.memory_space<semaphore_mem>>) src(%dma_wait3A_655 : memref<125x64xf32, #tpu.memory_space<vmem>>) dst(%dma_wait3A_652 : memref<125x64xf32, #tpu.memory_space<vmem_shared>>)
        tpu.yield
      }) : () -> ()
    }
    %scan3A_520 = arith.constant 5 : i32
    %barrier3A = arith.constant 0 : index
    tpu.barrier barrier_id(%barrier3A)
    %run_scoped3A = arith.constant 0 : i32
    "tpu.region"() ({
      %run_scoped3A_631 = tpu.sem_alloc : memref<!tpu.dma_semaphore, #tpu.memory_space<semaphore_mem>>
      %dma_start3A_632 = arith.constant 0 : i32
      %dma_start3A_633 = arith.constant 0 : i32
      %dma_start3A_634 = tpu.memref_slice %arg2[%arg1, %run_scoped3A, %dma_start3A_632, %dma_start3A_633] : memref<16x2x79x128xi32, #tpu.memory_space<hbm>> -> memref<1x1x79x128xi32, #tpu.memory_space<hbm>>
      %dma_start3A_635 = tpu.memref_squeeze %dma_start3A_634 : memref<1x1x79x128xi32, #tpu.memory_space<hbm>> -> memref<79x128xi32, #tpu.memory_space<hbm>>
      %dma_start3A_636 = arith.constant 0 : i32
      %dma_start3A_637 = arith.constant 0 : i32
      %dma_start3A_638 = tpu.memref_slice %arg2[%arg1, %run_scoped3A, %dma_start3A_636, %dma_start3A_637] : memref<16x2x79x128xi32, #tpu.memory_space<hbm>> -> memref<1x1x79x128xi32, #tpu.memory_space<hbm>>
      %dma_start3A_639 = tpu.memref_squeeze %dma_start3A_638 : memref<1x1x79x128xi32, #tpu.memory_space<hbm>> -> memref<79x128xi32, #tpu.memory_space<hbm>>
      tpu.enqueue_dma source(%dma_start3A_639 : memref<79x128xi32, #tpu.memory_space<hbm>>) target(%arg6 : memref<79x128xi32, #tpu.memory_space<vmem>>) target_semaphore(%run_scoped3A_631 : memref<!tpu.dma_semaphore, #tpu.memory_space<semaphore_mem>>)
      %dma_wait3A_640 = arith.constant 0 : i32
      %dma_wait3A_641 = arith.constant 0 : i32
      %dma_wait3A_642 = tpu.memref_slice %arg2[%arg1, %run_scoped3A, %dma_wait3A_640, %dma_wait3A_641] : memref<16x2x79x128xi32, #tpu.memory_space<hbm>> -> memref<1x1x79x128xi32, #tpu.memory_space<hbm>>
      %dma_wait3A_643 = tpu.memref_squeeze %dma_wait3A_642 : memref<1x1x79x128xi32, #tpu.memory_space<hbm>> -> memref<79x128xi32, #tpu.memory_space<hbm>>
      %dma_wait3A_644 = arith.constant 0 : i32
      %dma_wait3A_645 = arith.constant 0 : i32
      %dma_wait3A_646 = tpu.memref_slice %arg2[%arg1, %run_scoped3A, %dma_wait3A_644, %dma_wait3A_645] : memref<16x2x79x128xi32, #tpu.memory_space<hbm>> -> memref<1x1x79x128xi32, #tpu.memory_space<hbm>>
      %dma_wait3A_647 = tpu.memref_squeeze %dma_wait3A_646 : memref<1x1x79x128xi32, #tpu.memory_space<hbm>> -> memref<79x128xi32, #tpu.memory_space<hbm>>
      tpu.wait_dma2 semaphore(%run_scoped3A_631 : memref<!tpu.dma_semaphore, #tpu.memory_space<semaphore_mem>>) src(%dma_wait3A_647 : memref<79x128xi32, #tpu.memory_space<hbm>>) dst(%arg6 : memref<79x128xi32, #tpu.memory_space<vmem>>)
      tpu.yield
    }) : () -> ()
    %run_scoped3A_521 = arith.constant 0 : i32
    "tpu.region"() ({
      %run_scoped3A_631 = tpu.sem_alloc : memref<!tpu.dma_semaphore, #tpu.memory_space<semaphore_mem>>
      %dma_start3A_632 = arith.constant 0 : i32
      %dma_start3A_633 = arith.constant 0 : i32
      %dma_start3A_634 = tpu.memref_slice %arg3[%arg1, %run_scoped3A_521, %dma_start3A_632, %dma_start3A_633] : memref<16x2x79x128xi32, #tpu.memory_space<hbm>> -> memref<1x1x79x128xi32, #tpu.memory_space<hbm>>
      %dma_start3A_635 = tpu.memref_squeeze %dma_start3A_634 : memref<1x1x79x128xi32, #tpu.memory_space<hbm>> -> memref<79x128xi32, #tpu.memory_space<hbm>>
      %dma_start3A_636 = arith.constant 0 : i32
      %dma_start3A_637 = arith.constant 0 : i32
      %dma_start3A_638 = tpu.memref_slice %arg3[%arg1, %run_scoped3A_521, %dma_start3A_636, %dma_start3A_637] : memref<16x2x79x128xi32, #tpu.memory_space<hbm>> -> memref<1x1x79x128xi32, #tpu.memory_space<hbm>>
      %dma_start3A_639 = tpu.memref_squeeze %dma_start3A_638 : memref<1x1x79x128xi32, #tpu.memory_space<hbm>> -> memref<79x128xi32, #tpu.memory_space<hbm>>
      tpu.enqueue_dma source(%dma_start3A_639 : memref<79x128xi32, #tpu.memory_space<hbm>>) target(%arg7 : memref<79x128xi32, #tpu.memory_space<vmem>>) target_semaphore(%run_scoped3A_631 : memref<!tpu.dma_semaphore, #tpu.memory_space<semaphore_mem>>)
      %dma_wait3A_640 = arith.constant 0 : i32
      %dma_wait3A_641 = arith.constant 0 : i32
      %dma_wait3A_642 = tpu.memref_slice %arg3[%arg1, %run_scoped3A_521, %dma_wait3A_640, %dma_wait3A_641] : memref<16x2x79x128xi32, #tpu.memory_space<hbm>> -> memref<1x1x79x128xi32, #tpu.memory_space<hbm>>
      %dma_wait3A_643 = tpu.memref_squeeze %dma_wait3A_642 : memref<1x1x79x128xi32, #tpu.memory_space<hbm>> -> memref<79x128xi32, #tpu.memory_space<hbm>>
      %dma_wait3A_644 = arith.constant 0 : i32
      %dma_wait3A_645 = arith.constant 0 : i32
      %dma_wait3A_646 = tpu.memref_slice %arg3[%arg1, %run_scoped3A_521, %dma_wait3A_644, %dma_wait3A_645] : memref<16x2x79x128xi32, #tpu.memory_space<hbm>> -> memref<1x1x79x128xi32, #tpu.memory_space<hbm>>
      %dma_wait3A_647 = tpu.memref_squeeze %dma_wait3A_646 : memref<1x1x79x128xi32, #tpu.memory_space<hbm>> -> memref<79x128xi32, #tpu.memory_space<hbm>>
      tpu.wait_dma2 semaphore(%run_scoped3A_631 : memref<!tpu.dma_semaphore, #tpu.memory_space<semaphore_mem>>) src(%dma_wait3A_647 : memref<79x128xi32, #tpu.memory_space<hbm>>) dst(%arg7 : memref<79x128xi32, #tpu.memory_space<vmem>>)
      tpu.yield
    }) : () -> ()
    %dma_start3A = arith.constant 0 : i32
    %dma_start3A_522 = arith.constant 0 : i32
    %dma_start3A_523 = tpu.memref_slice %arg6[%dma_start3A, %dma_start3A_522] : memref<79x128xi32, #tpu.memory_space<vmem>> -> memref<1x128xi32, #tpu.memory_space<vmem>>
    %dma_start3A_524 = tpu.memref_squeeze %dma_start3A_523 : memref<1x128xi32, #tpu.memory_space<vmem>> -> memref<128xi32, #tpu.memory_space<vmem>>
    %dma_start3A_525 = arith.constant 0 : i32
    %dma_start3A_526 = arith.constant 0 : i32
    %dma_start3A_527 = tpu.memref_slice %arg10[%dma_start3A_525, %dma_start3A_526] : memref<10000x64xf32, #tpu.memory_space<vmem_shared>> -> memref<10000x64xf32, #tpu.memory_space<vmem_shared>>
    tpu.enqueue_indirect_dma source(%dma_start3A_527 : memref<10000x64xf32, #tpu.memory_space<vmem_shared>>) target(%arg8 : memref<128x64xf32, #tpu.memory_space<vmem>>) offsets(%dma_start3A_524 : memref<128xi32, #tpu.memory_space<vmem>>) semaphore(%arg12 : memref<!tpu.dma_semaphore, #tpu.memory_space<semaphore_mem>>)
    %dma_start3A_528 = arith.constant 1 : i32
    %dma_start3A_529 = arith.constant 0 : i32
    %dma_start3A_530 = tpu.memref_slice %arg6[%dma_start3A_528, %dma_start3A_529] : memref<79x128xi32, #tpu.memory_space<vmem>> -> memref<1x128xi32, #tpu.memory_space<vmem>>
    %dma_start3A_531 = tpu.memref_squeeze %dma_start3A_530 : memref<1x128xi32, #tpu.memory_space<vmem>> -> memref<128xi32, #tpu.memory_space<vmem>>
    %dma_start3A_532 = arith.constant 0 : i32
    %dma_start3A_533 = arith.constant 0 : i32
    %dma_start3A_534 = tpu.memref_slice %arg10[%dma_start3A_532, %dma_start3A_533] : memref<10000x64xf32, #tpu.memory_space<vmem_shared>> -> memref<10000x64xf32, #tpu.memory_space<vmem_shared>>
    tpu.enqueue_indirect_dma source(%dma_start3A_534 : memref<10000x64xf32, #tpu.memory_space<vmem_shared>>) target(%arg9 : memref<128x64xf32, #tpu.memory_space<vmem>>) offsets(%dma_start3A_531 : memref<128xi32, #tpu.memory_space<vmem>>) semaphore(%arg13 : memref<!tpu.dma_semaphore, #tpu.memory_space<semaphore_mem>>)
    %scan3A_535 = arith.constant 0 : i32
    %scan3A_536 = arith.constant 0 : i32
    %scan3A_537 = arith.constant 38 : i32
    %scan3A_538 = arith.addi %scan3A_536, %scan3A_537 : i32
    %scan3A_539 = arith.constant 1 : i32
    scf.for %scan3A_631 = %scan3A_536 to %scan3A_538 step %scan3A_539  : i32 {
      %mul3A = arith.constant 2 : i32
      %mul3A_632 = arith.muli %mul3A, %scan3A_631 : i32
      %dma_wait3A_633 = arith.constant 0 : i32
      %dma_wait3A_634 = arith.constant 0 : i32
      %dma_wait3A_635 = tpu.memref_slice %arg6[%dma_wait3A_633, %dma_wait3A_634] : memref<79x128xi32, #tpu.memory_space<vmem>> -> memref<1x128xi32, #tpu.memory_space<vmem>>
      %dma_wait3A_636 = tpu.memref_squeeze %dma_wait3A_635 : memref<1x128xi32, #tpu.memory_space<vmem>> -> memref<128xi32, #tpu.memory_space<vmem>>
      %dma_wait3A_637 = arith.constant 0 : i32
      %dma_wait3A_638 = arith.constant 0 : i32
      %dma_wait3A_639 = tpu.memref_slice %arg10[%dma_wait3A_637, %dma_wait3A_638] : memref<10000x64xf32, #tpu.memory_space<vmem_shared>> -> memref<10000x64xf32, #tpu.memory_space<vmem_shared>>
      tpu.wait_indirect_dma semaphore(%arg12 : memref<!tpu.dma_semaphore, #tpu.memory_space<semaphore_mem>>) src(%dma_wait3A_639 : memref<10000x64xf32, #tpu.memory_space<vmem_shared>>) dst(%arg8 : memref<128x64xf32, #tpu.memory_space<vmem>>)
      "tpu.region"() ({
        %run_scoped3A_664 = tpu.sem_alloc : memref<!tpu.dma_semaphore, #tpu.memory_space<semaphore_mem>>
        %dma_start3A_665 = arith.constant 0 : i32
        %dma_start3A_666 = tpu.memref_slice %arg7[%mul3A_632, %dma_start3A_665] : memref<79x128xi32, #tpu.memory_space<vmem>> -> memref<1x128xi32, #tpu.memory_space<vmem>>
        %dma_start3A_667 = tpu.memref_squeeze %dma_start3A_666 : memref<1x128xi32, #tpu.memory_space<vmem>> -> memref<128xi32, #tpu.memory_space<vmem>>
        %dma_start3A_668 = arith.constant 0 : i32
        %dma_start3A_669 = arith.constant 0 : i32
        %dma_start3A_670 = tpu.memref_slice %arg11[%dma_start3A_668, %dma_start3A_669] : memref<10240x64xf32, #tpu.memory_space<vmem_shared>> -> memref<10240x64xf32, #tpu.memory_space<vmem_shared>>
        tpu.enqueue_indirect_dma source(%arg8 : memref<128x64xf32, #tpu.memory_space<vmem>>) target(%dma_start3A_670 : memref<10240x64xf32, #tpu.memory_space<vmem_shared>>) offsets(%dma_start3A_667 : memref<128xi32, #tpu.memory_space<vmem>>) semaphore(%run_scoped3A_664 : memref<!tpu.dma_semaphore, #tpu.memory_space<semaphore_mem>>) {add = true}
        %dma_wait3A_671 = arith.constant 0 : i32
        %dma_wait3A_672 = tpu.memref_slice %arg7[%mul3A_632, %dma_wait3A_671] : memref<79x128xi32, #tpu.memory_space<vmem>> -> memref<1x128xi32, #tpu.memory_space<vmem>>
        %dma_wait3A_673 = tpu.memref_squeeze %dma_wait3A_672 : memref<1x128xi32, #tpu.memory_space<vmem>> -> memref<128xi32, #tpu.memory_space<vmem>>
        %dma_wait3A_674 = arith.constant 0 : i32
        %dma_wait3A_675 = arith.constant 0 : i32
        %dma_wait3A_676 = tpu.memref_slice %arg11[%dma_wait3A_674, %dma_wait3A_675] : memref<10240x64xf32, #tpu.memory_space<vmem_shared>> -> memref<10240x64xf32, #tpu.memory_space<vmem_shared>>
        tpu.wait_indirect_dma semaphore(%run_scoped3A_664 : memref<!tpu.dma_semaphore, #tpu.memory_space<semaphore_mem>>) src(%arg8 : memref<128x64xf32, #tpu.memory_space<vmem>>) dst(%dma_wait3A_676 : memref<10240x64xf32, #tpu.memory_space<vmem_shared>>)
        tpu.yield
      }) : () -> ()
      %add3A = arith.constant 2 : i32
      %add3A_640 = arith.addi %mul3A_632, %add3A : i32
      %dma_start3A_641 = arith.constant 0 : i32
      %dma_start3A_642 = tpu.memref_slice %arg6[%add3A_640, %dma_start3A_641] : memref<79x128xi32, #tpu.memory_space<vmem>> -> memref<1x128xi32, #tpu.memory_space<vmem>>
      %dma_start3A_643 = tpu.memref_squeeze %dma_start3A_642 : memref<1x128xi32, #tpu.memory_space<vmem>> -> memref<128xi32, #tpu.memory_space<vmem>>
      %dma_start3A_644 = arith.constant 0 : i32
      %dma_start3A_645 = arith.constant 0 : i32
      %dma_start3A_646 = tpu.memref_slice %arg10[%dma_start3A_644, %dma_start3A_645] : memref<10000x64xf32, #tpu.memory_space<vmem_shared>> -> memref<10000x64xf32, #tpu.memory_space<vmem_shared>>
      tpu.enqueue_indirect_dma source(%dma_start3A_646 : memref<10000x64xf32, #tpu.memory_space<vmem_shared>>) target(%arg8 : memref<128x64xf32, #tpu.memory_space<vmem>>) offsets(%dma_start3A_643 : memref<128xi32, #tpu.memory_space<vmem>>) semaphore(%arg12 : memref<!tpu.dma_semaphore, #tpu.memory_space<semaphore_mem>>)
      %dma_wait3A_647 = arith.constant 0 : i32
      %dma_wait3A_648 = arith.constant 0 : i32
      %dma_wait3A_649 = tpu.memref_slice %arg6[%dma_wait3A_647, %dma_wait3A_648] : memref<79x128xi32, #tpu.memory_space<vmem>> -> memref<1x128xi32, #tpu.memory_space<vmem>>
      %dma_wait3A_650 = tpu.memref_squeeze %dma_wait3A_649 : memref<1x128xi32, #tpu.memory_space<vmem>> -> memref<128xi32, #tpu.memory_space<vmem>>
      %dma_wait3A_651 = arith.constant 0 : i32
      %dma_wait3A_652 = arith.constant 0 : i32
      %dma_wait3A_653 = tpu.memref_slice %arg10[%dma_wait3A_651, %dma_wait3A_652] : memref<10000x64xf32, #tpu.memory_space<vmem_shared>> -> memref<10000x64xf32, #tpu.memory_space<vmem_shared>>
      tpu.wait_indirect_dma semaphore(%arg13 : memref<!tpu.dma_semaphore, #tpu.memory_space<semaphore_mem>>) src(%dma_wait3A_653 : memref<10000x64xf32, #tpu.memory_space<vmem_shared>>) dst(%arg9 : memref<128x64xf32, #tpu.memory_space<vmem>>)
      %add3A_654 = arith.constant 1 : i32
      %add3A_655 = arith.addi %mul3A_632, %add3A_654 : i32
      "tpu.region"() ({
        %run_scoped3A_664 = tpu.sem_alloc : memref<!tpu.dma_semaphore, #tpu.memory_space<semaphore_mem>>
        %dma_start3A_665 = arith.constant 0 : i32
        %dma_start3A_666 = tpu.memref_slice %arg7[%add3A_655, %dma_start3A_665] : memref<79x128xi32, #tpu.memory_space<vmem>> -> memref<1x128xi32, #tpu.memory_space<vmem>>
        %dma_start3A_667 = tpu.memref_squeeze %dma_start3A_666 : memref<1x128xi32, #tpu.memory_space<vmem>> -> memref<128xi32, #tpu.memory_space<vmem>>
        %dma_start3A_668 = arith.constant 0 : i32
        %dma_start3A_669 = arith.constant 0 : i32
        %dma_start3A_670 = tpu.memref_slice %arg11[%dma_start3A_668, %dma_start3A_669] : memref<10240x64xf32, #tpu.memory_space<vmem_shared>> -> memref<10240x64xf32, #tpu.memory_space<vmem_shared>>
        tpu.enqueue_indirect_dma source(%arg9 : memref<128x64xf32, #tpu.memory_space<vmem>>) target(%dma_start3A_670 : memref<10240x64xf32, #tpu.memory_space<vmem_shared>>) offsets(%dma_start3A_667 : memref<128xi32, #tpu.memory_space<vmem>>) semaphore(%run_scoped3A_664 : memref<!tpu.dma_semaphore, #tpu.memory_space<semaphore_mem>>) {add = true}
        %dma_wait3A_671 = arith.constant 0 : i32
        %dma_wait3A_672 = tpu.memref_slice %arg7[%add3A_655, %dma_wait3A_671] : memref<79x128xi32, #tpu.memory_space<vmem>> -> memref<1x128xi32, #tpu.memory_space<vmem>>
        %dma_wait3A_673 = tpu.memref_squeeze %dma_wait3A_672 : memref<1x128xi32, #tpu.memory_space<vmem>> -> memref<128xi32, #tpu.memory_space<vmem>>
        %dma_wait3A_674 = arith.constant 0 : i32
        %dma_wait3A_675 = arith.constant 0 : i32
        %dma_wait3A_676 = tpu.memref_slice %arg11[%dma_wait3A_674, %dma_wait3A_675] : memref<10240x64xf32, #tpu.memory_space<vmem_shared>> -> memref<10240x64xf32, #tpu.memory_space<vmem_shared>>
        tpu.wait_indirect_dma semaphore(%run_scoped3A_664 : memref<!tpu.dma_semaphore, #tpu.memory_space<semaphore_mem>>) src(%arg9 : memref<128x64xf32, #tpu.memory_space<vmem>>) dst(%dma_wait3A_676 : memref<10240x64xf32, #tpu.memory_space<vmem_shared>>)
        tpu.yield
      }) : () -> ()
      %add3A_656 = arith.constant 3 : i32
      %add3A_657 = arith.addi %mul3A_632, %add3A_656 : i32
      %dma_start3A_658 = arith.constant 0 : i32
      %dma_start3A_659 = tpu.memref_slice %arg6[%add3A_657, %dma_start3A_658] : memref<79x128xi32, #tpu.memory_space<vmem>> -> memref<1x128xi32, #tpu.memory_space<vmem>>
      %dma_start3A_660 = tpu.memref_squeeze %dma_start3A_659 : memref<1x128xi32, #tpu.memory_space<vmem>> -> memref<128xi32, #tpu.memory_space<vmem>>
      %dma_start3A_661 = arith.constant 0 : i32
      %dma_start3A_662 = arith.constant 0 : i32
      %dma_start3A_663 = tpu.memref_slice %arg10[%dma_start3A_661, %dma_start3A_662] : memref<10000x64xf32, #tpu.memory_space<vmem_shared>> -> memref<10000x64xf32, #tpu.memory_space<vmem_shared>>
      tpu.enqueue_indirect_dma source(%dma_start3A_663 : memref<10000x64xf32, #tpu.memory_space<vmem_shared>>) target(%arg9 : memref<128x64xf32, #tpu.memory_space<vmem>>) offsets(%dma_start3A_660 : memref<128xi32, #tpu.memory_space<vmem>>) semaphore(%arg13 : memref<!tpu.dma_semaphore, #tpu.memory_space<semaphore_mem>>)
    }
    %scan3A_540 = arith.constant 38 : i32
    %dma_wait3A = arith.constant 0 : i32
    %dma_wait3A_541 = arith.constant 0 : i32
    %dma_wait3A_542 = tpu.memref_slice %arg6[%dma_wait3A, %dma_wait3A_541] : memref<79x128xi32, #tpu.memory_space<vmem>> -> memref<1x128xi32, #tpu.memory_space<vmem>>
    %dma_wait3A_543 = tpu.memref_squeeze %dma_wait3A_542 : memref<1x128xi32, #tpu.memory_space<vmem>> -> memref<128xi32, #tpu.memory_space<vmem>>
    %dma_wait3A_544 = arith.constant 0 : i32
    %dma_wait3A_545 = arith.constant 0 : i32
    %dma_wait3A_546 = tpu.memref_slice %arg10[%dma_wait3A_544, %dma_wait3A_545] : memref<10000x64xf32, #tpu.memory_space<vmem_shared>> -> memref<10000x64xf32, #tpu.memory_space<vmem_shared>>
    tpu.wait_indirect_dma semaphore(%arg12 : memref<!tpu.dma_semaphore, #tpu.memory_space<semaphore_mem>>) src(%dma_wait3A_546 : memref<10000x64xf32, #tpu.memory_space<vmem_shared>>) dst(%arg8 : memref<128x64xf32, #tpu.memory_space<vmem>>)
    %run_scoped3A_547 = arith.constant 76 : i32
    "tpu.region"() ({
      %run_scoped3A_631 = tpu.sem_alloc : memref<!tpu.dma_semaphore, #tpu.memory_space<semaphore_mem>>
      %dma_start3A_632 = arith.constant 0 : i32
      %dma_start3A_633 = tpu.memref_slice %arg7[%run_scoped3A_547, %dma_start3A_632] : memref<79x128xi32, #tpu.memory_space<vmem>> -> memref<1x128xi32, #tpu.memory_space<vmem>>
      %dma_start3A_634 = tpu.memref_squeeze %dma_start3A_633 : memref<1x128xi32, #tpu.memory_space<vmem>> -> memref<128xi32, #tpu.memory_space<vmem>>
      %dma_start3A_635 = arith.constant 0 : i32
      %dma_start3A_636 = arith.constant 0 : i32
      %dma_start3A_637 = tpu.memref_slice %arg11[%dma_start3A_635, %dma_start3A_636] : memref<10240x64xf32, #tpu.memory_space<vmem_shared>> -> memref<10240x64xf32, #tpu.memory_space<vmem_shared>>
      tpu.enqueue_indirect_dma source(%arg8 : memref<128x64xf32, #tpu.memory_space<vmem>>) target(%dma_start3A_637 : memref<10240x64xf32, #tpu.memory_space<vmem_shared>>) offsets(%dma_start3A_634 : memref<128xi32, #tpu.memory_space<vmem>>) semaphore(%run_scoped3A_631 : memref<!tpu.dma_semaphore, #tpu.memory_space<semaphore_mem>>) {add = true}
      %dma_wait3A_638 = arith.constant 0 : i32
      %dma_wait3A_639 = tpu.memref_slice %arg7[%run_scoped3A_547, %dma_wait3A_638] : memref<79x128xi32, #tpu.memory_space<vmem>> -> memref<1x128xi32, #tpu.memory_space<vmem>>
      %dma_wait3A_640 = tpu.memref_squeeze %dma_wait3A_639 : memref<1x128xi32, #tpu.memory_space<vmem>> -> memref<128xi32, #tpu.memory_space<vmem>>
      %dma_wait3A_641 = arith.constant 0 : i32
      %dma_wait3A_642 = arith.constant 0 : i32
      %dma_wait3A_643 = tpu.memref_slice %arg11[%dma_wait3A_641, %dma_wait3A_642] : memref<10240x64xf32, #tpu.memory_space<vmem_shared>> -> memref<10240x64xf32, #tpu.memory_space<vmem_shared>>
      tpu.wait_indirect_dma semaphore(%run_scoped3A_631 : memref<!tpu.dma_semaphore, #tpu.memory_space<semaphore_mem>>) src(%arg8 : memref<128x64xf32, #tpu.memory_space<vmem>>) dst(%dma_wait3A_643 : memref<10240x64xf32, #tpu.memory_space<vmem_shared>>)
      tpu.yield
    }) : () -> ()
    %dma_start3A_548 = arith.constant 78 : i32
    %dma_start3A_549 = arith.constant 0 : i32
    %dma_start3A_550 = tpu.memref_slice %arg6[%dma_start3A_548, %dma_start3A_549] : memref<79x128xi32, #tpu.memory_space<vmem>> -> memref<1x128xi32, #tpu.memory_space<vmem>>
    %dma_start3A_551 = tpu.memref_squeeze %dma_start3A_550 : memref<1x128xi32, #tpu.memory_space<vmem>> -> memref<128xi32, #tpu.memory_space<vmem>>
    %dma_start3A_552 = arith.constant 0 : i32
    %dma_start3A_553 = arith.constant 0 : i32
    %dma_start3A_554 = tpu.memref_slice %arg10[%dma_start3A_552, %dma_start3A_553] : memref<10000x64xf32, #tpu.memory_space<vmem_shared>> -> memref<10000x64xf32, #tpu.memory_space<vmem_shared>>
    tpu.enqueue_indirect_dma source(%dma_start3A_554 : memref<10000x64xf32, #tpu.memory_space<vmem_shared>>) target(%arg8 : memref<128x64xf32, #tpu.memory_space<vmem>>) offsets(%dma_start3A_551 : memref<128xi32, #tpu.memory_space<vmem>>) semaphore(%arg12 : memref<!tpu.dma_semaphore, #tpu.memory_space<semaphore_mem>>)
    %dma_wait3A_555 = arith.constant 0 : i32
    %dma_wait3A_556 = arith.constant 0 : i32
    %dma_wait3A_557 = tpu.memref_slice %arg6[%dma_wait3A_555, %dma_wait3A_556] : memref<79x128xi32, #tpu.memory_space<vmem>> -> memref<1x128xi32, #tpu.memory_space<vmem>>
    %dma_wait3A_558 = tpu.memref_squeeze %dma_wait3A_557 : memref<1x128xi32, #tpu.memory_space<vmem>> -> memref<128xi32, #tpu.memory_space<vmem>>
    %dma_wait3A_559 = arith.constant 0 : i32
    %dma_wait3A_560 = arith.constant 0 : i32
    %dma_wait3A_561 = tpu.memref_slice %arg10[%dma_wait3A_559, %dma_wait3A_560] : memref<10000x64xf32, #tpu.memory_space<vmem_shared>> -> memref<10000x64xf32, #tpu.memory_space<vmem_shared>>
    tpu.wait_indirect_dma semaphore(%arg13 : memref<!tpu.dma_semaphore, #tpu.memory_space<semaphore_mem>>) src(%dma_wait3A_561 : memref<10000x64xf32, #tpu.memory_space<vmem_shared>>) dst(%arg9 : memref<128x64xf32, #tpu.memory_space<vmem>>)
    %run_scoped3A_562 = arith.constant 77 : i32
    "tpu.region"() ({
      %run_scoped3A_631 = tpu.sem_alloc : memref<!tpu.dma_semaphore, #tpu.memory_space<semaphore_mem>>
      %dma_start3A_632 = arith.constant 0 : i32
      %dma_start3A_633 = tpu.memref_slice %arg7[%run_scoped3A_562, %dma_start3A_632] : memref<79x128xi32, #tpu.memory_space<vmem>> -> memref<1x128xi32, #tpu.memory_space<vmem>>
      %dma_start3A_634 = tpu.memref_squeeze %dma_start3A_633 : memref<1x128xi32, #tpu.memory_space<vmem>> -> memref<128xi32, #tpu.memory_space<vmem>>
      %dma_start3A_635 = arith.constant 0 : i32
      %dma_start3A_636 = arith.constant 0 : i32
      %dma_start3A_637 = tpu.memref_slice %arg11[%dma_start3A_635, %dma_start3A_636] : memref<10240x64xf32, #tpu.memory_space<vmem_shared>> -> memref<10240x64xf32, #tpu.memory_space<vmem_shared>>
      tpu.enqueue_indirect_dma source(%arg9 : memref<128x64xf32, #tpu.memory_space<vmem>>) target(%dma_start3A_637 : memref<10240x64xf32, #tpu.memory_space<vmem_shared>>) offsets(%dma_start3A_634 : memref<128xi32, #tpu.memory_space<vmem>>) semaphore(%run_scoped3A_631 : memref<!tpu.dma_semaphore, #tpu.memory_space<semaphore_mem>>) {add = true}
      %dma_wait3A_638 = arith.constant 0 : i32
      %dma_wait3A_639 = tpu.memref_slice %arg7[%run_scoped3A_562, %dma_wait3A_638] : memref<79x128xi32, #tpu.memory_space<vmem>> -> memref<1x128xi32, #tpu.memory_space<vmem>>
      %dma_wait3A_640 = tpu.memref_squeeze %dma_wait3A_639 : memref<1x128xi32, #tpu.memory_space<vmem>> -> memref<128xi32, #tpu.memory_space<vmem>>
      %dma_wait3A_641 = arith.constant 0 : i32
      %dma_wait3A_642 = arith.constant 0 : i32
      %dma_wait3A_643 = tpu.memref_slice %arg11[%dma_wait3A_641, %dma_wait3A_642] : memref<10240x64xf32, #tpu.memory_space<vmem_shared>> -> memref<10240x64xf32, #tpu.memory_space<vmem_shared>>
      tpu.wait_indirect_dma semaphore(%run_scoped3A_631 : memref<!tpu.dma_semaphore, #tpu.memory_space<semaphore_mem>>) src(%arg9 : memref<128x64xf32, #tpu.memory_space<vmem>>) dst(%dma_wait3A_643 : memref<10240x64xf32, #tpu.memory_space<vmem_shared>>)
      tpu.yield
    }) : () -> ()
    %dma_wait3A_563 = arith.constant 0 : i32
    %dma_wait3A_564 = arith.constant 0 : i32
    %dma_wait3A_565 = tpu.memref_slice %arg6[%dma_wait3A_563, %dma_wait3A_564] : memref<79x128xi32, #tpu.memory_space<vmem>> -> memref<1x128xi32, #tpu.memory_space<vmem>>
    %dma_wait3A_566 = tpu.memref_squeeze %dma_wait3A_565 : memref<1x128xi32, #tpu.memory_space<vmem>> -> memref<128xi32, #tpu.memory_space<vmem>>
    %dma_wait3A_567 = arith.constant 0 : i32
    %dma_wait3A_568 = arith.constant 0 : i32
    %dma_wait3A_569 = tpu.memref_slice %arg10[%dma_wait3A_567, %dma_wait3A_568] : memref<10000x64xf32, #tpu.memory_space<vmem_shared>> -> memref<10000x64xf32, #tpu.memory_space<vmem_shared>>
    tpu.wait_indirect_dma semaphore(%arg12 : memref<!tpu.dma_semaphore, #tpu.memory_space<semaphore_mem>>) src(%dma_wait3A_569 : memref<10000x64xf32, #tpu.memory_space<vmem_shared>>) dst(%arg8 : memref<128x64xf32, #tpu.memory_space<vmem>>)
    %run_scoped3A_570 = arith.constant 78 : i32
    "tpu.region"() ({
      %run_scoped3A_631 = tpu.sem_alloc : memref<!tpu.dma_semaphore, #tpu.memory_space<semaphore_mem>>
      %dma_start3A_632 = arith.constant 0 : i32
      %dma_start3A_633 = tpu.memref_slice %arg7[%run_scoped3A_570, %dma_start3A_632] : memref<79x128xi32, #tpu.memory_space<vmem>> -> memref<1x128xi32, #tpu.memory_space<vmem>>
      %dma_start3A_634 = tpu.memref_squeeze %dma_start3A_633 : memref<1x128xi32, #tpu.memory_space<vmem>> -> memref<128xi32, #tpu.memory_space<vmem>>
      %dma_start3A_635 = arith.constant 0 : i32
      %dma_start3A_636 = arith.constant 0 : i32
      %dma_start3A_637 = tpu.memref_slice %arg11[%dma_start3A_635, %dma_start3A_636] : memref<10240x64xf32, #tpu.memory_space<vmem_shared>> -> memref<10240x64xf32, #tpu.memory_space<vmem_shared>>
      tpu.enqueue_indirect_dma source(%arg8 : memref<128x64xf32, #tpu.memory_space<vmem>>) target(%dma_start3A_637 : memref<10240x64xf32, #tpu.memory_space<vmem_shared>>) offsets(%dma_start3A_634 : memref<128xi32, #tpu.memory_space<vmem>>) semaphore(%run_scoped3A_631 : memref<!tpu.dma_semaphore, #tpu.memory_space<semaphore_mem>>) {add = true}
      %dma_wait3A_638 = arith.constant 0 : i32
      %dma_wait3A_639 = tpu.memref_slice %arg7[%run_scoped3A_570, %dma_wait3A_638] : memref<79x128xi32, #tpu.memory_space<vmem>> -> memref<1x128xi32, #tpu.memory_space<vmem>>
      %dma_wait3A_640 = tpu.memref_squeeze %dma_wait3A_639 : memref<1x128xi32, #tpu.memory_space<vmem>> -> memref<128xi32, #tpu.memory_space<vmem>>
      %dma_wait3A_641 = arith.constant 0 : i32
      %dma_wait3A_642 = arith.constant 0 : i32
      %dma_wait3A_643 = tpu.memref_slice %arg11[%dma_wait3A_641, %dma_wait3A_642] : memref<10240x64xf32, #tpu.memory_space<vmem_shared>> -> memref<10240x64xf32, #tpu.memory_space<vmem_shared>>
      tpu.wait_indirect_dma semaphore(%run_scoped3A_631 : memref<!tpu.dma_semaphore, #tpu.memory_space<semaphore_mem>>) src(%arg8 : memref<128x64xf32, #tpu.memory_space<vmem>>) dst(%dma_wait3A_643 : memref<10240x64xf32, #tpu.memory_space<vmem_shared>>)
      tpu.yield
    }) : () -> ()
    %run_scoped3A_571 = arith.constant 1 : i32
    "tpu.region"() ({
      %run_scoped3A_631 = tpu.sem_alloc : memref<!tpu.dma_semaphore, #tpu.memory_space<semaphore_mem>>
      %dma_start3A_632 = arith.constant 0 : i32
      %dma_start3A_633 = arith.constant 0 : i32
      %dma_start3A_634 = tpu.memref_slice %arg2[%arg1, %run_scoped3A_571, %dma_start3A_632, %dma_start3A_633] : memref<16x2x79x128xi32, #tpu.memory_space<hbm>> -> memref<1x1x79x128xi32, #tpu.memory_space<hbm>>
      %dma_start3A_635 = tpu.memref_squeeze %dma_start3A_634 : memref<1x1x79x128xi32, #tpu.memory_space<hbm>> -> memref<79x128xi32, #tpu.memory_space<hbm>>
      %dma_start3A_636 = arith.constant 0 : i32
      %dma_start3A_637 = arith.constant 0 : i32
      %dma_start3A_638 = tpu.memref_slice %arg2[%arg1, %run_scoped3A_571, %dma_start3A_636, %dma_start3A_637] : memref<16x2x79x128xi32, #tpu.memory_space<hbm>> -> memref<1x1x79x128xi32, #tpu.memory_space<hbm>>
      %dma_start3A_639 = tpu.memref_squeeze %dma_start3A_638 : memref<1x1x79x128xi32, #tpu.memory_space<hbm>> -> memref<79x128xi32, #tpu.memory_space<hbm>>
      tpu.enqueue_dma source(%dma_start3A_639 : memref<79x128xi32, #tpu.memory_space<hbm>>) target(%arg6 : memref<79x128xi32, #tpu.memory_space<vmem>>) target_semaphore(%run_scoped3A_631 : memref<!tpu.dma_semaphore, #tpu.memory_space<semaphore_mem>>)
      %dma_wait3A_640 = arith.constant 0 : i32
      %dma_wait3A_641 = arith.constant 0 : i32
      %dma_wait3A_642 = tpu.memref_slice %arg2[%arg1, %run_scoped3A_571, %dma_wait3A_640, %dma_wait3A_641] : memref<16x2x79x128xi32, #tpu.memory_space<hbm>> -> memref<1x1x79x128xi32, #tpu.memory_space<hbm>>
      %dma_wait3A_643 = tpu.memref_squeeze %dma_wait3A_642 : memref<1x1x79x128xi32, #tpu.memory_space<hbm>> -> memref<79x128xi32, #tpu.memory_space<hbm>>
      %dma_wait3A_644 = arith.constant 0 : i32
      %dma_wait3A_645 = arith.constant 0 : i32
      %dma_wait3A_646 = tpu.memref_slice %arg2[%arg1, %run_scoped3A_571, %dma_wait3A_644, %dma_wait3A_645] : memref<16x2x79x128xi32, #tpu.memory_space<hbm>> -> memref<1x1x79x128xi32, #tpu.memory_space<hbm>>
      %dma_wait3A_647 = tpu.memref_squeeze %dma_wait3A_646 : memref<1x1x79x128xi32, #tpu.memory_space<hbm>> -> memref<79x128xi32, #tpu.memory_space<hbm>>
      tpu.wait_dma2 semaphore(%run_scoped3A_631 : memref<!tpu.dma_semaphore, #tpu.memory_space<semaphore_mem>>) src(%dma_wait3A_647 : memref<79x128xi32, #tpu.memory_space<hbm>>) dst(%arg6 : memref<79x128xi32, #tpu.memory_space<vmem>>)
      tpu.yield
    }) : () -> ()
    %run_scoped3A_572 = arith.constant 1 : i32
    "tpu.region"() ({
      %run_scoped3A_631 = tpu.sem_alloc : memref<!tpu.dma_semaphore, #tpu.memory_space<semaphore_mem>>
      %dma_start3A_632 = arith.constant 0 : i32
      %dma_start3A_633 = arith.constant 0 : i32
      %dma_start3A_634 = tpu.memref_slice %arg3[%arg1, %run_scoped3A_572, %dma_start3A_632, %dma_start3A_633] : memref<16x2x79x128xi32, #tpu.memory_space<hbm>> -> memref<1x1x79x128xi32, #tpu.memory_space<hbm>>
      %dma_start3A_635 = tpu.memref_squeeze %dma_start3A_634 : memref<1x1x79x128xi32, #tpu.memory_space<hbm>> -> memref<79x128xi32, #tpu.memory_space<hbm>>
      %dma_start3A_636 = arith.constant 0 : i32
      %dma_start3A_637 = arith.constant 0 : i32
      %dma_start3A_638 = tpu.memref_slice %arg3[%arg1, %run_scoped3A_572, %dma_start3A_636, %dma_start3A_637] : memref<16x2x79x128xi32, #tpu.memory_space<hbm>> -> memref<1x1x79x128xi32, #tpu.memory_space<hbm>>
      %dma_start3A_639 = tpu.memref_squeeze %dma_start3A_638 : memref<1x1x79x128xi32, #tpu.memory_space<hbm>> -> memref<79x128xi32, #tpu.memory_space<hbm>>
      tpu.enqueue_dma source(%dma_start3A_639 : memref<79x128xi32, #tpu.memory_space<hbm>>) target(%arg7 : memref<79x128xi32, #tpu.memory_space<vmem>>) target_semaphore(%run_scoped3A_631 : memref<!tpu.dma_semaphore, #tpu.memory_space<semaphore_mem>>)
      %dma_wait3A_640 = arith.constant 0 : i32
      %dma_wait3A_641 = arith.constant 0 : i32
      %dma_wait3A_642 = tpu.memref_slice %arg3[%arg1, %run_scoped3A_572, %dma_wait3A_640, %dma_wait3A_641] : memref<16x2x79x128xi32, #tpu.memory_space<hbm>> -> memref<1x1x79x128xi32, #tpu.memory_space<hbm>>
      %dma_wait3A_643 = tpu.memref_squeeze %dma_wait3A_642 : memref<1x1x79x128xi32, #tpu.memory_space<hbm>> -> memref<79x128xi32, #tpu.memory_space<hbm>>
      %dma_wait3A_644 = arith.constant 0 : i32
      %dma_wait3A_645 = arith.constant 0 : i32
      %dma_wait3A_646 = tpu.memref_slice %arg3[%arg1, %run_scoped3A_572, %dma_wait3A_644, %dma_wait3A_645] : memref<16x2x79x128xi32, #tpu.memory_space<hbm>> -> memref<1x1x79x128xi32, #tpu.memory_space<hbm>>
      %dma_wait3A_647 = tpu.memref_squeeze %dma_wait3A_646 : memref<1x1x79x128xi32, #tpu.memory_space<hbm>> -> memref<79x128xi32, #tpu.memory_space<hbm>>
      tpu.wait_dma2 semaphore(%run_scoped3A_631 : memref<!tpu.dma_semaphore, #tpu.memory_space<semaphore_mem>>) src(%dma_wait3A_647 : memref<79x128xi32, #tpu.memory_space<hbm>>) dst(%arg7 : memref<79x128xi32, #tpu.memory_space<vmem>>)
      tpu.yield
    }) : () -> ()
    %dma_start3A_573 = arith.constant 0 : i32
    %dma_start3A_574 = arith.constant 0 : i32
    %dma_start3A_575 = tpu.memref_slice %arg6[%dma_start3A_573, %dma_start3A_574] : memref<79x128xi32, #tpu.memory_space<vmem>> -> memref<1x128xi32, #tpu.memory_space<vmem>>
    %dma_start3A_576 = tpu.memref_squeeze %dma_start3A_575 : memref<1x128xi32, #tpu.memory_space<vmem>> -> memref<128xi32, #tpu.memory_space<vmem>>
    %dma_start3A_577 = arith.constant 0 : i32
    %dma_start3A_578 = arith.constant 0 : i32
    %dma_start3A_579 = tpu.memref_slice %arg10[%dma_start3A_577, %dma_start3A_578] : memref<10000x64xf32, #tpu.memory_space<vmem_shared>> -> memref<10000x64xf32, #tpu.memory_space<vmem_shared>>
    tpu.enqueue_indirect_dma source(%dma_start3A_579 : memref<10000x64xf32, #tpu.memory_space<vmem_shared>>) target(%arg8 : memref<128x64xf32, #tpu.memory_space<vmem>>) offsets(%dma_start3A_576 : memref<128xi32, #tpu.memory_space<vmem>>) semaphore(%arg12 : memref<!tpu.dma_semaphore, #tpu.memory_space<semaphore_mem>>)
    %dma_start3A_580 = arith.constant 1 : i32
    %dma_start3A_581 = arith.constant 0 : i32
    %dma_start3A_582 = tpu.memref_slice %arg6[%dma_start3A_580, %dma_start3A_581] : memref<79x128xi32, #tpu.memory_space<vmem>> -> memref<1x128xi32, #tpu.memory_space<vmem>>
    %dma_start3A_583 = tpu.memref_squeeze %dma_start3A_582 : memref<1x128xi32, #tpu.memory_space<vmem>> -> memref<128xi32, #tpu.memory_space<vmem>>
    %dma_start3A_584 = arith.constant 0 : i32
    %dma_start3A_585 = arith.constant 0 : i32
    %dma_start3A_586 = tpu.memref_slice %arg10[%dma_start3A_584, %dma_start3A_585] : memref<10000x64xf32, #tpu.memory_space<vmem_shared>> -> memref<10000x64xf32, #tpu.memory_space<vmem_shared>>
    tpu.enqueue_indirect_dma source(%dma_start3A_586 : memref<10000x64xf32, #tpu.memory_space<vmem_shared>>) target(%arg9 : memref<128x64xf32, #tpu.memory_space<vmem>>) offsets(%dma_start3A_583 : memref<128xi32, #tpu.memory_space<vmem>>) semaphore(%arg13 : memref<!tpu.dma_semaphore, #tpu.memory_space<semaphore_mem>>)
    %scan3A_587 = arith.constant 0 : i32
    %scan3A_588 = arith.constant 0 : i32
    %scan3A_589 = arith.constant 38 : i32
    %scan3A_590 = arith.addi %scan3A_588, %scan3A_589 : i32
    %scan3A_591 = arith.constant 1 : i32
    scf.for %scan3A_631 = %scan3A_588 to %scan3A_590 step %scan3A_591  : i32 {
      %mul3A = arith.constant 2 : i32
      %mul3A_632 = arith.muli %mul3A, %scan3A_631 : i32
      %dma_wait3A_633 = arith.constant 0 : i32
      %dma_wait3A_634 = arith.constant 0 : i32
      %dma_wait3A_635 = tpu.memref_slice %arg6[%dma_wait3A_633, %dma_wait3A_634] : memref<79x128xi32, #tpu.memory_space<vmem>> -> memref<1x128xi32, #tpu.memory_space<vmem>>
      %dma_wait3A_636 = tpu.memref_squeeze %dma_wait3A_635 : memref<1x128xi32, #tpu.memory_space<vmem>> -> memref<128xi32, #tpu.memory_space<vmem>>
      %dma_wait3A_637 = arith.constant 0 : i32
      %dma_wait3A_638 = arith.constant 0 : i32
      %dma_wait3A_639 = tpu.memref_slice %arg10[%dma_wait3A_637, %dma_wait3A_638] : memref<10000x64xf32, #tpu.memory_space<vmem_shared>> -> memref<10000x64xf32, #tpu.memory_space<vmem_shared>>
      tpu.wait_indirect_dma semaphore(%arg12 : memref<!tpu.dma_semaphore, #tpu.memory_space<semaphore_mem>>) src(%dma_wait3A_639 : memref<10000x64xf32, #tpu.memory_space<vmem_shared>>) dst(%arg8 : memref<128x64xf32, #tpu.memory_space<vmem>>)
      "tpu.region"() ({
        %run_scoped3A_664 = tpu.sem_alloc : memref<!tpu.dma_semaphore, #tpu.memory_space<semaphore_mem>>
        %dma_start3A_665 = arith.constant 0 : i32
        %dma_start3A_666 = tpu.memref_slice %arg7[%mul3A_632, %dma_start3A_665] : memref<79x128xi32, #tpu.memory_space<vmem>> -> memref<1x128xi32, #tpu.memory_space<vmem>>
        %dma_start3A_667 = tpu.memref_squeeze %dma_start3A_666 : memref<1x128xi32, #tpu.memory_space<vmem>> -> memref<128xi32, #tpu.memory_space<vmem>>
        %dma_start3A_668 = arith.constant 0 : i32
        %dma_start3A_669 = arith.constant 0 : i32
        %dma_start3A_670 = tpu.memref_slice %arg11[%dma_start3A_668, %dma_start3A_669] : memref<10240x64xf32, #tpu.memory_space<vmem_shared>> -> memref<10240x64xf32, #tpu.memory_space<vmem_shared>>
        tpu.enqueue_indirect_dma source(%arg8 : memref<128x64xf32, #tpu.memory_space<vmem>>) target(%dma_start3A_670 : memref<10240x64xf32, #tpu.memory_space<vmem_shared>>) offsets(%dma_start3A_667 : memref<128xi32, #tpu.memory_space<vmem>>) semaphore(%run_scoped3A_664 : memref<!tpu.dma_semaphore, #tpu.memory_space<semaphore_mem>>) {add = true}
        %dma_wait3A_671 = arith.constant 0 : i32
        %dma_wait3A_672 = tpu.memref_slice %arg7[%mul3A_632, %dma_wait3A_671] : memref<79x128xi32, #tpu.memory_space<vmem>> -> memref<1x128xi32, #tpu.memory_space<vmem>>
        %dma_wait3A_673 = tpu.memref_squeeze %dma_wait3A_672 : memref<1x128xi32, #tpu.memory_space<vmem>> -> memref<128xi32, #tpu.memory_space<vmem>>
        %dma_wait3A_674 = arith.constant 0 : i32
        %dma_wait3A_675 = arith.constant 0 : i32
        %dma_wait3A_676 = tpu.memref_slice %arg11[%dma_wait3A_674, %dma_wait3A_675] : memref<10240x64xf32, #tpu.memory_space<vmem_shared>> -> memref<10240x64xf32, #tpu.memory_space<vmem_shared>>
        tpu.wait_indirect_dma semaphore(%run_scoped3A_664 : memref<!tpu.dma_semaphore, #tpu.memory_space<semaphore_mem>>) src(%arg8 : memref<128x64xf32, #tpu.memory_space<vmem>>) dst(%dma_wait3A_676 : memref<10240x64xf32, #tpu.memory_space<vmem_shared>>)
        tpu.yield
      }) : () -> ()
      %add3A = arith.constant 2 : i32
      %add3A_640 = arith.addi %mul3A_632, %add3A : i32
      %dma_start3A_641 = arith.constant 0 : i32
      %dma_start3A_642 = tpu.memref_slice %arg6[%add3A_640, %dma_start3A_641] : memref<79x128xi32, #tpu.memory_space<vmem>> -> memref<1x128xi32, #tpu.memory_space<vmem>>
      %dma_start3A_643 = tpu.memref_squeeze %dma_start3A_642 : memref<1x128xi32, #tpu.memory_space<vmem>> -> memref<128xi32, #tpu.memory_space<vmem>>
      %dma_start3A_644 = arith.constant 0 : i32
      %dma_start3A_645 = arith.constant 0 : i32
      %dma_start3A_646 = tpu.memref_slice %arg10[%dma_start3A_644, %dma_start3A_645] : memref<10000x64xf32, #tpu.memory_space<vmem_shared>> -> memref<10000x64xf32, #tpu.memory_space<vmem_shared>>
      tpu.enqueue_indirect_dma source(%dma_start3A_646 : memref<10000x64xf32, #tpu.memory_space<vmem_shared>>) target(%arg8 : memref<128x64xf32, #tpu.memory_space<vmem>>) offsets(%dma_start3A_643 : memref<128xi32, #tpu.memory_space<vmem>>) semaphore(%arg12 : memref<!tpu.dma_semaphore, #tpu.memory_space<semaphore_mem>>)
      %dma_wait3A_647 = arith.constant 0 : i32
      %dma_wait3A_648 = arith.constant 0 : i32
      %dma_wait3A_649 = tpu.memref_slice %arg6[%dma_wait3A_647, %dma_wait3A_648] : memref<79x128xi32, #tpu.memory_space<vmem>> -> memref<1x128xi32, #tpu.memory_space<vmem>>
      %dma_wait3A_650 = tpu.memref_squeeze %dma_wait3A_649 : memref<1x128xi32, #tpu.memory_space<vmem>> -> memref<128xi32, #tpu.memory_space<vmem>>
      %dma_wait3A_651 = arith.constant 0 : i32
      %dma_wait3A_652 = arith.constant 0 : i32
      %dma_wait3A_653 = tpu.memref_slice %arg10[%dma_wait3A_651, %dma_wait3A_652] : memref<10000x64xf32, #tpu.memory_space<vmem_shared>> -> memref<10000x64xf32, #tpu.memory_space<vmem_shared>>
      tpu.wait_indirect_dma semaphore(%arg13 : memref<!tpu.dma_semaphore, #tpu.memory_space<semaphore_mem>>) src(%dma_wait3A_653 : memref<10000x64xf32, #tpu.memory_space<vmem_shared>>) dst(%arg9 : memref<128x64xf32, #tpu.memory_space<vmem>>)
      %add3A_654 = arith.constant 1 : i32
      %add3A_655 = arith.addi %mul3A_632, %add3A_654 : i32
      "tpu.region"() ({
        %run_scoped3A_664 = tpu.sem_alloc : memref<!tpu.dma_semaphore, #tpu.memory_space<semaphore_mem>>
        %dma_start3A_665 = arith.constant 0 : i32
        %dma_start3A_666 = tpu.memref_slice %arg7[%add3A_655, %dma_start3A_665] : memref<79x128xi32, #tpu.memory_space<vmem>> -> memref<1x128xi32, #tpu.memory_space<vmem>>
        %dma_start3A_667 = tpu.memref_squeeze %dma_start3A_666 : memref<1x128xi32, #tpu.memory_space<vmem>> -> memref<128xi32, #tpu.memory_space<vmem>>
        %dma_start3A_668 = arith.constant 0 : i32
        %dma_start3A_669 = arith.constant 0 : i32
        %dma_start3A_670 = tpu.memref_slice %arg11[%dma_start3A_668, %dma_start3A_669] : memref<10240x64xf32, #tpu.memory_space<vmem_shared>> -> memref<10240x64xf32, #tpu.memory_space<vmem_shared>>
        tpu.enqueue_indirect_dma source(%arg9 : memref<128x64xf32, #tpu.memory_space<vmem>>) target(%dma_start3A_670 : memref<10240x64xf32, #tpu.memory_space<vmem_shared>>) offsets(%dma_start3A_667 : memref<128xi32, #tpu.memory_space<vmem>>) semaphore(%run_scoped3A_664 : memref<!tpu.dma_semaphore, #tpu.memory_space<semaphore_mem>>) {add = true}
        %dma_wait3A_671 = arith.constant 0 : i32
        %dma_wait3A_672 = tpu.memref_slice %arg7[%add3A_655, %dma_wait3A_671] : memref<79x128xi32, #tpu.memory_space<vmem>> -> memref<1x128xi32, #tpu.memory_space<vmem>>
        %dma_wait3A_673 = tpu.memref_squeeze %dma_wait3A_672 : memref<1x128xi32, #tpu.memory_space<vmem>> -> memref<128xi32, #tpu.memory_space<vmem>>
        %dma_wait3A_674 = arith.constant 0 : i32
        %dma_wait3A_675 = arith.constant 0 : i32
        %dma_wait3A_676 = tpu.memref_slice %arg11[%dma_wait3A_674, %dma_wait3A_675] : memref<10240x64xf32, #tpu.memory_space<vmem_shared>> -> memref<10240x64xf32, #tpu.memory_space<vmem_shared>>
        tpu.wait_indirect_dma semaphore(%run_scoped3A_664 : memref<!tpu.dma_semaphore, #tpu.memory_space<semaphore_mem>>) src(%arg9 : memref<128x64xf32, #tpu.memory_space<vmem>>) dst(%dma_wait3A_676 : memref<10240x64xf32, #tpu.memory_space<vmem_shared>>)
        tpu.yield
      }) : () -> ()
      %add3A_656 = arith.constant 3 : i32
      %add3A_657 = arith.addi %mul3A_632, %add3A_656 : i32
      %dma_start3A_658 = arith.constant 0 : i32
      %dma_start3A_659 = tpu.memref_slice %arg6[%add3A_657, %dma_start3A_658] : memref<79x128xi32, #tpu.memory_space<vmem>> -> memref<1x128xi32, #tpu.memory_space<vmem>>
      %dma_start3A_660 = tpu.memref_squeeze %dma_start3A_659 : memref<1x128xi32, #tpu.memory_space<vmem>> -> memref<128xi32, #tpu.memory_space<vmem>>
      %dma_start3A_661 = arith.constant 0 : i32
      %dma_start3A_662 = arith.constant 0 : i32
      %dma_start3A_663 = tpu.memref_slice %arg10[%dma_start3A_661, %dma_start3A_662] : memref<10000x64xf32, #tpu.memory_space<vmem_shared>> -> memref<10000x64xf32, #tpu.memory_space<vmem_shared>>
      tpu.enqueue_indirect_dma source(%dma_start3A_663 : memref<10000x64xf32, #tpu.memory_space<vmem_shared>>) target(%arg9 : memref<128x64xf32, #tpu.memory_space<vmem>>) offsets(%dma_start3A_660 : memref<128xi32, #tpu.memory_space<vmem>>) semaphore(%arg13 : memref<!tpu.dma_semaphore, #tpu.memory_space<semaphore_mem>>)
    }
    %scan3A_592 = arith.constant 38 : i32
    %dma_wait3A_593 = arith.constant 0 : i32
    %dma_wait3A_594 = arith.constant 0 : i32
    %dma_wait3A_595 = tpu.memref_slice %arg6[%dma_wait3A_593, %dma_wait3A_594] : memref<79x128xi32, #tpu.memory_space<vmem>> -> memref<1x128xi32, #tpu.memory_space<vmem>>
    %dma_wait3A_596 = tpu.memref_squeeze %dma_wait3A_595 : memref<1x128xi32, #tpu.memory_space<vmem>> -> memref<128xi32, #tpu.memory_space<vmem>>
    %dma_wait3A_597 = arith.constant 0 : i32
    %dma_wait3A_598 = arith.constant 0 : i32
    %dma_wait3A_599 = tpu.memref_slice %arg10[%dma_wait3A_597, %dma_wait3A_598] : memref<10000x64xf32, #tpu.memory_space<vmem_shared>> -> memref<10000x64xf32, #tpu.memory_space<vmem_shared>>
    tpu.wait_indirect_dma semaphore(%arg12 : memref<!tpu.dma_semaphore, #tpu.memory_space<semaphore_mem>>) src(%dma_wait3A_599 : memref<10000x64xf32, #tpu.memory_space<vmem_shared>>) dst(%arg8 : memref<128x64xf32, #tpu.memory_space<vmem>>)
    %run_scoped3A_600 = arith.constant 76 : i32
    "tpu.region"() ({
      %run_scoped3A_631 = tpu.sem_alloc : memref<!tpu.dma_semaphore, #tpu.memory_space<semaphore_mem>>
      %dma_start3A_632 = arith.constant 0 : i32
      %dma_start3A_633 = tpu.memref_slice %arg7[%run_scoped3A_600, %dma_start3A_632] : memref<79x128xi32, #tpu.memory_space<vmem>> -> memref<1x128xi32, #tpu.memory_space<vmem>>
      %dma_start3A_634 = tpu.memref_squeeze %dma_start3A_633 : memref<1x128xi32, #tpu.memory_space<vmem>> -> memref<128xi32, #tpu.memory_space<vmem>>
      %dma_start3A_635 = arith.constant 0 : i32
      %dma_start3A_636 = arith.constant 0 : i32
      %dma_start3A_637 = tpu.memref_slice %arg11[%dma_start3A_635, %dma_start3A_636] : memref<10240x64xf32, #tpu.memory_space<vmem_shared>> -> memref<10240x64xf32, #tpu.memory_space<vmem_shared>>
      tpu.enqueue_indirect_dma source(%arg8 : memref<128x64xf32, #tpu.memory_space<vmem>>) target(%dma_start3A_637 : memref<10240x64xf32, #tpu.memory_space<vmem_shared>>) offsets(%dma_start3A_634 : memref<128xi32, #tpu.memory_space<vmem>>) semaphore(%run_scoped3A_631 : memref<!tpu.dma_semaphore, #tpu.memory_space<semaphore_mem>>) {add = true}
      %dma_wait3A_638 = arith.constant 0 : i32
      %dma_wait3A_639 = tpu.memref_slice %arg7[%run_scoped3A_600, %dma_wait3A_638] : memref<79x128xi32, #tpu.memory_space<vmem>> -> memref<1x128xi32, #tpu.memory_space<vmem>>
      %dma_wait3A_640 = tpu.memref_squeeze %dma_wait3A_639 : memref<1x128xi32, #tpu.memory_space<vmem>> -> memref<128xi32, #tpu.memory_space<vmem>>
      %dma_wait3A_641 = arith.constant 0 : i32
      %dma_wait3A_642 = arith.constant 0 : i32
      %dma_wait3A_643 = tpu.memref_slice %arg11[%dma_wait3A_641, %dma_wait3A_642] : memref<10240x64xf32, #tpu.memory_space<vmem_shared>> -> memref<10240x64xf32, #tpu.memory_space<vmem_shared>>
      tpu.wait_indirect_dma semaphore(%run_scoped3A_631 : memref<!tpu.dma_semaphore, #tpu.memory_space<semaphore_mem>>) src(%arg8 : memref<128x64xf32, #tpu.memory_space<vmem>>) dst(%dma_wait3A_643 : memref<10240x64xf32, #tpu.memory_space<vmem_shared>>)
      tpu.yield
    }) : () -> ()
    %dma_start3A_601 = arith.constant 78 : i32
    %dma_start3A_602 = arith.constant 0 : i32
    %dma_start3A_603 = tpu.memref_slice %arg6[%dma_start3A_601, %dma_start3A_602] : memref<79x128xi32, #tpu.memory_space<vmem>> -> memref<1x128xi32, #tpu.memory_space<vmem>>
    %dma_start3A_604 = tpu.memref_squeeze %dma_start3A_603 : memref<1x128xi32, #tpu.memory_space<vmem>> -> memref<128xi32, #tpu.memory_space<vmem>>
    %dma_start3A_605 = arith.constant 0 : i32
    %dma_start3A_606 = arith.constant 0 : i32
    %dma_start3A_607 = tpu.memref_slice %arg10[%dma_start3A_605, %dma_start3A_606] : memref<10000x64xf32, #tpu.memory_space<vmem_shared>> -> memref<10000x64xf32, #tpu.memory_space<vmem_shared>>
    tpu.enqueue_indirect_dma source(%dma_start3A_607 : memref<10000x64xf32, #tpu.memory_space<vmem_shared>>) target(%arg8 : memref<128x64xf32, #tpu.memory_space<vmem>>) offsets(%dma_start3A_604 : memref<128xi32, #tpu.memory_space<vmem>>) semaphore(%arg12 : memref<!tpu.dma_semaphore, #tpu.memory_space<semaphore_mem>>)
    %dma_wait3A_608 = arith.constant 0 : i32
    %dma_wait3A_609 = arith.constant 0 : i32
    %dma_wait3A_610 = tpu.memref_slice %arg6[%dma_wait3A_608, %dma_wait3A_609] : memref<79x128xi32, #tpu.memory_space<vmem>> -> memref<1x128xi32, #tpu.memory_space<vmem>>
    %dma_wait3A_611 = tpu.memref_squeeze %dma_wait3A_610 : memref<1x128xi32, #tpu.memory_space<vmem>> -> memref<128xi32, #tpu.memory_space<vmem>>
    %dma_wait3A_612 = arith.constant 0 : i32
    %dma_wait3A_613 = arith.constant 0 : i32
    %dma_wait3A_614 = tpu.memref_slice %arg10[%dma_wait3A_612, %dma_wait3A_613] : memref<10000x64xf32, #tpu.memory_space<vmem_shared>> -> memref<10000x64xf32, #tpu.memory_space<vmem_shared>>
    tpu.wait_indirect_dma semaphore(%arg13 : memref<!tpu.dma_semaphore, #tpu.memory_space<semaphore_mem>>) src(%dma_wait3A_614 : memref<10000x64xf32, #tpu.memory_space<vmem_shared>>) dst(%arg9 : memref<128x64xf32, #tpu.memory_space<vmem>>)
    %run_scoped3A_615 = arith.constant 77 : i32
    "tpu.region"() ({
      %run_scoped3A_631 = tpu.sem_alloc : memref<!tpu.dma_semaphore, #tpu.memory_space<semaphore_mem>>
      %dma_start3A_632 = arith.constant 0 : i32
      %dma_start3A_633 = tpu.memref_slice %arg7[%run_scoped3A_615, %dma_start3A_632] : memref<79x128xi32, #tpu.memory_space<vmem>> -> memref<1x128xi32, #tpu.memory_space<vmem>>
      %dma_start3A_634 = tpu.memref_squeeze %dma_start3A_633 : memref<1x128xi32, #tpu.memory_space<vmem>> -> memref<128xi32, #tpu.memory_space<vmem>>
      %dma_start3A_635 = arith.constant 0 : i32
      %dma_start3A_636 = arith.constant 0 : i32
      %dma_start3A_637 = tpu.memref_slice %arg11[%dma_start3A_635, %dma_start3A_636] : memref<10240x64xf32, #tpu.memory_space<vmem_shared>> -> memref<10240x64xf32, #tpu.memory_space<vmem_shared>>
      tpu.enqueue_indirect_dma source(%arg9 : memref<128x64xf32, #tpu.memory_space<vmem>>) target(%dma_start3A_637 : memref<10240x64xf32, #tpu.memory_space<vmem_shared>>) offsets(%dma_start3A_634 : memref<128xi32, #tpu.memory_space<vmem>>) semaphore(%run_scoped3A_631 : memref<!tpu.dma_semaphore, #tpu.memory_space<semaphore_mem>>) {add = true}
      %dma_wait3A_638 = arith.constant 0 : i32
      %dma_wait3A_639 = tpu.memref_slice %arg7[%run_scoped3A_615, %dma_wait3A_638] : memref<79x128xi32, #tpu.memory_space<vmem>> -> memref<1x128xi32, #tpu.memory_space<vmem>>
      %dma_wait3A_640 = tpu.memref_squeeze %dma_wait3A_639 : memref<1x128xi32, #tpu.memory_space<vmem>> -> memref<128xi32, #tpu.memory_space<vmem>>
      %dma_wait3A_641 = arith.constant 0 : i32
      %dma_wait3A_642 = arith.constant 0 : i32
      %dma_wait3A_643 = tpu.memref_slice %arg11[%dma_wait3A_641, %dma_wait3A_642] : memref<10240x64xf32, #tpu.memory_space<vmem_shared>> -> memref<10240x64xf32, #tpu.memory_space<vmem_shared>>
      tpu.wait_indirect_dma semaphore(%run_scoped3A_631 : memref<!tpu.dma_semaphore, #tpu.memory_space<semaphore_mem>>) src(%arg9 : memref<128x64xf32, #tpu.memory_space<vmem>>) dst(%dma_wait3A_643 : memref<10240x64xf32, #tpu.memory_space<vmem_shared>>)
      tpu.yield
    }) : () -> ()
    %dma_wait3A_616 = arith.constant 0 : i32
    %dma_wait3A_617 = arith.constant 0 : i32
    %dma_wait3A_618 = tpu.memref_slice %arg6[%dma_wait3A_616, %dma_wait3A_617] : memref<79x128xi32, #tpu.memory_space<vmem>> -> memref<1x128xi32, #tpu.memory_space<vmem>>
    %dma_wait3A_619 = tpu.memref_squeeze %dma_wait3A_618 : memref<1x128xi32, #tpu.memory_space<vmem>> -> memref<128xi32, #tpu.memory_space<vmem>>
    %dma_wait3A_620 = arith.constant 0 : i32
    %dma_wait3A_621 = arith.constant 0 : i32
    %dma_wait3A_622 = tpu.memref_slice %arg10[%dma_wait3A_620, %dma_wait3A_621] : memref<10000x64xf32, #tpu.memory_space<vmem_shared>> -> memref<10000x64xf32, #tpu.memory_space<vmem_shared>>
    tpu.wait_indirect_dma semaphore(%arg12 : memref<!tpu.dma_semaphore, #tpu.memory_space<semaphore_mem>>) src(%dma_wait3A_622 : memref<10000x64xf32, #tpu.memory_space<vmem_shared>>) dst(%arg8 : memref<128x64xf32, #tpu.memory_space<vmem>>)
    %run_scoped3A_623 = arith.constant 78 : i32
    "tpu.region"() ({
      %run_scoped3A_631 = tpu.sem_alloc : memref<!tpu.dma_semaphore, #tpu.memory_space<semaphore_mem>>
      %dma_start3A_632 = arith.constant 0 : i32
      %dma_start3A_633 = tpu.memref_slice %arg7[%run_scoped3A_623, %dma_start3A_632] : memref<79x128xi32, #tpu.memory_space<vmem>> -> memref<1x128xi32, #tpu.memory_space<vmem>>
      %dma_start3A_634 = tpu.memref_squeeze %dma_start3A_633 : memref<1x128xi32, #tpu.memory_space<vmem>> -> memref<128xi32, #tpu.memory_space<vmem>>
      %dma_start3A_635 = arith.constant 0 : i32
      %dma_start3A_636 = arith.constant 0 : i32
      %dma_start3A_637 = tpu.memref_slice %arg11[%dma_start3A_635, %dma_start3A_636] : memref<10240x64xf32, #tpu.memory_space<vmem_shared>> -> memref<10240x64xf32, #tpu.memory_space<vmem_shared>>
      tpu.enqueue_indirect_dma source(%arg8 : memref<128x64xf32, #tpu.memory_space<vmem>>) target(%dma_start3A_637 : memref<10240x64xf32, #tpu.memory_space<vmem_shared>>) offsets(%dma_start3A_634 : memref<128xi32, #tpu.memory_space<vmem>>) semaphore(%run_scoped3A_631 : memref<!tpu.dma_semaphore, #tpu.memory_space<semaphore_mem>>) {add = true}
      %dma_wait3A_638 = arith.constant 0 : i32
      %dma_wait3A_639 = tpu.memref_slice %arg7[%run_scoped3A_623, %dma_wait3A_638] : memref<79x128xi32, #tpu.memory_space<vmem>> -> memref<1x128xi32, #tpu.memory_space<vmem>>
      %dma_wait3A_640 = tpu.memref_squeeze %dma_wait3A_639 : memref<1x128xi32, #tpu.memory_space<vmem>> -> memref<128xi32, #tpu.memory_space<vmem>>
      %dma_wait3A_641 = arith.constant 0 : i32
      %dma_wait3A_642 = arith.constant 0 : i32
      %dma_wait3A_643 = tpu.memref_slice %arg11[%dma_wait3A_641, %dma_wait3A_642] : memref<10240x64xf32, #tpu.memory_space<vmem_shared>> -> memref<10240x64xf32, #tpu.memory_space<vmem_shared>>
      tpu.wait_indirect_dma semaphore(%run_scoped3A_631 : memref<!tpu.dma_semaphore, #tpu.memory_space<semaphore_mem>>) src(%arg8 : memref<128x64xf32, #tpu.memory_space<vmem>>) dst(%dma_wait3A_643 : memref<10240x64xf32, #tpu.memory_space<vmem_shared>>)
      tpu.yield
    }) : () -> ()
    %barrier3A_624 = arith.constant 0 : index
    tpu.barrier barrier_id(%barrier3A_624)
    %scan3A_625 = arith.constant 0 : i32
    %scan3A_626 = arith.constant 0 : i32
    %scan3A_627 = arith.constant 5 : i32
    %scan3A_628 = arith.addi %scan3A_626, %scan3A_627 : i32
    %scan3A_629 = arith.constant 1 : i32
    scf.for %scan3A_631 = %scan3A_626 to %scan3A_628 step %scan3A_629  : i32 {
      %mul3A = arith.constant 640 : i32
      %mul3A_632 = arith.muli %arg1, %mul3A : i32
      %mul3A_633 = arith.constant 128 : i32
      %mul3A_634 = arith.muli %mul3A_633, %scan3A_631 : i32
      %add3A = arith.addi %mul3A_632, %mul3A_634 : i32
      "tpu.region"() ({
        %run_scoped3A_635 = tpu.sem_alloc : memref<!tpu.dma_semaphore, #tpu.memory_space<semaphore_mem>>
        %dma_start3A_636 = arith.constant 0 : i32
        %dma_start3A_637 = tpu.memref_slice %arg11[%add3A, %dma_start3A_636] : memref<10240x64xf32, #tpu.memory_space<vmem_shared>> -> memref<128x64xf32, #tpu.memory_space<vmem_shared>>
        %dma_start3A_638 = arith.constant 0 : i32
        %dma_start3A_639 = tpu.memref_slice %arg11[%add3A, %dma_start3A_638] : memref<10240x64xf32, #tpu.memory_space<vmem_shared>> -> memref<128x64xf32, #tpu.memory_space<vmem_shared>>
        tpu.enqueue_dma source(%dma_start3A_639 : memref<128x64xf32, #tpu.memory_space<vmem_shared>>) target(%arg8 : memref<128x64xf32, #tpu.memory_space<vmem>>) target_semaphore(%run_scoped3A_635 : memref<!tpu.dma_semaphore, #tpu.memory_space<semaphore_mem>>)
        %dma_wait3A_640 = arith.constant 0 : i32
        %dma_wait3A_641 = tpu.memref_slice %arg11[%add3A, %dma_wait3A_640] : memref<10240x64xf32, #tpu.memory_space<vmem_shared>> -> memref<128x64xf32, #tpu.memory_space<vmem_shared>>
        %dma_wait3A_642 = arith.constant 0 : i32
        %dma_wait3A_643 = tpu.memref_slice %arg11[%add3A, %dma_wait3A_642] : memref<10240x64xf32, #tpu.memory_space<vmem_shared>> -> memref<128x64xf32, #tpu.memory_space<vmem_shared>>
        tpu.wait_dma2 semaphore(%run_scoped3A_635 : memref<!tpu.dma_semaphore, #tpu.memory_space<semaphore_mem>>) src(%dma_wait3A_643 : memref<128x64xf32, #tpu.memory_space<vmem_shared>>) dst(%arg8 : memref<128x64xf32, #tpu.memory_space<vmem>>)
        tpu.yield
      }) : () -> ()
      "tpu.region"() ({
        %run_scoped3A_635 = tpu.sem_alloc : memref<!tpu.dma_semaphore, #tpu.memory_space<semaphore_mem>>
        %dma_start3A_636 = arith.constant 0 : i32
        %dma_start3A_637 = tpu.memref_slice %arg5[%arg0, %add3A, %dma_start3A_636] : memref<2x10240x64xf32, #tpu.memory_space<hbm>> -> memref<1x128x64xf32, #tpu.memory_space<hbm>>
        %dma_start3A_638 = tpu.memref_squeeze %dma_start3A_637 : memref<1x128x64xf32, #tpu.memory_space<hbm>> -> memref<128x64xf32, #tpu.memory_space<hbm>>
        %dma_start3A_639 = arith.constant 0 : i32
        %dma_start3A_640 = tpu.memref_slice %arg5[%arg0, %add3A, %dma_start3A_639] : memref<2x10240x64xf32, #tpu.memory_space<hbm>> -> memref<1x128x64xf32, #tpu.memory_space<hbm>>
        %dma_start3A_641 = tpu.memref_squeeze %dma_start3A_640 : memref<1x128x64xf32, #tpu.memory_space<hbm>> -> memref<128x64xf32, #tpu.memory_space<hbm>>
        tpu.enqueue_dma source(%arg8 : memref<128x64xf32, #tpu.memory_space<vmem>>) target(%dma_start3A_641 : memref<128x64xf32, #tpu.memory_space<hbm>>) target_semaphore(%run_scoped3A_635 : memref<!tpu.dma_semaphore, #tpu.memory_space<semaphore_mem>>)
        %dma_wait3A_642 = arith.constant 0 : i32
        %dma_wait3A_643 = tpu.memref_slice %arg5[%arg0, %add3A, %dma_wait3A_642] : memref<2x10240x64xf32, #tpu.memory_space<hbm>> -> memref<1x128x64xf32, #tpu.memory_space<hbm>>
        %dma_wait3A_644 = tpu.memref_squeeze %dma_wait3A_643 : memref<1x128x64xf32, #tpu.memory_space<hbm>> -> memref<128x64xf32, #tpu.memory_space<hbm>>
        %dma_wait3A_645 = arith.constant 0 : i32
        %dma_wait3A_646 = tpu.memref_slice %arg5[%arg0, %add3A, %dma_wait3A_645] : memref<2x10240x64xf32, #tpu.memory_space<hbm>> -> memref<1x128x64xf32, #tpu.memory_space<hbm>>
        %dma_wait3A_647 = tpu.memref_squeeze %dma_wait3A_646 : memref<1x128x64xf32, #tpu.memory_space<hbm>> -> memref<128x64xf32, #tpu.memory_space<hbm>>
        tpu.wait_dma2 semaphore(%run_scoped3A_635 : memref<!tpu.dma_semaphore, #tpu.memory_space<semaphore_mem>>) src(%arg8 : memref<128x64xf32, #tpu.memory_space<vmem>>) dst(%dma_wait3A_647 : memref<128x64xf32, #tpu.memory_space<hbm>>)
        tpu.yield
      }) : () -> ()
    }
    %scan3A_630 = arith.constant 5 : i32
    return
  }
}

#map = affine_map<(d0, d1) -> (0, 0, 0)>
#map1 = affine_map<(d0, d1) -> (0, 0)>
module attributes {stable_mosaic.version = 14 : i64} {
  func.func @_sc_hist_body(%arg0: i32, %arg1: i32, %arg2: memref<32x80x128xi32, #tpu.memory_space<hbm>>, %arg3: memref<2x10240xf32, #tpu.memory_space<hbm>>, %arg4: memref<80x128xi32, #tpu.memory_space<vmem>>, %arg5: memref<128xf32, #tpu.memory_space<vmem>>, %arg6: memref<640xf32, #tpu.memory_space<vmem>>, %arg7: memref<10240xf32, #tpu.memory_space<vmem_shared>>) attributes {dimension_semantics = [#tpu.dimension_semantics<core_parallel>, #tpu.dimension_semantics<subcore_parallel>], iteration_bounds = array<i64: 2, 16>, scalar_prefetch = 0 : i64, scratch_operands = 4 : i64, tpu.core_type = #tpu.core_type<sc_vector_subcore>, window_params = [{transform_indices = #map}, {transform_indices = #map1}]} {
    %mul3A = arith.constant 16 : i32
    %mul3A_0 = arith.muli %arg0, %mul3A : i32
    %add3A = arith.addi %mul3A_0, %arg1 : i32
    %broadcast_in_dim3A = arith.constant 1.000000e+00 : f32
    %broadcast_in_dim3A_1 = vector.broadcast %broadcast_in_dim3A : f32 to vector<16xf32>
    %swap3A = arith.constant 0 : index
    %swap3A_2 = tpu.vector_load %arg5[%swap3A] {strides = array<i32>} : memref<128xf32, #tpu.memory_space<vmem>>, vector<16xf32>,
    %swap3A_3 = vector.shape_cast %swap3A_2 : vector<16xf32> to vector<16xf32>
    %swap3A_4 = vector.shape_cast %broadcast_in_dim3A_1 : vector<16xf32> to vector<16xf32>
    tpu.vector_store %arg5[%swap3A], %swap3A_4 {strides = array<i32>} : memref<128xf32, #tpu.memory_space<vmem>>, vector<16xf32>,
    %broadcast_in_dim3A_5 = arith.constant 1.000000e+00 : f32
    %broadcast_in_dim3A_6 = vector.broadcast %broadcast_in_dim3A_5 : f32 to vector<16xf32>
    %swap3A_7 = arith.constant 16 : index
    %swap3A_8 = tpu.vector_load %arg5[%swap3A_7] {strides = array<i32>} : memref<128xf32, #tpu.memory_space<vmem>>, vector<16xf32>,
    %swap3A_9 = vector.shape_cast %swap3A_8 : vector<16xf32> to vector<16xf32>
    %swap3A_10 = vector.shape_cast %broadcast_in_dim3A_6 : vector<16xf32> to vector<16xf32>
    tpu.vector_store %arg5[%swap3A_7], %swap3A_10 {strides = array<i32>} : memref<128xf32, #tpu.memory_space<vmem>>, vector<16xf32>,
    %broadcast_in_dim3A_11 = arith.constant 1.000000e+00 : f32
    %broadcast_in_dim3A_12 = vector.broadcast %broadcast_in_dim3A_11 : f32 to vector<16xf32>
    %swap3A_13 = arith.constant 32 : index
    %swap3A_14 = tpu.vector_load %arg5[%swap3A_13] {strides = array<i32>} : memref<128xf32, #tpu.memory_space<vmem>>, vector<16xf32>,
    %swap3A_15 = vector.shape_cast %swap3A_14 : vector<16xf32> to vector<16xf32>
    %swap3A_16 = vector.shape_cast %broadcast_in_dim3A_12 : vector<16xf32> to vector<16xf32>
    tpu.vector_store %arg5[%swap3A_13], %swap3A_16 {strides = array<i32>} : memref<128xf32, #tpu.memory_space<vmem>>, vector<16xf32>,
    %broadcast_in_dim3A_17 = arith.constant 1.000000e+00 : f32
    %broadcast_in_dim3A_18 = vector.broadcast %broadcast_in_dim3A_17 : f32 to vector<16xf32>
    %swap3A_19 = arith.constant 48 : index
    %swap3A_20 = tpu.vector_load %arg5[%swap3A_19] {strides = array<i32>} : memref<128xf32, #tpu.memory_space<vmem>>, vector<16xf32>,
    %swap3A_21 = vector.shape_cast %swap3A_20 : vector<16xf32> to vector<16xf32>
    %swap3A_22 = vector.shape_cast %broadcast_in_dim3A_18 : vector<16xf32> to vector<16xf32>
    tpu.vector_store %arg5[%swap3A_19], %swap3A_22 {strides = array<i32>} : memref<128xf32, #tpu.memory_space<vmem>>, vector<16xf32>,
    %broadcast_in_dim3A_23 = arith.constant 1.000000e+00 : f32
    %broadcast_in_dim3A_24 = vector.broadcast %broadcast_in_dim3A_23 : f32 to vector<16xf32>
    %swap3A_25 = arith.constant 64 : index
    %swap3A_26 = tpu.vector_load %arg5[%swap3A_25] {strides = array<i32>} : memref<128xf32, #tpu.memory_space<vmem>>, vector<16xf32>,
    %swap3A_27 = vector.shape_cast %swap3A_26 : vector<16xf32> to vector<16xf32>
    %swap3A_28 = vector.shape_cast %broadcast_in_dim3A_24 : vector<16xf32> to vector<16xf32>
    tpu.vector_store %arg5[%swap3A_25], %swap3A_28 {strides = array<i32>} : memref<128xf32, #tpu.memory_space<vmem>>, vector<16xf32>,
    %broadcast_in_dim3A_29 = arith.constant 1.000000e+00 : f32
    %broadcast_in_dim3A_30 = vector.broadcast %broadcast_in_dim3A_29 : f32 to vector<16xf32>
    %swap3A_31 = arith.constant 80 : index
    %swap3A_32 = tpu.vector_load %arg5[%swap3A_31] {strides = array<i32>} : memref<128xf32, #tpu.memory_space<vmem>>, vector<16xf32>,
    %swap3A_33 = vector.shape_cast %swap3A_32 : vector<16xf32> to vector<16xf32>
    %swap3A_34 = vector.shape_cast %broadcast_in_dim3A_30 : vector<16xf32> to vector<16xf32>
    tpu.vector_store %arg5[%swap3A_31], %swap3A_34 {strides = array<i32>} : memref<128xf32, #tpu.memory_space<vmem>>, vector<16xf32>,
    %broadcast_in_dim3A_35 = arith.constant 1.000000e+00 : f32
    %broadcast_in_dim3A_36 = vector.broadcast %broadcast_in_dim3A_35 : f32 to vector<16xf32>
    %swap3A_37 = arith.constant 96 : index
    %swap3A_38 = tpu.vector_load %arg5[%swap3A_37] {strides = array<i32>} : memref<128xf32, #tpu.memory_space<vmem>>, vector<16xf32>,
    %swap3A_39 = vector.shape_cast %swap3A_38 : vector<16xf32> to vector<16xf32>
    %swap3A_40 = vector.shape_cast %broadcast_in_dim3A_36 : vector<16xf32> to vector<16xf32>
    tpu.vector_store %arg5[%swap3A_37], %swap3A_40 {strides = array<i32>} : memref<128xf32, #tpu.memory_space<vmem>>, vector<16xf32>,
    %broadcast_in_dim3A_41 = arith.constant 1.000000e+00 : f32
    %broadcast_in_dim3A_42 = vector.broadcast %broadcast_in_dim3A_41 : f32 to vector<16xf32>
    %swap3A_43 = arith.constant 112 : index
    %swap3A_44 = tpu.vector_load %arg5[%swap3A_43] {strides = array<i32>} : memref<128xf32, #tpu.memory_space<vmem>>, vector<16xf32>,
    %swap3A_45 = vector.shape_cast %swap3A_44 : vector<16xf32> to vector<16xf32>
    %swap3A_46 = vector.shape_cast %broadcast_in_dim3A_42 : vector<16xf32> to vector<16xf32>
    tpu.vector_store %arg5[%swap3A_43], %swap3A_46 {strides = array<i32>} : memref<128xf32, #tpu.memory_space<vmem>>, vector<16xf32>,
    %broadcast_in_dim3A_47 = arith.constant 0.000000e+00 : f32
    %broadcast_in_dim3A_48 = vector.broadcast %broadcast_in_dim3A_47 : f32 to vector<16xf32>
    %swap3A_49 = arith.constant 0 : index
    %swap3A_50 = tpu.vector_load %arg6[%swap3A_49] {strides = array<i32>} : memref<640xf32, #tpu.memory_space<vmem>>, vector<16xf32>,
    %swap3A_51 = vector.shape_cast %swap3A_50 : vector<16xf32> to vector<16xf32>
    %swap3A_52 = vector.shape_cast %broadcast_in_dim3A_48 : vector<16xf32> to vector<16xf32>
    tpu.vector_store %arg6[%swap3A_49], %swap3A_52 {strides = array<i32>} : memref<640xf32, #tpu.memory_space<vmem>>, vector<16xf32>,
    %broadcast_in_dim3A_53 = arith.constant 0.000000e+00 : f32
    %broadcast_in_dim3A_54 = vector.broadcast %broadcast_in_dim3A_53 : f32 to vector<16xf32>
    %swap3A_55 = arith.constant 16 : index
    %swap3A_56 = tpu.vector_load %arg6[%swap3A_55] {strides = array<i32>} : memref<640xf32, #tpu.memory_space<vmem>>, vector<16xf32>,
    %swap3A_57 = vector.shape_cast %swap3A_56 : vector<16xf32> to vector<16xf32>
    %swap3A_58 = vector.shape_cast %broadcast_in_dim3A_54 : vector<16xf32> to vector<16xf32>
    tpu.vector_store %arg6[%swap3A_55], %swap3A_58 {strides = array<i32>} : memref<640xf32, #tpu.memory_space<vmem>>, vector<16xf32>,
    %broadcast_in_dim3A_59 = arith.constant 0.000000e+00 : f32
    %broadcast_in_dim3A_60 = vector.broadcast %broadcast_in_dim3A_59 : f32 to vector<16xf32>
    %swap3A_61 = arith.constant 32 : index
    %swap3A_62 = tpu.vector_load %arg6[%swap3A_61] {strides = array<i32>} : memref<640xf32, #tpu.memory_space<vmem>>, vector<16xf32>,
    %swap3A_63 = vector.shape_cast %swap3A_62 : vector<16xf32> to vector<16xf32>
    %swap3A_64 = vector.shape_cast %broadcast_in_dim3A_60 : vector<16xf32> to vector<16xf32>
    tpu.vector_store %arg6[%swap3A_61], %swap3A_64 {strides = array<i32>} : memref<640xf32, #tpu.memory_space<vmem>>, vector<16xf32>,
    %broadcast_in_dim3A_65 = arith.constant 0.000000e+00 : f32
    %broadcast_in_dim3A_66 = vector.broadcast %broadcast_in_dim3A_65 : f32 to vector<16xf32>
    %swap3A_67 = arith.constant 48 : index
    %swap3A_68 = tpu.vector_load %arg6[%swap3A_67] {strides = array<i32>} : memref<640xf32, #tpu.memory_space<vmem>>, vector<16xf32>,
    %swap3A_69 = vector.shape_cast %swap3A_68 : vector<16xf32> to vector<16xf32>
    %swap3A_70 = vector.shape_cast %broadcast_in_dim3A_66 : vector<16xf32> to vector<16xf32>
    tpu.vector_store %arg6[%swap3A_67], %swap3A_70 {strides = array<i32>} : memref<640xf32, #tpu.memory_space<vmem>>, vector<16xf32>,
    %broadcast_in_dim3A_71 = arith.constant 0.000000e+00 : f32
    %broadcast_in_dim3A_72 = vector.broadcast %broadcast_in_dim3A_71 : f32 to vector<16xf32>
    %swap3A_73 = arith.constant 64 : index
    %swap3A_74 = tpu.vector_load %arg6[%swap3A_73] {strides = array<i32>} : memref<640xf32, #tpu.memory_space<vmem>>, vector<16xf32>,
    %swap3A_75 = vector.shape_cast %swap3A_74 : vector<16xf32> to vector<16xf32>
    %swap3A_76 = vector.shape_cast %broadcast_in_dim3A_72 : vector<16xf32> to vector<16xf32>
    tpu.vector_store %arg6[%swap3A_73], %swap3A_76 {strides = array<i32>} : memref<640xf32, #tpu.memory_space<vmem>>, vector<16xf32>,
    %broadcast_in_dim3A_77 = arith.constant 0.000000e+00 : f32
    %broadcast_in_dim3A_78 = vector.broadcast %broadcast_in_dim3A_77 : f32 to vector<16xf32>
    %swap3A_79 = arith.constant 80 : index
    %swap3A_80 = tpu.vector_load %arg6[%swap3A_79] {strides = array<i32>} : memref<640xf32, #tpu.memory_space<vmem>>, vector<16xf32>,
    %swap3A_81 = vector.shape_cast %swap3A_80 : vector<16xf32> to vector<16xf32>
    %swap3A_82 = vector.shape_cast %broadcast_in_dim3A_78 : vector<16xf32> to vector<16xf32>
    tpu.vector_store %arg6[%swap3A_79], %swap3A_82 {strides = array<i32>} : memref<640xf32, #tpu.memory_space<vmem>>, vector<16xf32>,
    %broadcast_in_dim3A_83 = arith.constant 0.000000e+00 : f32
    %broadcast_in_dim3A_84 = vector.broadcast %broadcast_in_dim3A_83 : f32 to vector<16xf32>
    %swap3A_85 = arith.constant 96 : index
    %swap3A_86 = tpu.vector_load %arg6[%swap3A_85] {strides = array<i32>} : memref<640xf32, #tpu.memory_space<vmem>>, vector<16xf32>,
    %swap3A_87 = vector.shape_cast %swap3A_86 : vector<16xf32> to vector<16xf32>
    %swap3A_88 = vector.shape_cast %broadcast_in_dim3A_84 : vector<16xf32> to vector<16xf32>
    tpu.vector_store %arg6[%swap3A_85], %swap3A_88 {strides = array<i32>} : memref<640xf32, #tpu.memory_space<vmem>>, vector<16xf32>,
    %broadcast_in_dim3A_89 = arith.constant 0.000000e+00 : f32
    %broadcast_in_dim3A_90 = vector.broadcast %broadcast_in_dim3A_89 : f32 to vector<16xf32>
    %swap3A_91 = arith.constant 112 : index
    %swap3A_92 = tpu.vector_load %arg6[%swap3A_91] {strides = array<i32>} : memref<640xf32, #tpu.memory_space<vmem>>, vector<16xf32>,
    %swap3A_93 = vector.shape_cast %swap3A_92 : vector<16xf32> to vector<16xf32>
    %swap3A_94 = vector.shape_cast %broadcast_in_dim3A_90 : vector<16xf32> to vector<16xf32>
    tpu.vector_store %arg6[%swap3A_91], %swap3A_94 {strides = array<i32>} : memref<640xf32, #tpu.memory_space<vmem>>, vector<16xf32>,
    %broadcast_in_dim3A_95 = arith.constant 0.000000e+00 : f32
    %broadcast_in_dim3A_96 = vector.broadcast %broadcast_in_dim3A_95 : f32 to vector<16xf32>
    %swap3A_97 = arith.constant 128 : index
    %swap3A_98 = tpu.vector_load %arg6[%swap3A_97] {strides = array<i32>} : memref<640xf32, #tpu.memory_space<vmem>>, vector<16xf32>,
    %swap3A_99 = vector.shape_cast %swap3A_98 : vector<16xf32> to vector<16xf32>
    %swap3A_100 = vector.shape_cast %broadcast_in_dim3A_96 : vector<16xf32> to vector<16xf32>
    tpu.vector_store %arg6[%swap3A_97], %swap3A_100 {strides = array<i32>} : memref<640xf32, #tpu.memory_space<vmem>>, vector<16xf32>,
    %broadcast_in_dim3A_101 = arith.constant 0.000000e+00 : f32
    %broadcast_in_dim3A_102 = vector.broadcast %broadcast_in_dim3A_101 : f32 to vector<16xf32>
    %swap3A_103 = arith.constant 144 : index
    %swap3A_104 = tpu.vector_load %arg6[%swap3A_103] {strides = array<i32>} : memref<640xf32, #tpu.memory_space<vmem>>, vector<16xf32>,
    %swap3A_105 = vector.shape_cast %swap3A_104 : vector<16xf32> to vector<16xf32>
    %swap3A_106 = vector.shape_cast %broadcast_in_dim3A_102 : vector<16xf32> to vector<16xf32>
    tpu.vector_store %arg6[%swap3A_103], %swap3A_106 {strides = array<i32>} : memref<640xf32, #tpu.memory_space<vmem>>, vector<16xf32>,
    %broadcast_in_dim3A_107 = arith.constant 0.000000e+00 : f32
    %broadcast_in_dim3A_108 = vector.broadcast %broadcast_in_dim3A_107 : f32 to vector<16xf32>
    %swap3A_109 = arith.constant 160 : index
    %swap3A_110 = tpu.vector_load %arg6[%swap3A_109] {strides = array<i32>} : memref<640xf32, #tpu.memory_space<vmem>>, vector<16xf32>,
    %swap3A_111 = vector.shape_cast %swap3A_110 : vector<16xf32> to vector<16xf32>
    %swap3A_112 = vector.shape_cast %broadcast_in_dim3A_108 : vector<16xf32> to vector<16xf32>
    tpu.vector_store %arg6[%swap3A_109], %swap3A_112 {strides = array<i32>} : memref<640xf32, #tpu.memory_space<vmem>>, vector<16xf32>,
    %broadcast_in_dim3A_113 = arith.constant 0.000000e+00 : f32
    %broadcast_in_dim3A_114 = vector.broadcast %broadcast_in_dim3A_113 : f32 to vector<16xf32>
    %swap3A_115 = arith.constant 176 : index
    %swap3A_116 = tpu.vector_load %arg6[%swap3A_115] {strides = array<i32>} : memref<640xf32, #tpu.memory_space<vmem>>, vector<16xf32>,
    %swap3A_117 = vector.shape_cast %swap3A_116 : vector<16xf32> to vector<16xf32>
    %swap3A_118 = vector.shape_cast %broadcast_in_dim3A_114 : vector<16xf32> to vector<16xf32>
    tpu.vector_store %arg6[%swap3A_115], %swap3A_118 {strides = array<i32>} : memref<640xf32, #tpu.memory_space<vmem>>, vector<16xf32>,
    %broadcast_in_dim3A_119 = arith.constant 0.000000e+00 : f32
    %broadcast_in_dim3A_120 = vector.broadcast %broadcast_in_dim3A_119 : f32 to vector<16xf32>
    %swap3A_121 = arith.constant 192 : index
    %swap3A_122 = tpu.vector_load %arg6[%swap3A_121] {strides = array<i32>} : memref<640xf32, #tpu.memory_space<vmem>>, vector<16xf32>,
    %swap3A_123 = vector.shape_cast %swap3A_122 : vector<16xf32> to vector<16xf32>
    %swap3A_124 = vector.shape_cast %broadcast_in_dim3A_120 : vector<16xf32> to vector<16xf32>
    tpu.vector_store %arg6[%swap3A_121], %swap3A_124 {strides = array<i32>} : memref<640xf32, #tpu.memory_space<vmem>>, vector<16xf32>,
    %broadcast_in_dim3A_125 = arith.constant 0.000000e+00 : f32
    %broadcast_in_dim3A_126 = vector.broadcast %broadcast_in_dim3A_125 : f32 to vector<16xf32>
    %swap3A_127 = arith.constant 208 : index
    %swap3A_128 = tpu.vector_load %arg6[%swap3A_127] {strides = array<i32>} : memref<640xf32, #tpu.memory_space<vmem>>, vector<16xf32>,
    %swap3A_129 = vector.shape_cast %swap3A_128 : vector<16xf32> to vector<16xf32>
    %swap3A_130 = vector.shape_cast %broadcast_in_dim3A_126 : vector<16xf32> to vector<16xf32>
    tpu.vector_store %arg6[%swap3A_127], %swap3A_130 {strides = array<i32>} : memref<640xf32, #tpu.memory_space<vmem>>, vector<16xf32>,
    %broadcast_in_dim3A_131 = arith.constant 0.000000e+00 : f32
    %broadcast_in_dim3A_132 = vector.broadcast %broadcast_in_dim3A_131 : f32 to vector<16xf32>
    %swap3A_133 = arith.constant 224 : index
    %swap3A_134 = tpu.vector_load %arg6[%swap3A_133] {strides = array<i32>} : memref<640xf32, #tpu.memory_space<vmem>>, vector<16xf32>,
    %swap3A_135 = vector.shape_cast %swap3A_134 : vector<16xf32> to vector<16xf32>
    %swap3A_136 = vector.shape_cast %broadcast_in_dim3A_132 : vector<16xf32> to vector<16xf32>
    tpu.vector_store %arg6[%swap3A_133], %swap3A_136 {strides = array<i32>} : memref<640xf32, #tpu.memory_space<vmem>>, vector<16xf32>,
    %broadcast_in_dim3A_137 = arith.constant 0.000000e+00 : f32
    %broadcast_in_dim3A_138 = vector.broadcast %broadcast_in_dim3A_137 : f32 to vector<16xf32>
    %swap3A_139 = arith.constant 240 : index
    %swap3A_140 = tpu.vector_load %arg6[%swap3A_139] {strides = array<i32>} : memref<640xf32, #tpu.memory_space<vmem>>, vector<16xf32>,
    %swap3A_141 = vector.shape_cast %swap3A_140 : vector<16xf32> to vector<16xf32>
    %swap3A_142 = vector.shape_cast %broadcast_in_dim3A_138 : vector<16xf32> to vector<16xf32>
    tpu.vector_store %arg6[%swap3A_139], %swap3A_142 {strides = array<i32>} : memref<640xf32, #tpu.memory_space<vmem>>, vector<16xf32>,
    %broadcast_in_dim3A_143 = arith.constant 0.000000e+00 : f32
    %broadcast_in_dim3A_144 = vector.broadcast %broadcast_in_dim3A_143 : f32 to vector<16xf32>
    %swap3A_145 = arith.constant 256 : index
    %swap3A_146 = tpu.vector_load %arg6[%swap3A_145] {strides = array<i32>} : memref<640xf32, #tpu.memory_space<vmem>>, vector<16xf32>,
    %swap3A_147 = vector.shape_cast %swap3A_146 : vector<16xf32> to vector<16xf32>
    %swap3A_148 = vector.shape_cast %broadcast_in_dim3A_144 : vector<16xf32> to vector<16xf32>
    tpu.vector_store %arg6[%swap3A_145], %swap3A_148 {strides = array<i32>} : memref<640xf32, #tpu.memory_space<vmem>>, vector<16xf32>,
    %broadcast_in_dim3A_149 = arith.constant 0.000000e+00 : f32
    %broadcast_in_dim3A_150 = vector.broadcast %broadcast_in_dim3A_149 : f32 to vector<16xf32>
    %swap3A_151 = arith.constant 272 : index
    %swap3A_152 = tpu.vector_load %arg6[%swap3A_151] {strides = array<i32>} : memref<640xf32, #tpu.memory_space<vmem>>, vector<16xf32>,
    %swap3A_153 = vector.shape_cast %swap3A_152 : vector<16xf32> to vector<16xf32>
    %swap3A_154 = vector.shape_cast %broadcast_in_dim3A_150 : vector<16xf32> to vector<16xf32>
    tpu.vector_store %arg6[%swap3A_151], %swap3A_154 {strides = array<i32>} : memref<640xf32, #tpu.memory_space<vmem>>, vector<16xf32>,
    %broadcast_in_dim3A_155 = arith.constant 0.000000e+00 : f32
    %broadcast_in_dim3A_156 = vector.broadcast %broadcast_in_dim3A_155 : f32 to vector<16xf32>
    %swap3A_157 = arith.constant 288 : index
    %swap3A_158 = tpu.vector_load %arg6[%swap3A_157] {strides = array<i32>} : memref<640xf32, #tpu.memory_space<vmem>>, vector<16xf32>,
    %swap3A_159 = vector.shape_cast %swap3A_158 : vector<16xf32> to vector<16xf32>
    %swap3A_160 = vector.shape_cast %broadcast_in_dim3A_156 : vector<16xf32> to vector<16xf32>
    tpu.vector_store %arg6[%swap3A_157], %swap3A_160 {strides = array<i32>} : memref<640xf32, #tpu.memory_space<vmem>>, vector<16xf32>,
    %broadcast_in_dim3A_161 = arith.constant 0.000000e+00 : f32
    %broadcast_in_dim3A_162 = vector.broadcast %broadcast_in_dim3A_161 : f32 to vector<16xf32>
    %swap3A_163 = arith.constant 304 : index
    %swap3A_164 = tpu.vector_load %arg6[%swap3A_163] {strides = array<i32>} : memref<640xf32, #tpu.memory_space<vmem>>, vector<16xf32>,
    %swap3A_165 = vector.shape_cast %swap3A_164 : vector<16xf32> to vector<16xf32>
    %swap3A_166 = vector.shape_cast %broadcast_in_dim3A_162 : vector<16xf32> to vector<16xf32>
    tpu.vector_store %arg6[%swap3A_163], %swap3A_166 {strides = array<i32>} : memref<640xf32, #tpu.memory_space<vmem>>, vector<16xf32>,
    %broadcast_in_dim3A_167 = arith.constant 0.000000e+00 : f32
    %broadcast_in_dim3A_168 = vector.broadcast %broadcast_in_dim3A_167 : f32 to vector<16xf32>
    %swap3A_169 = arith.constant 320 : index
    %swap3A_170 = tpu.vector_load %arg6[%swap3A_169] {strides = array<i32>} : memref<640xf32, #tpu.memory_space<vmem>>, vector<16xf32>,
    %swap3A_171 = vector.shape_cast %swap3A_170 : vector<16xf32> to vector<16xf32>
    %swap3A_172 = vector.shape_cast %broadcast_in_dim3A_168 : vector<16xf32> to vector<16xf32>
    tpu.vector_store %arg6[%swap3A_169], %swap3A_172 {strides = array<i32>} : memref<640xf32, #tpu.memory_space<vmem>>, vector<16xf32>,
    %broadcast_in_dim3A_173 = arith.constant 0.000000e+00 : f32
    %broadcast_in_dim3A_174 = vector.broadcast %broadcast_in_dim3A_173 : f32 to vector<16xf32>
    %swap3A_175 = arith.constant 336 : index
    %swap3A_176 = tpu.vector_load %arg6[%swap3A_175] {strides = array<i32>} : memref<640xf32, #tpu.memory_space<vmem>>, vector<16xf32>,
    %swap3A_177 = vector.shape_cast %swap3A_176 : vector<16xf32> to vector<16xf32>
    %swap3A_178 = vector.shape_cast %broadcast_in_dim3A_174 : vector<16xf32> to vector<16xf32>
    tpu.vector_store %arg6[%swap3A_175], %swap3A_178 {strides = array<i32>} : memref<640xf32, #tpu.memory_space<vmem>>, vector<16xf32>,
    %broadcast_in_dim3A_179 = arith.constant 0.000000e+00 : f32
    %broadcast_in_dim3A_180 = vector.broadcast %broadcast_in_dim3A_179 : f32 to vector<16xf32>
    %swap3A_181 = arith.constant 352 : index
    %swap3A_182 = tpu.vector_load %arg6[%swap3A_181] {strides = array<i32>} : memref<640xf32, #tpu.memory_space<vmem>>, vector<16xf32>,
    %swap3A_183 = vector.shape_cast %swap3A_182 : vector<16xf32> to vector<16xf32>
    %swap3A_184 = vector.shape_cast %broadcast_in_dim3A_180 : vector<16xf32> to vector<16xf32>
    tpu.vector_store %arg6[%swap3A_181], %swap3A_184 {strides = array<i32>} : memref<640xf32, #tpu.memory_space<vmem>>, vector<16xf32>,
    %broadcast_in_dim3A_185 = arith.constant 0.000000e+00 : f32
    %broadcast_in_dim3A_186 = vector.broadcast %broadcast_in_dim3A_185 : f32 to vector<16xf32>
    %swap3A_187 = arith.constant 368 : index
    %swap3A_188 = tpu.vector_load %arg6[%swap3A_187] {strides = array<i32>} : memref<640xf32, #tpu.memory_space<vmem>>, vector<16xf32>,
    %swap3A_189 = vector.shape_cast %swap3A_188 : vector<16xf32> to vector<16xf32>
    %swap3A_190 = vector.shape_cast %broadcast_in_dim3A_186 : vector<16xf32> to vector<16xf32>
    tpu.vector_store %arg6[%swap3A_187], %swap3A_190 {strides = array<i32>} : memref<640xf32, #tpu.memory_space<vmem>>, vector<16xf32>,
    %broadcast_in_dim3A_191 = arith.constant 0.000000e+00 : f32
    %broadcast_in_dim3A_192 = vector.broadcast %broadcast_in_dim3A_191 : f32 to vector<16xf32>
    %swap3A_193 = arith.constant 384 : index
    %swap3A_194 = tpu.vector_load %arg6[%swap3A_193] {strides = array<i32>} : memref<640xf32, #tpu.memory_space<vmem>>, vector<16xf32>,
    %swap3A_195 = vector.shape_cast %swap3A_194 : vector<16xf32> to vector<16xf32>
    %swap3A_196 = vector.shape_cast %broadcast_in_dim3A_192 : vector<16xf32> to vector<16xf32>
    tpu.vector_store %arg6[%swap3A_193], %swap3A_196 {strides = array<i32>} : memref<640xf32, #tpu.memory_space<vmem>>, vector<16xf32>,
    %broadcast_in_dim3A_197 = arith.constant 0.000000e+00 : f32
    %broadcast_in_dim3A_198 = vector.broadcast %broadcast_in_dim3A_197 : f32 to vector<16xf32>
    %swap3A_199 = arith.constant 400 : index
    %swap3A_200 = tpu.vector_load %arg6[%swap3A_199] {strides = array<i32>} : memref<640xf32, #tpu.memory_space<vmem>>, vector<16xf32>,
    %swap3A_201 = vector.shape_cast %swap3A_200 : vector<16xf32> to vector<16xf32>
    %swap3A_202 = vector.shape_cast %broadcast_in_dim3A_198 : vector<16xf32> to vector<16xf32>
    tpu.vector_store %arg6[%swap3A_199], %swap3A_202 {strides = array<i32>} : memref<640xf32, #tpu.memory_space<vmem>>, vector<16xf32>,
    %broadcast_in_dim3A_203 = arith.constant 0.000000e+00 : f32
    %broadcast_in_dim3A_204 = vector.broadcast %broadcast_in_dim3A_203 : f32 to vector<16xf32>
    %swap3A_205 = arith.constant 416 : index
    %swap3A_206 = tpu.vector_load %arg6[%swap3A_205] {strides = array<i32>} : memref<640xf32, #tpu.memory_space<vmem>>, vector<16xf32>,
    %swap3A_207 = vector.shape_cast %swap3A_206 : vector<16xf32> to vector<16xf32>
    %swap3A_208 = vector.shape_cast %broadcast_in_dim3A_204 : vector<16xf32> to vector<16xf32>
    tpu.vector_store %arg6[%swap3A_205], %swap3A_208 {strides = array<i32>} : memref<640xf32, #tpu.memory_space<vmem>>, vector<16xf32>,
    %broadcast_in_dim3A_209 = arith.constant 0.000000e+00 : f32
    %broadcast_in_dim3A_210 = vector.broadcast %broadcast_in_dim3A_209 : f32 to vector<16xf32>
    %swap3A_211 = arith.constant 432 : index
    %swap3A_212 = tpu.vector_load %arg6[%swap3A_211] {strides = array<i32>} : memref<640xf32, #tpu.memory_space<vmem>>, vector<16xf32>,
    %swap3A_213 = vector.shape_cast %swap3A_212 : vector<16xf32> to vector<16xf32>
    %swap3A_214 = vector.shape_cast %broadcast_in_dim3A_210 : vector<16xf32> to vector<16xf32>
    tpu.vector_store %arg6[%swap3A_211], %swap3A_214 {strides = array<i32>} : memref<640xf32, #tpu.memory_space<vmem>>, vector<16xf32>,
    %broadcast_in_dim3A_215 = arith.constant 0.000000e+00 : f32
    %broadcast_in_dim3A_216 = vector.broadcast %broadcast_in_dim3A_215 : f32 to vector<16xf32>
    %swap3A_217 = arith.constant 448 : index
    %swap3A_218 = tpu.vector_load %arg6[%swap3A_217] {strides = array<i32>} : memref<640xf32, #tpu.memory_space<vmem>>, vector<16xf32>,
    %swap3A_219 = vector.shape_cast %swap3A_218 : vector<16xf32> to vector<16xf32>
    %swap3A_220 = vector.shape_cast %broadcast_in_dim3A_216 : vector<16xf32> to vector<16xf32>
    tpu.vector_store %arg6[%swap3A_217], %swap3A_220 {strides = array<i32>} : memref<640xf32, #tpu.memory_space<vmem>>, vector<16xf32>,
    %broadcast_in_dim3A_221 = arith.constant 0.000000e+00 : f32
    %broadcast_in_dim3A_222 = vector.broadcast %broadcast_in_dim3A_221 : f32 to vector<16xf32>
    %swap3A_223 = arith.constant 464 : index
    %swap3A_224 = tpu.vector_load %arg6[%swap3A_223] {strides = array<i32>} : memref<640xf32, #tpu.memory_space<vmem>>, vector<16xf32>,
    %swap3A_225 = vector.shape_cast %swap3A_224 : vector<16xf32> to vector<16xf32>
    %swap3A_226 = vector.shape_cast %broadcast_in_dim3A_222 : vector<16xf32> to vector<16xf32>
    tpu.vector_store %arg6[%swap3A_223], %swap3A_226 {strides = array<i32>} : memref<640xf32, #tpu.memory_space<vmem>>, vector<16xf32>,
    %broadcast_in_dim3A_227 = arith.constant 0.000000e+00 : f32
    %broadcast_in_dim3A_228 = vector.broadcast %broadcast_in_dim3A_227 : f32 to vector<16xf32>
    %swap3A_229 = arith.constant 480 : index
    %swap3A_230 = tpu.vector_load %arg6[%swap3A_229] {strides = array<i32>} : memref<640xf32, #tpu.memory_space<vmem>>, vector<16xf32>,
    %swap3A_231 = vector.shape_cast %swap3A_230 : vector<16xf32> to vector<16xf32>
    %swap3A_232 = vector.shape_cast %broadcast_in_dim3A_228 : vector<16xf32> to vector<16xf32>
    tpu.vector_store %arg6[%swap3A_229], %swap3A_232 {strides = array<i32>} : memref<640xf32, #tpu.memory_space<vmem>>, vector<16xf32>,
    %broadcast_in_dim3A_233 = arith.constant 0.000000e+00 : f32
    %broadcast_in_dim3A_234 = vector.broadcast %broadcast_in_dim3A_233 : f32 to vector<16xf32>
    %swap3A_235 = arith.constant 496 : index
    %swap3A_236 = tpu.vector_load %arg6[%swap3A_235] {strides = array<i32>} : memref<640xf32, #tpu.memory_space<vmem>>, vector<16xf32>,
    %swap3A_237 = vector.shape_cast %swap3A_236 : vector<16xf32> to vector<16xf32>
    %swap3A_238 = vector.shape_cast %broadcast_in_dim3A_234 : vector<16xf32> to vector<16xf32>
    tpu.vector_store %arg6[%swap3A_235], %swap3A_238 {strides = array<i32>} : memref<640xf32, #tpu.memory_space<vmem>>, vector<16xf32>,
    %broadcast_in_dim3A_239 = arith.constant 0.000000e+00 : f32
    %broadcast_in_dim3A_240 = vector.broadcast %broadcast_in_dim3A_239 : f32 to vector<16xf32>
    %swap3A_241 = arith.constant 512 : index
    %swap3A_242 = tpu.vector_load %arg6[%swap3A_241] {strides = array<i32>} : memref<640xf32, #tpu.memory_space<vmem>>, vector<16xf32>,
    %swap3A_243 = vector.shape_cast %swap3A_242 : vector<16xf32> to vector<16xf32>
    %swap3A_244 = vector.shape_cast %broadcast_in_dim3A_240 : vector<16xf32> to vector<16xf32>
    tpu.vector_store %arg6[%swap3A_241], %swap3A_244 {strides = array<i32>} : memref<640xf32, #tpu.memory_space<vmem>>, vector<16xf32>,
    %broadcast_in_dim3A_245 = arith.constant 0.000000e+00 : f32
    %broadcast_in_dim3A_246 = vector.broadcast %broadcast_in_dim3A_245 : f32 to vector<16xf32>
    %swap3A_247 = arith.constant 528 : index
    %swap3A_248 = tpu.vector_load %arg6[%swap3A_247] {strides = array<i32>} : memref<640xf32, #tpu.memory_space<vmem>>, vector<16xf32>,
    %swap3A_249 = vector.shape_cast %swap3A_248 : vector<16xf32> to vector<16xf32>
    %swap3A_250 = vector.shape_cast %broadcast_in_dim3A_246 : vector<16xf32> to vector<16xf32>
    tpu.vector_store %arg6[%swap3A_247], %swap3A_250 {strides = array<i32>} : memref<640xf32, #tpu.memory_space<vmem>>, vector<16xf32>,
    %broadcast_in_dim3A_251 = arith.constant 0.000000e+00 : f32
    %broadcast_in_dim3A_252 = vector.broadcast %broadcast_in_dim3A_251 : f32 to vector<16xf32>
    %swap3A_253 = arith.constant 544 : index
    %swap3A_254 = tpu.vector_load %arg6[%swap3A_253] {strides = array<i32>} : memref<640xf32, #tpu.memory_space<vmem>>, vector<16xf32>,
    %swap3A_255 = vector.shape_cast %swap3A_254 : vector<16xf32> to vector<16xf32>
    %swap3A_256 = vector.shape_cast %broadcast_in_dim3A_252 : vector<16xf32> to vector<16xf32>
    tpu.vector_store %arg6[%swap3A_253], %swap3A_256 {strides = array<i32>} : memref<640xf32, #tpu.memory_space<vmem>>, vector<16xf32>,
    %broadcast_in_dim3A_257 = arith.constant 0.000000e+00 : f32
    %broadcast_in_dim3A_258 = vector.broadcast %broadcast_in_dim3A_257 : f32 to vector<16xf32>
    %swap3A_259 = arith.constant 560 : index
    %swap3A_260 = tpu.vector_load %arg6[%swap3A_259] {strides = array<i32>} : memref<640xf32, #tpu.memory_space<vmem>>, vector<16xf32>,
    %swap3A_261 = vector.shape_cast %swap3A_260 : vector<16xf32> to vector<16xf32>
    %swap3A_262 = vector.shape_cast %broadcast_in_dim3A_258 : vector<16xf32> to vector<16xf32>
    tpu.vector_store %arg6[%swap3A_259], %swap3A_262 {strides = array<i32>} : memref<640xf32, #tpu.memory_space<vmem>>, vector<16xf32>,
    %broadcast_in_dim3A_263 = arith.constant 0.000000e+00 : f32
    %broadcast_in_dim3A_264 = vector.broadcast %broadcast_in_dim3A_263 : f32 to vector<16xf32>
    %swap3A_265 = arith.constant 576 : index
    %swap3A_266 = tpu.vector_load %arg6[%swap3A_265] {strides = array<i32>} : memref<640xf32, #tpu.memory_space<vmem>>, vector<16xf32>,
    %swap3A_267 = vector.shape_cast %swap3A_266 : vector<16xf32> to vector<16xf32>
    %swap3A_268 = vector.shape_cast %broadcast_in_dim3A_264 : vector<16xf32> to vector<16xf32>
    tpu.vector_store %arg6[%swap3A_265], %swap3A_268 {strides = array<i32>} : memref<640xf32, #tpu.memory_space<vmem>>, vector<16xf32>,
    %broadcast_in_dim3A_269 = arith.constant 0.000000e+00 : f32
    %broadcast_in_dim3A_270 = vector.broadcast %broadcast_in_dim3A_269 : f32 to vector<16xf32>
    %swap3A_271 = arith.constant 592 : index
    %swap3A_272 = tpu.vector_load %arg6[%swap3A_271] {strides = array<i32>} : memref<640xf32, #tpu.memory_space<vmem>>, vector<16xf32>,
    %swap3A_273 = vector.shape_cast %swap3A_272 : vector<16xf32> to vector<16xf32>
    %swap3A_274 = vector.shape_cast %broadcast_in_dim3A_270 : vector<16xf32> to vector<16xf32>
    tpu.vector_store %arg6[%swap3A_271], %swap3A_274 {strides = array<i32>} : memref<640xf32, #tpu.memory_space<vmem>>, vector<16xf32>,
    %broadcast_in_dim3A_275 = arith.constant 0.000000e+00 : f32
    %broadcast_in_dim3A_276 = vector.broadcast %broadcast_in_dim3A_275 : f32 to vector<16xf32>
    %swap3A_277 = arith.constant 608 : index
    %swap3A_278 = tpu.vector_load %arg6[%swap3A_277] {strides = array<i32>} : memref<640xf32, #tpu.memory_space<vmem>>, vector<16xf32>,
    %swap3A_279 = vector.shape_cast %swap3A_278 : vector<16xf32> to vector<16xf32>
    %swap3A_280 = vector.shape_cast %broadcast_in_dim3A_276 : vector<16xf32> to vector<16xf32>
    tpu.vector_store %arg6[%swap3A_277], %swap3A_280 {strides = array<i32>} : memref<640xf32, #tpu.memory_space<vmem>>, vector<16xf32>,
    %broadcast_in_dim3A_281 = arith.constant 0.000000e+00 : f32
    %broadcast_in_dim3A_282 = vector.broadcast %broadcast_in_dim3A_281 : f32 to vector<16xf32>
    %swap3A_283 = arith.constant 624 : index
    %swap3A_284 = tpu.vector_load %arg6[%swap3A_283] {strides = array<i32>} : memref<640xf32, #tpu.memory_space<vmem>>, vector<16xf32>,
    %swap3A_285 = vector.shape_cast %swap3A_284 : vector<16xf32> to vector<16xf32>
    %swap3A_286 = vector.shape_cast %broadcast_in_dim3A_282 : vector<16xf32> to vector<16xf32>
    tpu.vector_store %arg6[%swap3A_283], %swap3A_286 {strides = array<i32>} : memref<640xf32, #tpu.memory_space<vmem>>, vector<16xf32>,
    %mul3A_287 = arith.constant 640 : i32
    %mul3A_288 = arith.muli %arg1, %mul3A_287 : i32
    "tpu.region"() ({
      %run_scoped3A = tpu.sem_alloc : memref<!tpu.dma_semaphore, #tpu.memory_space<semaphore_mem>>
      %dma_start3A = tpu.memref_slice %arg7[%mul3A_288] : memref<10240xf32, #tpu.memory_space<vmem_shared>> -> memref<640xf32, #tpu.memory_space<vmem_shared>>
      %dma_start3A_299 = tpu.memref_slice %arg7[%mul3A_288] : memref<10240xf32, #tpu.memory_space<vmem_shared>> -> memref<640xf32, #tpu.memory_space<vmem_shared>>
      tpu.enqueue_dma source(%arg6 : memref<640xf32, #tpu.memory_space<vmem>>) target(%dma_start3A_299 : memref<640xf32, #tpu.memory_space<vmem_shared>>) target_semaphore(%run_scoped3A : memref<!tpu.dma_semaphore, #tpu.memory_space<semaphore_mem>>)
      %dma_wait3A = tpu.memref_slice %arg7[%mul3A_288] : memref<10240xf32, #tpu.memory_space<vmem_shared>> -> memref<640xf32, #tpu.memory_space<vmem_shared>>
      %dma_wait3A_300 = tpu.memref_slice %arg7[%mul3A_288] : memref<10240xf32, #tpu.memory_space<vmem_shared>> -> memref<640xf32, #tpu.memory_space<vmem_shared>>
      tpu.wait_dma2 semaphore(%run_scoped3A : memref<!tpu.dma_semaphore, #tpu.memory_space<semaphore_mem>>) src(%arg6 : memref<640xf32, #tpu.memory_space<vmem>>) dst(%dma_wait3A_300 : memref<640xf32, #tpu.memory_space<vmem_shared>>)
      tpu.yield
    }) : () -> ()
    %barrier3A = arith.constant 0 : index
    tpu.barrier barrier_id(%barrier3A)
    "tpu.region"() ({
      %run_scoped3A = tpu.sem_alloc : memref<!tpu.dma_semaphore, #tpu.memory_space<semaphore_mem>>
      %dma_start3A = arith.constant 0 : i32
      %dma_start3A_299 = arith.constant 0 : i32
      %dma_start3A_300 = tpu.memref_slice %arg2[%add3A, %dma_start3A, %dma_start3A_299] : memref<32x80x128xi32, #tpu.memory_space<hbm>> -> memref<1x80x128xi32, #tpu.memory_space<hbm>>
      %dma_start3A_301 = tpu.memref_squeeze %dma_start3A_300 : memref<1x80x128xi32, #tpu.memory_space<hbm>> -> memref<80x128xi32, #tpu.memory_space<hbm>>
      %dma_start3A_302 = arith.constant 0 : i32
      %dma_start3A_303 = arith.constant 0 : i32
      %dma_start3A_304 = tpu.memref_slice %arg2[%add3A, %dma_start3A_302, %dma_start3A_303] : memref<32x80x128xi32, #tpu.memory_space<hbm>> -> memref<1x80x128xi32, #tpu.memory_space<hbm>>
      %dma_start3A_305 = tpu.memref_squeeze %dma_start3A_304 : memref<1x80x128xi32, #tpu.memory_space<hbm>> -> memref<80x128xi32, #tpu.memory_space<hbm>>
      tpu.enqueue_dma source(%dma_start3A_305 : memref<80x128xi32, #tpu.memory_space<hbm>>) target(%arg4 : memref<80x128xi32, #tpu.memory_space<vmem>>) target_semaphore(%run_scoped3A : memref<!tpu.dma_semaphore, #tpu.memory_space<semaphore_mem>>)
      %dma_wait3A = arith.constant 0 : i32
      %dma_wait3A_306 = arith.constant 0 : i32
      %dma_wait3A_307 = tpu.memref_slice %arg2[%add3A, %dma_wait3A, %dma_wait3A_306] : memref<32x80x128xi32, #tpu.memory_space<hbm>> -> memref<1x80x128xi32, #tpu.memory_space<hbm>>
      %dma_wait3A_308 = tpu.memref_squeeze %dma_wait3A_307 : memref<1x80x128xi32, #tpu.memory_space<hbm>> -> memref<80x128xi32, #tpu.memory_space<hbm>>
      %dma_wait3A_309 = arith.constant 0 : i32
      %dma_wait3A_310 = arith.constant 0 : i32
      %dma_wait3A_311 = tpu.memref_slice %arg2[%add3A, %dma_wait3A_309, %dma_wait3A_310] : memref<32x80x128xi32, #tpu.memory_space<hbm>> -> memref<1x80x128xi32, #tpu.memory_space<hbm>>
      %dma_wait3A_312 = tpu.memref_squeeze %dma_wait3A_311 : memref<1x80x128xi32, #tpu.memory_space<hbm>> -> memref<80x128xi32, #tpu.memory_space<hbm>>
      tpu.wait_dma2 semaphore(%run_scoped3A : memref<!tpu.dma_semaphore, #tpu.memory_space<semaphore_mem>>) src(%dma_wait3A_312 : memref<80x128xi32, #tpu.memory_space<hbm>>) dst(%arg4 : memref<80x128xi32, #tpu.memory_space<vmem>>)
      tpu.yield
    }) : () -> ()
    %scan3A = arith.constant 0 : i32
    %scan3A_289 = arith.constant 0 : i32
    %scan3A_290 = arith.constant 80 : i32
    %scan3A_291 = arith.addi %scan3A_289, %scan3A_290 : i32
    %scan3A_292 = arith.constant 1 : i32
    scf.for %scan3A_299 = %scan3A_289 to %scan3A_291 step %scan3A_292  : i32 {
      "tpu.region"() ({
        %run_scoped3A = tpu.sem_alloc : memref<!tpu.dma_semaphore, #tpu.memory_space<semaphore_mem>>
        %dma_start3A = arith.constant 0 : i32
        %dma_start3A_300 = tpu.memref_slice %arg4[%scan3A_299, %dma_start3A] : memref<80x128xi32, #tpu.memory_space<vmem>> -> memref<1x128xi32, #tpu.memory_space<vmem>>
        %dma_start3A_301 = tpu.memref_squeeze %dma_start3A_300 : memref<1x128xi32, #tpu.memory_space<vmem>> -> memref<128xi32, #tpu.memory_space<vmem>>
        %dma_start3A_302 = arith.constant 0 : i32
        %dma_start3A_303 = tpu.memref_slice %arg7[%dma_start3A_302] : memref<10240xf32, #tpu.memory_space<vmem_shared>> -> memref<10240xf32, #tpu.memory_space<vmem_shared>>
        tpu.enqueue_indirect_dma source(%arg5 : memref<128xf32, #tpu.memory_space<vmem>>) target(%dma_start3A_303 : memref<10240xf32, #tpu.memory_space<vmem_shared>>) offsets(%dma_start3A_301 : memref<128xi32, #tpu.memory_space<vmem>>) semaphore(%run_scoped3A : memref<!tpu.dma_semaphore, #tpu.memory_space<semaphore_mem>>) {add = true}
        %dma_wait3A = arith.constant 0 : i32
        %dma_wait3A_304 = tpu.memref_slice %arg4[%scan3A_299, %dma_wait3A] : memref<80x128xi32, #tpu.memory_space<vmem>> -> memref<1x128xi32, #tpu.memory_space<vmem>>
        %dma_wait3A_305 = tpu.memref_squeeze %dma_wait3A_304 : memref<1x128xi32, #tpu.memory_space<vmem>> -> memref<128xi32, #tpu.memory_space<vmem>>
        %dma_wait3A_306 = arith.constant 0 : i32
        %dma_wait3A_307 = tpu.memref_slice %arg7[%dma_wait3A_306] : memref<10240xf32, #tpu.memory_space<vmem_shared>> -> memref<10240xf32, #tpu.memory_space<vmem_shared>>
        tpu.wait_indirect_dma semaphore(%run_scoped3A : memref<!tpu.dma_semaphore, #tpu.memory_space<semaphore_mem>>) src(%arg5 : memref<128xf32, #tpu.memory_space<vmem>>) dst(%dma_wait3A_307 : memref<10240xf32, #tpu.memory_space<vmem_shared>>)
        tpu.yield
      }) : () -> ()
    }
    %scan3A_293 = arith.constant 80 : i32
    %barrier3A_294 = arith.constant 0 : index
    tpu.barrier barrier_id(%barrier3A_294)
    %mul3A_295 = arith.constant 640 : i32
    %mul3A_296 = arith.muli %arg1, %mul3A_295 : i32
    "tpu.region"() ({
      %run_scoped3A = tpu.sem_alloc : memref<!tpu.dma_semaphore, #tpu.memory_space<semaphore_mem>>
      %dma_start3A = tpu.memref_slice %arg7[%mul3A_296] : memref<10240xf32, #tpu.memory_space<vmem_shared>> -> memref<640xf32, #tpu.memory_space<vmem_shared>>
      %dma_start3A_299 = tpu.memref_slice %arg7[%mul3A_296] : memref<10240xf32, #tpu.memory_space<vmem_shared>> -> memref<640xf32, #tpu.memory_space<vmem_shared>>
      tpu.enqueue_dma source(%dma_start3A_299 : memref<640xf32, #tpu.memory_space<vmem_shared>>) target(%arg6 : memref<640xf32, #tpu.memory_space<vmem>>) target_semaphore(%run_scoped3A : memref<!tpu.dma_semaphore, #tpu.memory_space<semaphore_mem>>)
      %dma_wait3A = tpu.memref_slice %arg7[%mul3A_296] : memref<10240xf32, #tpu.memory_space<vmem_shared>> -> memref<640xf32, #tpu.memory_space<vmem_shared>>
      %dma_wait3A_300 = tpu.memref_slice %arg7[%mul3A_296] : memref<10240xf32, #tpu.memory_space<vmem_shared>> -> memref<640xf32, #tpu.memory_space<vmem_shared>>
      tpu.wait_dma2 semaphore(%run_scoped3A : memref<!tpu.dma_semaphore, #tpu.memory_space<semaphore_mem>>) src(%dma_wait3A_300 : memref<640xf32, #tpu.memory_space<vmem_shared>>) dst(%arg6 : memref<640xf32, #tpu.memory_space<vmem>>)
      tpu.yield
    }) : () -> ()
    %mul3A_297 = arith.constant 640 : i32
    %mul3A_298 = arith.muli %arg1, %mul3A_297 : i32
    "tpu.region"() ({
      %run_scoped3A = tpu.sem_alloc : memref<!tpu.dma_semaphore, #tpu.memory_space<semaphore_mem>>
      %dma_start3A = tpu.memref_slice %arg3[%arg0, %mul3A_298] : memref<2x10240xf32, #tpu.memory_space<hbm>> -> memref<1x640xf32, #tpu.memory_space<hbm>>
      %dma_start3A_299 = tpu.memref_squeeze %dma_start3A : memref<1x640xf32, #tpu.memory_space<hbm>> -> memref<640xf32, #tpu.memory_space<hbm>>
      %dma_start3A_300 = tpu.memref_slice %arg3[%arg0, %mul3A_298] : memref<2x10240xf32, #tpu.memory_space<hbm>> -> memref<1x640xf32, #tpu.memory_space<hbm>>
      %dma_start3A_301 = tpu.memref_squeeze %dma_start3A_300 : memref<1x640xf32, #tpu.memory_space<hbm>> -> memref<640xf32, #tpu.memory_space<hbm>>
      tpu.enqueue_dma source(%arg6 : memref<640xf32, #tpu.memory_space<vmem>>) target(%dma_start3A_301 : memref<640xf32, #tpu.memory_space<hbm>>) target_semaphore(%run_scoped3A : memref<!tpu.dma_semaphore, #tpu.memory_space<semaphore_mem>>)
      %dma_wait3A = tpu.memref_slice %arg3[%arg0, %mul3A_298] : memref<2x10240xf32, #tpu.memory_space<hbm>> -> memref<1x640xf32, #tpu.memory_space<hbm>>
      %dma_wait3A_302 = tpu.memref_squeeze %dma_wait3A : memref<1x640xf32, #tpu.memory_space<hbm>> -> memref<640xf32, #tpu.memory_space<hbm>>
      %dma_wait3A_303 = tpu.memref_slice %arg3[%arg0, %mul3A_298] : memref<2x10240xf32, #tpu.memory_space<hbm>> -> memref<1x640xf32, #tpu.memory_space<hbm>>
      %dma_wait3A_304 = tpu.memref_squeeze %dma_wait3A_303 : memref<1x640xf32, #tpu.memory_space<hbm>> -> memref<640xf32, #tpu.memory_space<hbm>>
      tpu.wait_dma2 semaphore(%run_scoped3A : memref<!tpu.dma_semaphore, #tpu.memory_space<semaphore_mem>>) src(%arg6 : memref<640xf32, #tpu.memory_space<vmem>>) dst(%dma_wait3A_304 : memref<640xf32, #tpu.memory_space<hbm>>)
      tpu.yield
    }) : () -> ()
    return
  }
}

module attributes {stable_mosaic.version = 14 : i64} {
  func.func @_tc_dense_body(%arg0: i32, %arg1: memref<1000x128xf32, #tpu.memory_space<vmem>>, %arg2: memref<128x128xf32, #tpu.memory_space<vmem>>, %arg3: memref<1x128xf32, #tpu.memory_space<vmem>>, %arg4: memref<1x128xf32, #tpu.memory_space<vmem>>, %arg5: memref<1x128xf32, #tpu.memory_space<vmem>>, %arg6: memref<1x128xf32, #tpu.memory_space<vmem>>, %arg7: memref<1x128xf32, #tpu.memory_space<vmem>>, %arg8: memref<128x128xf32, #tpu.memory_space<vmem>>, %arg9: memref<2x1000x1xf32, #tpu.memory_space<vmem>>, %arg10: memref<2x1000x64xf32, #tpu.memory_space<vmem>>) attributes {dimension_semantics = [#tpu.dimension_semantics<arbitrary>], iteration_bounds = array<i64: 10>, scalar_prefetch = 0 : i64, scratch_operands = 0 : i64, tpu.core_type = #tpu.core_type<tc>, window_params = [{transform_indices = @transform_0, window_bounds = array<i64: 1000, 128>}, {pipeline_mode = #tpu.pipeline_mode<synchronous>, transform_indices = @transform_1, window_bounds = array<i64: 128, 128>}, {pipeline_mode = #tpu.pipeline_mode<synchronous>, transform_indices = @transform_2, window_bounds = array<i64: 1, 128>}, {pipeline_mode = #tpu.pipeline_mode<synchronous>, transform_indices = @transform_3, window_bounds = array<i64: 1, 128>}, {pipeline_mode = #tpu.pipeline_mode<synchronous>, transform_indices = @transform_4, window_bounds = array<i64: 1, 128>}, {pipeline_mode = #tpu.pipeline_mode<synchronous>, transform_indices = @transform_5, window_bounds = array<i64: 1, 128>}, {pipeline_mode = #tpu.pipeline_mode<synchronous>, transform_indices = @transform_6, window_bounds = array<i64: 1, 128>}, {pipeline_mode = #tpu.pipeline_mode<synchronous>, transform_indices = @transform_7, window_bounds = array<i64: 128, 128>}, {transform_indices = @transform_8, window_bounds = array<i64: 2, 1000, 1>}, {transform_indices = @transform_9, window_bounds = array<i64: 2, 1000, 64>}]} {
    %get3A = arith.constant 0 : index
    %get3A_0 = arith.constant 0 : index
    %get3A_1 = vector.load %arg1[%get3A, %get3A_0] : memref<1000x128xf32, #tpu.memory_space<vmem>>, vector<1000x128xf32>
    %get3A_2 = arith.constant 0 : index
    %get3A_3 = arith.constant 0 : index
    %get3A_4 = vector.load %arg2[%get3A_2, %get3A_3] : memref<128x128xf32, #tpu.memory_space<vmem>>, vector<128x128xf32>
    %dot_general3A = arith.constant dense<0.000000e+00> : vector<1000x128xf32>
    %dot_general3A_5 = tpu.matmul %get3A_1, %get3A_4, %dot_general3A {dimension_numbers = #tpu.dot_dimension_numbers<[1], [0], [0], [1], [0, 0, 1, 1], [], []>, transpose_lhs_hint = false} : vector<1000x128xf32>, vector<128x128xf32>, vector<1000x128xf32> -> vector<1000x128xf32>
    %get3A_6 = arith.constant 0 : index
    %get3A_7 = arith.constant 0 : index
    %get3A_8 = vector.load %arg3[%get3A_6, %get3A_7] : memref<1x128xf32, #tpu.memory_space<vmem>>, vector<1x128xf32>
    %add3A = vector.broadcast %get3A_8 : vector<1x128xf32> to vector<1000x128xf32>
    %add3A_9 = arith.addf %dot_general3A_5, %add3A : vector<1000x128xf32>
    %get3A_10 = arith.constant 0 : index
    %get3A_11 = arith.constant 0 : index
    %get3A_12 = vector.load %arg4[%get3A_10, %get3A_11] : memref<1x128xf32, #tpu.memory_space<vmem>>, vector<1x128xf32>
    %get3A_13 = arith.constant 0 : index
    %get3A_14 = arith.constant 0 : index
    %get3A_15 = vector.load %arg7[%get3A_13, %get3A_14] : memref<1x128xf32, #tpu.memory_space<vmem>>, vector<1x128xf32>
    %add3A_16 = arith.constant 9.99999974E-6 : f32
    %add3A_17 = vector.broadcast %add3A_16 : f32 to vector<1x128xf32>
    %add3A_18 = arith.addf %get3A_15, %add3A_17 : vector<1x128xf32>
    %rsqrt3A = math.rsqrt %add3A_18 : vector<1x128xf32>
    %mul3A = arith.mulf %get3A_12, %rsqrt3A : vector<1x128xf32>
    %get3A_19 = arith.constant 0 : index
    %get3A_20 = arith.constant 0 : index
    %get3A_21 = vector.load %arg6[%get3A_19, %get3A_20] : memref<1x128xf32, #tpu.memory_space<vmem>>, vector<1x128xf32>
    %sub3A = vector.broadcast %get3A_21 : vector<1x128xf32> to vector<1000x128xf32>
    %sub3A_22 = arith.subf %add3A_9, %sub3A : vector<1000x128xf32>
    %mul3A_23 = vector.broadcast %mul3A : vector<1x128xf32> to vector<1000x128xf32>
    %mul3A_24 = arith.mulf %sub3A_22, %mul3A_23 : vector<1000x128xf32>
    %get3A_25 = arith.constant 0 : index
    %get3A_26 = arith.constant 0 : index
    %get3A_27 = vector.load %arg5[%get3A_25, %get3A_26] : memref<1x128xf32, #tpu.memory_space<vmem>>, vector<1x128xf32>
    %add3A_28 = vector.broadcast %get3A_27 : vector<1x128xf32> to vector<1000x128xf32>
    %add3A_29 = arith.addf %mul3A_24, %add3A_28 : vector<1000x128xf32>
    %ge3A = arith.constant 0.000000e+00 : f32
    %ge3A_30 = vector.broadcast %ge3A : f32 to vector<1000x128xf32>
    %ge3A_31 = arith.cmpf oge, %add3A_29, %ge3A_30 : vector<1000x128xf32>
    %mul3A_32 = arith.constant 0.00999999977 : f32
    %mul3A_33 = vector.broadcast %mul3A_32 : f32 to vector<1000x128xf32>
    %mul3A_34 = arith.mulf %mul3A_33, %add3A_29 : vector<1000x128xf32>
    %select_n3A = arith.select %ge3A_31, %add3A_29, %mul3A_34 : vector<1000x128xi1>, vector<1000x128xf32>
    %get3A_35 = arith.constant 0 : index
    %get3A_36 = arith.constant 0 : index
    %get3A_37 = vector.load %arg8[%get3A_35, %get3A_36] : memref<128x128xf32, #tpu.memory_space<vmem>>, vector<128x128xf32>
    %dot_general3A_38 = arith.constant dense<0.000000e+00> : vector<1000x128xf32>
    %dot_general3A_39 = tpu.matmul %select_n3A, %get3A_37, %dot_general3A_38 {dimension_numbers = #tpu.dot_dimension_numbers<[1], [0], [0], [1], [0, 0, 1, 1], [], []>, transpose_lhs_hint = false} : vector<1000x128xf32>, vector<128x128xf32>, vector<1000x128xf32> -> vector<1000x128xf32>
    %get3A_40 = arith.constant 0 : index
    %get3A_41 = arith.constant 0 : index
    %get3A_42 = arith.constant 0 : index
    %get3A_43 = vector.load %arg9[%get3A_40, %get3A_41, %get3A_42] : memref<2x1000x1xf32, #tpu.memory_space<vmem>>, vector<1x1000x1xf32>
    %get3A_44 = vector.shape_cast %get3A_43 : vector<1x1000x1xf32> to vector<1000x1xf32>
    %get3A_45 = arith.constant 1 : index
    %get3A_46 = arith.constant 0 : index
    %get3A_47 = arith.constant 0 : index
    %get3A_48 = vector.load %arg9[%get3A_45, %get3A_46, %get3A_47] : memref<2x1000x1xf32, #tpu.memory_space<vmem>>, vector<1x1000x1xf32>
    %get3A_49 = vector.shape_cast %get3A_48 : vector<1x1000x1xf32> to vector<1000x1xf32>
    %add3A_50 = arith.addf %get3A_44, %get3A_49 : vector<1000x1xf32>
    %add3A_51 = arith.constant 1.000000e+00 : f32
    %add3A_52 = vector.broadcast %add3A_51 : f32 to vector<1000x1xf32>
    %add3A_53 = arith.addf %add3A_50, %add3A_52 : vector<1000x1xf32>
    %rsqrt3A_54 = math.rsqrt %add3A_53 : vector<1000x1xf32>
    %mul3A_55 = vector.broadcast %rsqrt3A_54 : vector<1000x1xf32> to vector<1000x128xf32>
    %mul3A_56 = arith.mulf %mul3A_55, %dot_general3A_39 : vector<1000x128xf32>
    %slice3A = vector.extract_strided_slice %mul3A_56 {offsets = [0, 0], sizes = [1000, 64], strides = [1, 1]} : vector<1000x128xf32> to vector<1000x64xf32>
    %swap3A = arith.constant 0 : index
    %swap3A_57 = arith.constant 0 : index
    %swap3A_58 = arith.constant 0 : index
    %swap3A_59 = vector.load %arg10[%swap3A, %swap3A_57, %swap3A_58] : memref<2x1000x64xf32, #tpu.memory_space<vmem>>, vector<1x1000x64xf32>
    %swap3A_60 = vector.shape_cast %swap3A_59 : vector<1x1000x64xf32> to vector<1000x64xf32>
    %swap3A_61 = vector.shape_cast %slice3A : vector<1000x64xf32> to vector<1x1000x64xf32>
    tpu.vector_store %arg10[%swap3A, %swap3A_57, %swap3A_58], %swap3A_61 {strides = array<i32>} : memref<2x1000x64xf32, #tpu.memory_space<vmem>>, vector<1x1000x64xf32>,
    %slice3A_62 = vector.extract_strided_slice %mul3A_56 {offsets = [0, 64], sizes = [1000, 64], strides = [1, 1]} : vector<1000x128xf32> to vector<1000x64xf32>
    %swap3A_63 = arith.constant 1 : index
    %swap3A_64 = arith.constant 0 : index
    %swap3A_65 = arith.constant 0 : index
    %swap3A_66 = vector.load %arg10[%swap3A_63, %swap3A_64, %swap3A_65] : memref<2x1000x64xf32, #tpu.memory_space<vmem>>, vector<1x1000x64xf32>
    %swap3A_67 = vector.shape_cast %swap3A_66 : vector<1x1000x64xf32> to vector<1000x64xf32>
    %swap3A_68 = vector.shape_cast %slice3A_62 : vector<1000x64xf32> to vector<1x1000x64xf32>
    tpu.vector_store %arg10[%swap3A_63, %swap3A_64, %swap3A_65], %swap3A_68 {strides = array<i32>} : memref<2x1000x64xf32, #tpu.memory_space<vmem>>, vector<1x1000x64xf32>,
    return
  }
  func.func @transform_0(%arg0: i32) -> (i32, i32) {
    %c0_i32 = arith.constant 0 : i32
    %c0_i32_0 = arith.constant 0 : i32
    return %arg0, %c0_i32 : i32, i32
  }
  func.func @transform_1(%arg0: i32) -> (i32, i32) {
    %c0_i32 = arith.constant 0 : i32
    %c0_i32_0 = arith.constant 0 : i32
    %c0_i32_1 = arith.constant 0 : i32
    return %c0_i32, %c0_i32_0 : i32, i32
  }
  func.func @transform_2(%arg0: i32) -> (i32, i32) {
    %c0_i32 = arith.constant 0 : i32
    %c0_i32_0 = arith.constant 0 : i32
    %c0_i32_1 = arith.constant 0 : i32
    return %c0_i32, %c0_i32_0 : i32, i32
  }
  func.func @transform_3(%arg0: i32) -> (i32, i32) {
    %c0_i32 = arith.constant 0 : i32
    %c0_i32_0 = arith.constant 0 : i32
    %c0_i32_1 = arith.constant 0 : i32
    return %c0_i32, %c0_i32_0 : i32, i32
  }
  func.func @transform_4(%arg0: i32) -> (i32, i32) {
    %c0_i32 = arith.constant 0 : i32
    %c0_i32_0 = arith.constant 0 : i32
    %c0_i32_1 = arith.constant 0 : i32
    return %c0_i32, %c0_i32_0 : i32, i32
  }
  func.func @transform_5(%arg0: i32) -> (i32, i32) {
    %c0_i32 = arith.constant 0 : i32
    %c0_i32_0 = arith.constant 0 : i32
    %c0_i32_1 = arith.constant 0 : i32
    return %c0_i32, %c0_i32_0 : i32, i32
  }
  func.func @transform_6(%arg0: i32) -> (i32, i32) {
    %c0_i32 = arith.constant 0 : i32
    %c0_i32_0 = arith.constant 0 : i32
    %c0_i32_1 = arith.constant 0 : i32
    return %c0_i32, %c0_i32_0 : i32, i32
  }
  func.func @transform_7(%arg0: i32) -> (i32, i32) {
    %c0_i32 = arith.constant 0 : i32
    %c0_i32_0 = arith.constant 0 : i32
    %c0_i32_1 = arith.constant 0 : i32
    return %c0_i32, %c0_i32_0 : i32, i32
  }
  func.func @transform_8(%arg0: i32) -> (i32, i32, i32) {
    %c0_i32 = arith.constant 0 : i32
    %c0_i32_0 = arith.constant 0 : i32
    %c0_i32_1 = arith.constant 0 : i32
    return %c0_i32, %arg0, %c0_i32_0 : i32, i32, i32
  }
  func.func @transform_9(%arg0: i32) -> (i32, i32, i32) {
    %c0_i32 = arith.constant 0 : i32
    %c0_i32_0 = arith.constant 0 : i32
    %c0_i32_1 = arith.constant 0 : i32
    return %c0_i32, %arg0, %c0_i32_0 : i32, i32, i32
  }
}

module attributes {stable_mosaic.version = 14 : i64} {
  func.func @_tc_final_body(%arg0: i32, %arg1: memref<2x1000x64xf32, #tpu.memory_space<vmem>>, %arg2: memref<2x1000x64xf32, #tpu.memory_space<vmem>>, %arg3: memref<2x1000x1xf32, #tpu.memory_space<vmem>>, %arg4: memref<1x128xf32, #tpu.memory_space<vmem>>, %arg5: memref<1000x128xf32, #tpu.memory_space<vmem>>) attributes {dimension_semantics = [#tpu.dimension_semantics<arbitrary>], iteration_bounds = array<i64: 10>, scalar_prefetch = 0 : i64, scratch_operands = 0 : i64, tpu.core_type = #tpu.core_type<tc>, window_params = [{transform_indices = @transform_0, window_bounds = array<i64: 2, 1000, 64>}, {transform_indices = @transform_1, window_bounds = array<i64: 2, 1000, 64>}, {transform_indices = @transform_2, window_bounds = array<i64: 2, 1000, 1>}, {pipeline_mode = #tpu.pipeline_mode<synchronous>, transform_indices = @transform_3, window_bounds = array<i64: 1, 128>}, {transform_indices = @transform_4, window_bounds = array<i64: 1000, 128>}]} {
    %get3A = arith.constant 0 : index
    %get3A_0 = arith.constant 0 : index
    %get3A_1 = arith.constant 0 : index
    %get3A_2 = vector.load %arg3[%get3A, %get3A_0, %get3A_1] : memref<2x1000x1xf32, #tpu.memory_space<vmem>>, vector<1x1000x1xf32>
    %get3A_3 = vector.shape_cast %get3A_2 : vector<1x1000x1xf32> to vector<1000x1xf32>
    %get3A_4 = arith.constant 1 : index
    %get3A_5 = arith.constant 0 : index
    %get3A_6 = arith.constant 0 : index
    %get3A_7 = vector.load %arg3[%get3A_4, %get3A_5, %get3A_6] : memref<2x1000x1xf32, #tpu.memory_space<vmem>>, vector<1x1000x1xf32>
    %get3A_8 = vector.shape_cast %get3A_7 : vector<1x1000x1xf32> to vector<1000x1xf32>
    %add3A = arith.addf %get3A_3, %get3A_8 : vector<1000x1xf32>
    %add3A_9 = arith.constant 1.000000e+00 : f32
    %add3A_10 = vector.broadcast %add3A_9 : f32 to vector<1000x1xf32>
    %add3A_11 = arith.addf %add3A, %add3A_10 : vector<1000x1xf32>
    %rsqrt3A = math.rsqrt %add3A_11 : vector<1000x1xf32>
    %get3A_12 = arith.constant 0 : index
    %get3A_13 = arith.constant 0 : index
    %get3A_14 = arith.constant 0 : index
    %get3A_15 = vector.load %arg1[%get3A_12, %get3A_13, %get3A_14] : memref<2x1000x64xf32, #tpu.memory_space<vmem>>, vector<1x1000x64xf32>
    %get3A_16 = vector.shape_cast %get3A_15 : vector<1x1000x64xf32> to vector<1000x64xf32>
    %get3A_17 = arith.constant 0 : index
    %get3A_18 = arith.constant 0 : index
    %get3A_19 = arith.constant 0 : index
    %get3A_20 = vector.load %arg2[%get3A_17, %get3A_18, %get3A_19] : memref<2x1000x64xf32, #tpu.memory_space<vmem>>, vector<1x1000x64xf32>
    %get3A_21 = vector.shape_cast %get3A_20 : vector<1x1000x64xf32> to vector<1000x64xf32>
    %add3A_22 = arith.addf %get3A_16, %get3A_21 : vector<1000x64xf32>
    %get3A_23 = arith.constant 1 : index
    %get3A_24 = arith.constant 0 : index
    %get3A_25 = arith.constant 0 : index
    %get3A_26 = vector.load %arg1[%get3A_23, %get3A_24, %get3A_25] : memref<2x1000x64xf32, #tpu.memory_space<vmem>>, vector<1x1000x64xf32>
    %get3A_27 = vector.shape_cast %get3A_26 : vector<1x1000x64xf32> to vector<1000x64xf32>
    %get3A_28 = arith.constant 1 : index
    %get3A_29 = arith.constant 0 : index
    %get3A_30 = arith.constant 0 : index
    %get3A_31 = vector.load %arg2[%get3A_28, %get3A_29, %get3A_30] : memref<2x1000x64xf32, #tpu.memory_space<vmem>>, vector<1x1000x64xf32>
    %get3A_32 = vector.shape_cast %get3A_31 : vector<1x1000x64xf32> to vector<1000x64xf32>
    %add3A_33 = arith.addf %get3A_27, %get3A_32 : vector<1000x64xf32>
    %concatenate3A = tpu.concatenate %add3A_22, %add3A_33 in 1 : vector<1000x64xf32>, vector<1000x64xf32> -> vector<1000x128xf32>
    %mul3A = vector.broadcast %rsqrt3A : vector<1000x1xf32> to vector<1000x128xf32>
    %mul3A_34 = arith.mulf %mul3A, %concatenate3A : vector<1000x128xf32>
    %get3A_35 = arith.constant 0 : index
    %get3A_36 = arith.constant 0 : index
    %get3A_37 = vector.load %arg4[%get3A_35, %get3A_36] : memref<1x128xf32, #tpu.memory_space<vmem>>, vector<1x128xf32>
    %add3A_38 = vector.broadcast %get3A_37 : vector<1x128xf32> to vector<1000x128xf32>
    %add3A_39 = arith.addf %mul3A_34, %add3A_38 : vector<1000x128xf32>
    %swap3A = arith.constant 0 : index
    %swap3A_40 = arith.constant 0 : index
    %swap3A_41 = vector.load %arg5[%swap3A, %swap3A_40] : memref<1000x128xf32, #tpu.memory_space<vmem>>, vector<1000x128xf32>
    tpu.vector_store %arg5[%swap3A, %swap3A_40], %add3A_39 {strides = array<i32>} : memref<1000x128xf32, #tpu.memory_space<vmem>>, vector<1000x128xf32>,
    return
  }
  func.func @transform_0(%arg0: i32) -> (i32, i32, i32) {
    %c0_i32 = arith.constant 0 : i32
    %c0_i32_0 = arith.constant 0 : i32
    %c0_i32_1 = arith.constant 0 : i32
    return %c0_i32, %arg0, %c0_i32_0 : i32, i32, i32
  }
  func.func @transform_1(%arg0: i32) -> (i32, i32, i32) {
    %c0_i32 = arith.constant 0 : i32
    %c0_i32_0 = arith.constant 0 : i32
    %c0_i32_1 = arith.constant 0 : i32
    return %c0_i32, %arg0, %c0_i32_0 : i32, i32, i32
  }
  func.func @transform_2(%arg0: i32) -> (i32, i32, i32) {
    %c0_i32 = arith.constant 0 : i32
    %c0_i32_0 = arith.constant 0 : i32
    %c0_i32_1 = arith.constant 0 : i32
    return %c0_i32, %arg0, %c0_i32_0 : i32, i32, i32
  }
  func.func @transform_3(%arg0: i32) -> (i32, i32) {
    %c0_i32 = arith.constant 0 : i32
    %c0_i32_0 = arith.constant 0 : i32
    %c0_i32_1 = arith.constant 0 : i32
    return %c0_i32, %c0_i32_0 : i32, i32
  }
  func.func @transform_4(%arg0: i32) -> (i32, i32) {
    %c0_i32 = arith.constant 0 : i32
    %c0_i32_0 = arith.constant 0 : i32
    return %arg0, %c0_i32 : i32, i32
  }
}

</mosaic_0001>

<sc_bundles>
// kernel: _impl.6.cloned.1.call-start
scs
__scs_entry_jumppad:
0x0: {  	(pc) =	sbr.rel $0x88, $3  }
0x1: {  	(tag) =	ssettag $0x0;
	lr =	simm.s32 $0x1  }
0x2: {  	[smem:$0x3F97] =	sst lr;
	_ =	strace $0xD0000000  }
0x3: {  	_ = 	snop  }
0x4: {  	_ = 	snop  }
0x5: {  	_ = 	snop  }
0x6: {  	_ = 	snop  }
0x7: {  	_ = 	snop  }
__scs_overlays_trampoline_lowered:
0x8: {  	[smem:$0x3FA6] =	sst s0  }
0x9: {  	[smem:$0x3FA7] =	sst s1  }
0xa: {  	[smem:$0x3FA8] =	sst s2  }
0xb: {  	[smem:$0x3FA9] =	sst s3  }
0xc: {  	[smem:$0x3FAA] =	sst s4  }
0xd: {  	[smem:$0x3FAB] =	sst s5  }
0xe: {  	[smem:$0x3FAC] =	sst s6  }
0xf: {  	[smem:$0x3FAD] =	sst s7  }
0x10: {  	[smem:$0x3FAE] =	sst s8  }
0x11: {  	[smem:$0x3FAF] =	sst s9;
	s0 =	simm.s32 @!p0 $0x0  }
0x12: {  	s1 =	sld [smem:$0x3F95];
	s0 =	simm.s32 @p0 $0x1  }
0x13: {  	[smem:$0x3FB0] =	sst s0;
	s0 =	simm.s32 @!p1 $0x0  }
0x14: {  	s2 =	sld [smem:$0x3F94];
	s0 =	simm.s32 @p1 $0x1  }
0x15: {  	[smem:$0x3FB1] =	sst s0;
	s0 =	simm.s32 @!p2 $0x0  }
0x16: {  	s3 =	sld [smem:$0x3FDB];
	s0 =	simm.s32 @p2 $0x1  }
0x17: {  	s4 =	simm.s32 $0x1BF5;
	[smem:$0x3FB3] =	sst s0  }
0x18: {  	s0 =	sld [smem:$0x3F96];
	_ =	swait.ge [sflag:s4], $0x0  }
0x19: {  	s7 =	sld [smem:$0x3F97]  }
0x1a: {  	s8 =	sadd.s32 $0xFFFFE003, lr  }
0x1b: {  	s9 =	sadd.s32 $0xFFFFFEF7, lr;
	s5 =	simm.s32 $0xFFFFFFFF;
	p2 =	slt.u32 s8, $0xFFFFF086  }
0x1c: {  	p1 =	slt.u32 s9, $0xF7A;
	s5 =	simm.s32 @!p2 $0x0  }
0x1d: {  	s5 =	simm.s32 @p1 $0x1;
	p0 =	seq.s32 s7, s2  }
0x1e: {  	s7 =	smul.u32 @!p0 $0xF7A, s2;
	p2 =	seq.s32 @!p0 s5, $0x0  }
0x1f: {  	s9 =	smul.u32 $0xF7A, s1;
	s8 =	simm.s32 @!p0 $0x1BF5;
	p2 =	por !p2, p0  }
0x20: {  	[sflag:s8] =	ssyncset.s32 @!p0 $0xFFFFF086;
	s6 =	sadd.s32 @!p0 s3, s7;
	s7 =	simm.s32 @!p0 $0x108  }
0x21: {  	s3 =	sadd.s32 s3, s9;
	s6 =	sadd.s32 @!p0 $0x88, s6;
	s7 =	simm.s32 @p2 $0x1082  }
0x22: {  	[simem:s7], [sflag:s8] =	dma.local @!p0 [hbm:s6], $0xF7A  }
0x23: {  	s9 =	sor.u32 $0xD0000000, s2;
	s6 =	simm.s32 $0x108;
	_ =	swait.ge @!p0 [sflag:s8], $0x0  }
0x24: {  	s3 =	sadd.s32 $0x88, s3;
	s6 =	simm.s32 @!p1 $0x1082;
	[sflag:s4] =	ssyncset.s32 $0xFFFFF086  }
0x25: {  	[simem:s6], [sflag:s4] =	dma.local [hbm:s3], $0xF7A  }
0x26: {  	[smem:$0x3F97] =	sst s1;
	(tag) =	ssettag s2;
	_ =	strace s9  }
0x27: {  	s1 =	sld [smem:$0x3FA7]  }
0x28: {  	s2 =	sld [smem:$0x3FA8]  }
0x29: {  	s4 =	sld [smem:$0x3FAA]  }
0x2a: {  	p0 =	seq.s32 s5, $0x0;
	s5 =	sld [smem:$0x3FAB]  }
0x2b: {  	s6 =	sld [smem:$0x3FAC]  }
0x2c: {  	s7 =	sld [smem:$0x3FAD]  }
0x2d: {  	s3 =	simm.s32 $0x108;
	s8 =	sld [smem:$0x3FAE]  }
0x2e: {  	s3 =	simm.s32 @!p0 $0x1082;
	s9 =	sld [smem:$0x3FAF]  }
0x2f: {  	lr =	sadd.s32 s0, s3;
	s0 =	sld [smem:$0x3FA6]  }
0x30: {  	s3 =	sld [smem:$0x3FA9]  }
0x31: {  	[smem:$0x3FB2] =	sst s10  }
0x32: {  	s10 =	sld [smem:$0x3FB0];
	_ =	sdelay $0x3  }
0x33: {  	p0 =	seq.s32 s10, $0x1;
	s10 =	sld [smem:$0x3FB2];
	_ =	sdelay $0x3  }
0x34: {  	[smem:$0x3FB2] =	sst s10  }
0x35: {  	s10 =	sld [smem:$0x3FB1];
	_ =	sdelay $0x3  }
0x36: {  	p1 =	seq.s32 s10, $0x1;
	s10 =	sld [smem:$0x3FB2];
	_ =	sdelay $0x3  }
0x37: {  	[smem:$0x3FB2] =	sst s10  }
0x38: {  	s10 =	sld [smem:$0x3FB3]  }
0x39: {  	_ = 	snop;
	(pc) =	sbr.ind lr, $3  }
0x3a: {  	_ = 	snop  }
0x3b: {  	_ = 	snop  }
0x3c: {  	p2 =	seq.s32 s10, $0x1;
	s10 =	sld [smem:$0x3FB2]  }
0x3d: {  	_ =	shalt  }
0x3e: {  	_ =	shalt  }
0x3f: {  	_ =	shalt  }
0x40: {  	_ =	shalt  }
0x41: {  	_ =	shalt  }
0x42: {  	_ =	shalt  }
0x43: {  	_ =	shalt  }
0x44: {  	_ =	shalt  }
0x45: {  	_ =	shalt  }
0x46: {  	_ =	shalt  }
0x47: {  	_ =	shalt  }
0x48: {  	_ =	shalt  }
0x49: {  	_ =	shalt  }
0x4a: {  	_ =	shalt  }
0x4b: {  	_ =	shalt  }
0x4c: {  	_ =	shalt  }
0x4d: {  	_ =	shalt  }
0x4e: {  	_ =	shalt  }
0x4f: {  	_ =	shalt  }
0x50: {  	_ =	shalt  }
0x51: {  	_ =	shalt  }
0x52: {  	_ =	shalt  }
0x53: {  	_ =	shalt  }
0x54: {  	_ =	shalt  }
0x55: {  	_ =	shalt  }
0x56: {  	_ =	shalt  }
0x57: {  	_ =	shalt  }
0x58: {  	_ =	shalt  }
0x59: {  	_ =	shalt  }
0x5a: {  	_ =	shalt  }
0x5b: {  	_ =	shalt  }
0x5c: {  	_ =	shalt  }
0x5d: {  	_ =	shalt  }
0x5e: {  	_ =	shalt  }
0x5f: {  	_ =	shalt  }
0x60: {  	_ =	shalt  }
0x61: {  	_ =	shalt  }
0x62: {  	_ =	shalt  }
0x63: {  	_ =	shalt  }
0x64: {  	_ =	shalt  }
0x65: {  	_ =	shalt  }
0x66: {  	_ =	shalt  }
0x67: {  	_ =	shalt  }
0x68: {  	_ =	shalt  }
0x69: {  	_ =	shalt  }
0x6a: {  	_ =	shalt  }
0x6b: {  	_ =	shalt  }
0x6c: {  	_ =	shalt  }
0x6d: {  	_ =	shalt  }
0x6e: {  	_ =	shalt  }
0x6f: {  	_ =	shalt  }
0x70: {  	_ =	shalt  }
0x71: {  	_ =	shalt  }
0x72: {  	_ =	shalt  }
0x73: {  	_ =	shalt  }
0x74: {  	_ =	shalt  }
0x75: {  	_ =	shalt  }
0x76: {  	_ =	shalt  }
0x77: {  	_ =	shalt  }
0x78: {  	_ =	shalt  }
0x79: {  	_ =	shalt  }
0x7a: {  	_ =	shalt  }
0x7b: {  	_ =	shalt  }
0x7c: {  	_ =	shalt  }
0x7d: {  	_ =	shalt  }
0x7e: {  	_ =	shalt  }
0x7f: {  	_ =	shalt  }
0x80: {  	_ =	shalt  }
0x81: {  	_ =	shalt  }
0x82: {  	_ =	shalt  }
0x83: {  	_ =	shalt  }
0x84: {  	_ =	shalt  }
0x85: {  	_ =	shalt  }
0x86: {  	_ =	shalt  }
0x87: {  	_ =	shalt  }
.Lfunc_end0:
.L_simem_size_0:
called_computation_lowered:
.L_overlay_start_0:
0x88: {  	s2 =	sld [smem:$0x3FD9]  }
0x89: {  	s3 =	sld [smem:$0x3FFE];
	_ =	sdelay $0x1  }
0x8a: {  	s1 =	srdreg.scid  }
0x8b: {  	s0 =	sand.u32 $0x1, s1  }
0x8c: {  	s17 =	sshll.u32 s0, $0xA;
	s2 =	sadd.s32 s3, s2  }
0x8d: {  	s2 =	sadd.s32 s2, s17  }
0x8e: {  	[smem:$0x3FBE] =	sst s2  }
0x8f: {  	_ = 	snop  }
0x90: {  	s2 =	sld [smem:$0x3FD0];
	(tm) =	ssettm $0x1  }
0x91: {  	s18 =	sld [smem:$0x3FFB];
	_ =	sdelay $0x3  }
0x92: {  	_ =	strace s18  }
0x93: {  	s3 =	sld [smem:$0x3FFC];
	_ =	sdelay $0x3  }
0x94: {  	_ =	strace s3  }
0x95: {  	s3 =	sld [smem:$0x3FFD];
	_ =	sdelay $0x3  }
0x96: {  	_ =	strace s3  }
0x97: {  	_ =	strace $0x8FFFFFFF  }
0x98: {  	s19 =	sld [smem:$0x3FDB];
	_ =	sdelay $0x1  }
0x99: {  	s4 =	simm.s32 $_scs_section_size  }
0x9a: {  	s5 =	simm.s32 $_size__tile_overlayer_lowered;
	s6 =	simm.s32 $_tile_overlayer_lowered  }
0x9b: {  	s22 =	simm.s32 $0x1BFF;
	s21 =	sshll.u32 s6, $0x1;
	s3 =	sadd.s32 s4, s19  }
0x9c: {  	s7 =	simm.s32 $0x0;
	s20 =	sshll.u32 s5, $0x1;
	s5 =	sadd.s32 s21, s3  }
0x9d: {  	[timem:s7], [sflag:s22] =	dma.local [hbm:s5], s20  }
0x9e: {  	_ =	swait.ge [sflag:s22], s20  }
0x9f: {  	s4 =	ssub.s32 $0x0, s20;
	[sflag:s22] =	ssyncset.done $0x0  }
0xa0: {  	[sflag:s22] =	ssyncadd.s32 s4;
	_ =	sdelay $0x1  }
0xa1: {  	s23 =	simm.s32 $0x1B8B  }
0xa2: {  	_ =	swait.ge [sflag:s23], $0x1  }
0xa3: {  	[sflag:s23] =	ssyncset.done $0x0  }
0xa4: {  	s25 =	simm.s32 $0x1B8E;
	s24 =	sld [smem:$0x3FFE];
	[sflag:s23] =	ssyncadd.s32 $0xFFFFFFFF  }
0xa5: {  	s26 =	simm.s32 $execute0_lowered;
	[smem:$0x3FD2] =	sst s25  }
0xa6: {  	s5 =	sshll.u32 s26, $0x1;
	_ =	strace $0x80000046;
	[dreg:$0x1] =	wrdreg $0xFFFFFFFF  }
0xa7: {  	s28 =	simm.s32 $_size_execute0_lowered;
	s3 =	sadd.s32 s3, s5;
	[dreg:$0x0] =	wrdreg $0x0  }
0xa8: {  	s5 =	sshll.u32 s28, $0x1;
	[dreg:$0x2] =	wrdreg s3  }
0xa9: {  	[dreg:$0x3] =	wrdreg s5  }
0xaa: {  	[dreg:$0x4] =	wrdreg $0xC0  }
0xab: {  	_ =	task [dreg:s7], $0x5FFFF  }
0xac: {  	[dreg:$0x1] =	wrdreg $0xFFFFFFFF  }
0xad: {  	[dreg:$0x0] =	wrdreg $0x60  }
0xae: {  	[dreg:$0x2] =	wrdreg s2  }
0xaf: {  	[dreg:$0x3] =	wrdreg s24  }
0xb0: {  	[dreg:$0x4] =	wrdreg $0x2B000  }
0xb1: {  	[dreg:$0x5] =	wrdreg $0x9  }
0xb2: {  	_ =	task.clear_ibuf [dreg:s7], $0x6FFFF;
	_ =	strace $0x90000046  }
0xb3: {  	s29 =	simm.s32 $0x9;
	_ =	strace $0x80000048  }
0xb4: {  	_ =	swait.ge [sflag:s29], $0x1  }
0xb5: {  	[sflag:s29] =	ssyncadd.s32 $0xFFFFFFFF  }
0xb6: {  	_ =	strace $0x90000048  }
0xb7: {  	_ =	sfence  }
0xb8: {  	s30 =	sld [smem:$0x0];
	_ =	sdelay $0x2  }
0xb9: {  	s31 =	sshll.u32 s1, $0xD;
	s1 =	sshrl.u32 s1, $0x2  }
0xba: {  	s3 =	sand.u32 $0x4000, s31;
	s1 =	sadd.s32 s1, s30  }
0xbb: {  	s0 =	sor.u32 s3, s0;
	s1 =	sshll.u32 s1, $0x11  }
0xbc: {  	s0 =	sor.u32 s1, s0  }
0xbd: {  	s0 =	sadd.s32 $0x8F2B, s0  }
0xbe: {  	[sflag:s0] =	ssyncadd.remote.s32 $0x1  }
0xbf: {  	_ =	sfence.sel $0xFFFF  }
0xc0: {  	[dreg:$0x0] =	wrdreg $0xFFFFFFFF;
	(pc) =	sbr.abs _section_cstart, $3  }
0xc1: {  	[dreg:$0x1] =	wrdreg $0xFFFFFFFF  }
0xc2: {  	_ =	task.clear_ibuf [dreg:s7], $0x2FFFF;
	_ =	strace $0x9FFFFFFF  }
0xc3: {  	(tm) =	ssettm $0x7FFFFFFF  }
tec
execute0_lowered:
.L_overlay_start_1:
0x0: {  	(tag) =	ssettag $0x1  }
0x1: {  	s5 =	rddreg [dreg:$0x0]  }
0x2: {  	s4 =	rddreg [dreg:$0x1]  }
0x3: {  	s2 =	rddreg [dreg:$0x2]  }
0x4: {  	s0 =	rddreg [dreg:$0x3];
	s3 =	simm.s32 $0x0;
	s6 =	srdreg.scid  }
0x5: {  	s1 =	stileid.u32;
	s11 =	simm.s32 $0x2800;
	s12 =	simm.s32 $0x100  }
0x6: {  	s13 =	simm.s32 $0x0;
	[smem:$0x7FF] =	sst s3;
	s7 =	smul.u32 $0x500, s1  }
0x7: {  	s6 =	sand.u32 $0x1, s6;
	s31 =	smul.u32 $0xA00, s1;
	_ =	strace $0x80000047  }
0x8: {  	s8 =	sshll.u32 s6, $0x7;
	s9 =	sshll.u32 s6, $0x4;
	s6 =	ssub.s32 $0x2, s6  }
0x9: {  	s7 =	sor.u32 s8, s7;
	s9 =	sor.u32 s1, s9;
	s10 =	sshrl.u32 s6, $0x1  }
0xa: {  	s8 =	sshrl.u32 s31, $0x2;
	s7 =	sshrl.u32 s7, $0x3;
	s9 =	smul.u32 $0x500, s9  }
0xb: {  	s10 =	ssub.s32 s6, s10;
	s7 =	sadd.s32 s7, s4;
	s4 =	sadd.s32 s8, s2  }
0xc: {  	s8 =	simm.s32 $0x2880;
	s5 =	sadd.s32 s5, s9;
	s6 =	sadd.s32 $0x2400, s7  }
0xd: {  	v0 =	vimm.f32 $1.000000000e+00;
	v1 =	vimm.f32 $0.0e+00;
	s7 =	smax.u32 s10, $0x1;
	s9 =	simm.s32 $0x1;
	s10 =	simm.s32 $0x80  }
.LBB2_1:
0xe: {  	[tilespmem:$0x2800] =	vst v0  }
0xf: {  	[tilespmem:$0x2810] =	vst v0  }
0x10: {  	[tilespmem:$0x2820] =	vst v0  }
0x11: {  	[tilespmem:$0x2830] =	vst v0  }
0x12: {  	[tilespmem:$0x2840] =	vst v0  }
0x13: {  	[tilespmem:$0x2850] =	vst v0  }
0x14: {  	[tilespmem:$0x2860] =	vst v0  }
0x15: {  	[tilespmem:$0x2870] =	vst v0  }
0x16: {  	[tilespmem:$0x2880] =	vst v1  }
0x17: {  	[tilespmem:$0x2890] =	vst v1  }
0x18: {  	[tilespmem:$0x28A0] =	vst v1  }
0x19: {  	[tilespmem:$0x28B0] =	vst v1  }
0x1a: {  	[tilespmem:$0x28C0] =	vst v1  }
0x1b: {  	[tilespmem:$0x28D0] =	vst v1  }
0x1c: {  	[tilespmem:$0x28E0] =	vst v1  }
0x1d: {  	[tilespmem:$0x28F0] =	vst v1  }
0x1e: {  	[tilespmem:$0x2900] =	vst v1  }
0x1f: {  	[tilespmem:$0x2910] =	vst v1  }
0x20: {  	[tilespmem:$0x2920] =	vst v1  }
0x21: {  	[tilespmem:$0x2930] =	vst v1  }
0x22: {  	[tilespmem:$0x2940] =	vst v1  }
0x23: {  	[tilespmem:$0x2950] =	vst v1  }
0x24: {  	[tilespmem:$0x2960] =	vst v1  }
0x25: {  	[tilespmem:$0x2970] =	vst v1  }
0x26: {  	[tilespmem:$0x2980] =	vst v1  }
0x27: {  	[tilespmem:$0x2990] =	vst v1  }
0x28: {  	[tilespmem:$0x29A0] =	vst v1  }
0x29: {  	[tilespmem:$0x29B0] =	vst v1  }
0x2a: {  	[tilespmem:$0x29C0] =	vst v1  }
0x2b: {  	[tilespmem:$0x29D0] =	vst v1  }
0x2c: {  	[tilespmem:$0x29E0] =	vst v1  }
0x2d: {  	[tilespmem:$0x29F0] =	vst v1  }
0x2e: {  	[tilespmem:$0x2A00] =	vst v1  }
0x2f: {  	[tilespmem:$0x2A10] =	vst v1  }
0x30: {  	[tilespmem:$0x2A20] =	vst v1  }
0x31: {  	[tilespmem:$0x2A30] =	vst v1  }
0x32: {  	[tilespmem:$0x2A40] =	vst v1  }
0x33: {  	[tilespmem:$0x2A50] =	vst v1  }
0x34: {  	[tilespmem:$0x2A60] =	vst v1  }
0x35: {  	[tilespmem:$0x2A70] =	vst v1  }
0x36: {  	[tilespmem:$0x2A80] =	vst v1  }
0x37: {  	[tilespmem:$0x2A90] =	vst v1  }
0x38: {  	[tilespmem:$0x2AA0] =	vst v1  }
0x39: {  	[tilespmem:$0x2AB0] =	vst v1  }
0x3a: {  	[tilespmem:$0x2AC0] =	vst v1  }
0x3b: {  	[tilespmem:$0x2AD0] =	vst v1  }
0x3c: {  	[tilespmem:$0x2AE0] =	vst v1  }
0x3d: {  	[tilespmem:$0x2AF0] =	vst v1  }
0x3e: {  	[spmem:s4] =	stream.linear.scatter [tilespmem:s8], [sflag:$0x1], $0x280, $0x38;
	[tilespmem:$0x2D80] =	vst v63  }
0x3f: {  	_ =	swait.ge [sflag:s9], $0x280  }
0x40: {  	[sflag:s9] =	ssyncset.done $0x0  }
0x41: {  	[sflag:s9] =	ssyncadd.s32 $0xFFFFFD80  }
0x42: {  	[bflag:$0x0] =	sbarrier.arrive $0xFFFF  }
0x43: {  	[tilespmem:s3], [sflag:$0x1] =	stream.linear.gather [hbm4b:s5+s3], $0x2800, $0x38;
	[tilespmem:$0x2D80] =	vst v63  }
0x44: {  	_ =	swait.ge [sflag:s9], $0x2800  }
0x45: {  	[sflag:s9] =	ssyncset.done $0x0  }
0x46: {  	s14 =	simm.s32 $0x0;
	[sflag:s9] =	ssyncadd.s32 $0xFFFFD800  }
0x47: {  	[spmem:s2] =	stream.indirect.scatter.add.f32 [tilespmem:s11], [sflag:$0x1], $0x1, s14, s10, $0xb8;
	[tilespmem:$0x2D80] =	vst v63  }
0x48: {  	_ =	swait.ge [sflag:s9], $0x80  }
0x49: {  	s14 =	simm.s32 $0x200;
	[sflag:s9] =	ssyncset.done $0x0  }
.LBB2_2:
0x4a: {  	s15 =	sshra.s32 s14, $0x2;
	[sflag:s9] =	ssyncadd.s32 $0xFFFFFF80;
	p0 =	sne.s32 s14, $0x9E00  }
0x4b: {  	[spmem:s2] =	stream.indirect.scatter.add.f32 [tilespmem:s11], [sflag:$0x1], $0x1, s15, s10, $0xb8;
	[tilespmem:$0x2D80] =	vst v63  }
.Ltmp0:
0x4c: {  	_ = 	snop;
	(pc) =	sbr.rel @p0 .LBB2_2-.Ltmp0, $4  }
0x4d: {  	_ = 	snop  }
0x4e: {  	s14 =	sadd.s32 $0x200, s14  }
0x4f: {  	_ =	swait.ge [sflag:s9], $0x80  }
0x50: {  	[sflag:s9] =	ssyncset.done $0x0  }
0x51: {  	[sflag:s9] =	ssyncadd.s32 $0xFFFFFF80  }
0x52: {  	[bflag:$0x0] =	sbarrier.arrive $0xFFFF  }
0x53: {  	[tilespmem:s8], [sflag:$0x1] =	stream.linear.gather [spmem:s4], $0x280, $0x38;
	[tilespmem:$0x2D80] =	vst v63  }
0x54: {  	s13 =	sadd.s32 $0x1, s13;
	_ =	swait.ge [sflag:s9], $0x280  }
0x55: {  	p0 =	sne.s32 s13, s7;
	[sflag:s9] =	ssyncset.done $0x0  }
.Ltmp1:
0x56: {  	[sflag:s9] =	ssyncadd.s32 $0xFFFFFD80;
	(pc) =	sbr.rel @p0 .LBB2_1-.Ltmp1, $4  }
0x57: {  	[hbm4b:s6+s10] =	stream.strided.scatter [tilespmem:s8], [sflag:$0x1], $0x280, s12, s10, $0x38;
	[tilespmem:$0x2D80] =	vst v63  }
0x58: {  	_ =	swait.ge [sflag:s9], $0x280  }
0x59: {  	[sflag:s9] =	ssyncset.done $0x0  }
0x5a: {  	[sflag:s9] =	ssyncadd.s32 $0xFFFFFD80  }
0x5b: {  	_ =	sfence.sel $0x180000  }
0x5c: {  	[bflag:$0x0] =	sbarrier.arrive $0xFFFF  }
0x5d: {  	p0 =	sne.s32 s1, $0x0;
	_ =	strace $0x90000047  }
0x5e: {  	s0 =	sadd.s32 @!p0 $0x100000, s0;
	[bflag:$0x2] =	sbarrier.arrive $0xFFFF  }
0x5f: {  	[sflag:s0] =	ssyncadd.tile.s32 @!p0 $0x1;
	_ =	shalt  }
.Lfunc_end2:
_tile_overlayer_lowered:
.L_overlay_start_2:
0x60: {  	(tag) =	ssettag $0x2  }
0x61: {  	s0 =	rddreg [dreg:$0x0];
	s2 =	stileid.u32  }
0x62: {  	s1 =	rddreg [dreg:$0x1];
	p0 =	sne.s32 s2, $0x0  }
0x63: {  	s3 =	rddreg [dreg:$0x2];
	[bflag:$0x3] =	sbarrier.arrive $0xFFFF;
	s2 =	simm.s32 @!p0 $0x1C01  }
0x64: {  	[timem:s3], [sflag:s2] =	dma.local @!p0 [hbm:s0], s1  }
0x65: {  	s0 =	simm.s32 @!p0 $0x1  }
0x66: {  	_ =	swait.ge @!p0 [sflag:s0], s1  }
0x67: {  	s1 =	ssub.s32 @!p0 $0x0, s1;
	[sflag:s0] =	ssyncset.done @!p0 $0x0  }
0x68: {  	[sflag:s0] =	ssyncadd.s32 @!p0 s1  }
0x69: {  	[bflag:$0x3] =	sbarrier.arrive $0xFFFF  }
0x6a: {  	_ =	shalt  }

// kernel: _impl.9.cloned.1.call-start
scs
__scs_entry_jumppad:
0x0: {  	(pc) =	sbr.rel $0x88, $3  }
0x1: {  	(tag) =	ssettag $0x0;
	lr =	simm.s32 $0x1  }
0x2: {  	[smem:$0x3F97] =	sst lr;
	_ =	strace $0xD0000000  }
0x3: {  	_ = 	snop  }
0x4: {  	_ = 	snop  }
0x5: {  	_ = 	snop  }
0x6: {  	_ = 	snop  }
0x7: {  	_ = 	snop  }
__scs_overlays_trampoline_lowered:
0x8: {  	[smem:$0x3FA6] =	sst s0  }
0x9: {  	[smem:$0x3FA7] =	sst s1  }
0xa: {  	[smem:$0x3FA8] =	sst s2  }
0xb: {  	[smem:$0x3FA9] =	sst s3  }
0xc: {  	[smem:$0x3FAA] =	sst s4  }
0xd: {  	[smem:$0x3FAB] =	sst s5  }
0xe: {  	[smem:$0x3FAC] =	sst s6  }
0xf: {  	[smem:$0x3FAD] =	sst s7  }
0x10: {  	[smem:$0x3FAE] =	sst s8  }
0x11: {  	[smem:$0x3FAF] =	sst s9;
	s0 =	simm.s32 @!p0 $0x0  }
0x12: {  	s1 =	sld [smem:$0x3F95];
	s0 =	simm.s32 @p0 $0x1  }
0x13: {  	[smem:$0x3FB0] =	sst s0;
	s0 =	simm.s32 @!p1 $0x0  }
0x14: {  	s2 =	sld [smem:$0x3F94];
	s0 =	simm.s32 @p1 $0x1  }
0x15: {  	[smem:$0x3FB1] =	sst s0;
	s0 =	simm.s32 @!p2 $0x0  }
0x16: {  	s3 =	sld [smem:$0x3FDB];
	s0 =	simm.s32 @p2 $0x1  }
0x17: {  	s4 =	simm.s32 $0x1BF5;
	[smem:$0x3FB3] =	sst s0  }
0x18: {  	s0 =	sld [smem:$0x3F96];
	_ =	swait.ge [sflag:s4], $0x0  }
0x19: {  	s7 =	sld [smem:$0x3F97]  }
0x1a: {  	s8 =	sadd.s32 $0xFFFFE003, lr  }
0x1b: {  	s9 =	sadd.s32 $0xFFFFFEF7, lr;
	s5 =	simm.s32 $0xFFFFFFFF;
	p2 =	slt.u32 s8, $0xFFFFF086  }
0x1c: {  	p1 =	slt.u32 s9, $0xF7A;
	s5 =	simm.s32 @!p2 $0x0  }
0x1d: {  	s5 =	simm.s32 @p1 $0x1;
	p0 =	seq.s32 s7, s2  }
0x1e: {  	s7 =	smul.u32 @!p0 $0xF7A, s2;
	p2 =	seq.s32 @!p0 s5, $0x0  }
0x1f: {  	s9 =	smul.u32 $0xF7A, s1;
	s8 =	simm.s32 @!p0 $0x1BF5;
	p2 =	por !p2, p0  }
0x20: {  	[sflag:s8] =	ssyncset.s32 @!p0 $0xFFFFF086;
	s6 =	sadd.s32 @!p0 s3, s7;
	s7 =	simm.s32 @!p0 $0x108  }
0x21: {  	s3 =	sadd.s32 s3, s9;
	s6 =	sadd.s32 @!p0 $0x88, s6;
	s7 =	simm.s32 @p2 $0x1082  }
0x22: {  	[simem:s7], [sflag:s8] =	dma.local @!p0 [hbm:s6], $0xF7A  }
0x23: {  	s9 =	sor.u32 $0xD0000000, s2;
	s6 =	simm.s32 $0x108;
	_ =	swait.ge @!p0 [sflag:s8], $0x0  }
0x24: {  	s3 =	sadd.s32 $0x88, s3;
	s6 =	simm.s32 @!p1 $0x1082;
	[sflag:s4] =	ssyncset.s32 $0xFFFFF086  }
0x25: {  	[simem:s6], [sflag:s4] =	dma.local [hbm:s3], $0xF7A  }
0x26: {  	[smem:$0x3F97] =	sst s1;
	(tag) =	ssettag s2;
	_ =	strace s9  }
0x27: {  	s1 =	sld [smem:$0x3FA7]  }
0x28: {  	s2 =	sld [smem:$0x3FA8]  }
0x29: {  	s4 =	sld [smem:$0x3FAA]  }
0x2a: {  	p0 =	seq.s32 s5, $0x0;
	s5 =	sld [smem:$0x3FAB]  }
0x2b: {  	s6 =	sld [smem:$0x3FAC]  }
0x2c: {  	s7 =	sld [smem:$0x3FAD]  }
0x2d: {  	s3 =	simm.s32 $0x108;
	s8 =	sld [smem:$0x3FAE]  }
0x2e: {  	s3 =	simm.s32 @!p0 $0x1082;
	s9 =	sld [smem:$0x3FAF]  }
0x2f: {  	lr =	sadd.s32 s0, s3;
	s0 =	sld [smem:$0x3FA6]  }
0x30: {  	s3 =	sld [smem:$0x3FA9]  }
0x31: {  	[smem:$0x3FB2] =	sst s10  }
0x32: {  	s10 =	sld [smem:$0x3FB0];
	_ =	sdelay $0x3  }
0x33: {  	p0 =	seq.s32 s10, $0x1;
	s10 =	sld [smem:$0x3FB2];
	_ =	sdelay $0x3  }
0x34: {  	[smem:$0x3FB2] =	sst s10  }
0x35: {  	s10 =	sld [smem:$0x3FB1];
	_ =	sdelay $0x3  }
0x36: {  	p1 =	seq.s32 s10, $0x1;
	s10 =	sld [smem:$0x3FB2];
	_ =	sdelay $0x3  }
0x37: {  	[smem:$0x3FB2] =	sst s10  }
0x38: {  	s10 =	sld [smem:$0x3FB3]  }
0x39: {  	_ = 	snop;
	(pc) =	sbr.ind lr, $3  }
0x3a: {  	_ = 	snop  }
0x3b: {  	_ = 	snop  }
0x3c: {  	p2 =	seq.s32 s10, $0x1;
	s10 =	sld [smem:$0x3FB2]  }
0x3d: {  	_ =	shalt  }
0x3e: {  	_ =	shalt  }
0x3f: {  	_ =	shalt  }
0x40: {  	_ =	shalt  }
0x41: {  	_ =	shalt  }
0x42: {  	_ =	shalt  }
0x43: {  	_ =	shalt  }
0x44: {  	_ =	shalt  }
0x45: {  	_ =	shalt  }
0x46: {  	_ =	shalt  }
0x47: {  	_ =	shalt  }
0x48: {  	_ =	shalt  }
0x49: {  	_ =	shalt  }
0x4a: {  	_ =	shalt  }
0x4b: {  	_ =	shalt  }
0x4c: {  	_ =	shalt  }
0x4d: {  	_ =	shalt  }
0x4e: {  	_ =	shalt  }
0x4f: {  	_ =	shalt  }
0x50: {  	_ =	shalt  }
0x51: {  	_ =	shalt  }
0x52: {  	_ =	shalt  }
0x53: {  	_ =	shalt  }
0x54: {  	_ =	shalt  }
0x55: {  	_ =	shalt  }
0x56: {  	_ =	shalt  }
0x57: {  	_ =	shalt  }
0x58: {  	_ =	shalt  }
0x59: {  	_ =	shalt  }
0x5a: {  	_ =	shalt  }
0x5b: {  	_ =	shalt  }
0x5c: {  	_ =	shalt  }
0x5d: {  	_ =	shalt  }
0x5e: {  	_ =	shalt  }
0x5f: {  	_ =	shalt  }
0x60: {  	_ =	shalt  }
0x61: {  	_ =	shalt  }
0x62: {  	_ =	shalt  }
0x63: {  	_ =	shalt  }
0x64: {  	_ =	shalt  }
0x65: {  	_ =	shalt  }
0x66: {  	_ =	shalt  }
0x67: {  	_ =	shalt  }
0x68: {  	_ =	shalt  }
0x69: {  	_ =	shalt  }
0x6a: {  	_ =	shalt  }
0x6b: {  	_ =	shalt  }
0x6c: {  	_ =	shalt  }
0x6d: {  	_ =	shalt  }
0x6e: {  	_ =	shalt  }
0x6f: {  	_ =	shalt  }
0x70: {  	_ =	shalt  }
0x71: {  	_ =	shalt  }
0x72: {  	_ =	shalt  }
0x73: {  	_ =	shalt  }
0x74: {  	_ =	shalt  }
0x75: {  	_ =	shalt  }
0x76: {  	_ =	shalt  }
0x77: {  	_ =	shalt  }
0x78: {  	_ =	shalt  }
0x79: {  	_ =	shalt  }
0x7a: {  	_ =	shalt  }
0x7b: {  	_ =	shalt  }
0x7c: {  	_ =	shalt  }
0x7d: {  	_ =	shalt  }
0x7e: {  	_ =	shalt  }
0x7f: {  	_ =	shalt  }
0x80: {  	_ =	shalt  }
0x81: {  	_ =	shalt  }
0x82: {  	_ =	shalt  }
0x83: {  	_ =	shalt  }
0x84: {  	_ =	shalt  }
0x85: {  	_ =	shalt  }
0x86: {  	_ =	shalt  }
0x87: {  	_ =	shalt  }
.Lfunc_end0:
.L_simem_size_0:
called_computation.1_lowered:
.L_overlay_start_0:
0x88: {  	s2 =	sld [smem:$0x3FD9]  }
0x89: {  	s3 =	sld [smem:$0x3FFE];
	_ =	sdelay $0x1  }
0x8a: {  	s1 =	srdreg.scid  }
0x8b: {  	s0 =	sand.u32 $0x1, s1  }
0x8c: {  	s17 =	sshll.u32 s0, $0xA;
	s2 =	sadd.s32 s3, s2  }
0x8d: {  	s2 =	sadd.s32 s2, s17  }
0x8e: {  	[smem:$0x3FBE] =	sst s2  }
0x8f: {  	_ = 	snop  }
0x90: {  	s2 =	sld [smem:$0x3FD0];
	(tm) =	ssettm $0x1  }
0x91: {  	s18 =	sld [smem:$0x3FFB];
	_ =	sdelay $0x3  }
0x92: {  	_ =	strace s18  }
0x93: {  	s3 =	sld [smem:$0x3FFC];
	_ =	sdelay $0x3  }
0x94: {  	_ =	strace s3  }
0x95: {  	s3 =	sld [smem:$0x3FFD];
	_ =	sdelay $0x3  }
0x96: {  	_ =	strace s3  }
0x97: {  	_ =	strace $0x8FFFFFFF  }
0x98: {  	s19 =	sld [smem:$0x3FDB];
	_ =	sdelay $0x1  }
0x99: {  	s4 =	simm.s32 $_scs_section_size  }
0x9a: {  	s5 =	simm.s32 $_size__tile_overlayer_lowered;
	s6 =	simm.s32 $_tile_overlayer_lowered  }
0x9b: {  	s22 =	simm.s32 $0x1BFF;
	s21 =	sshll.u32 s6, $0x1;
	s3 =	sadd.s32 s4, s19  }
0x9c: {  	s7 =	simm.s32 $0x0;
	s20 =	sshll.u32 s5, $0x1;
	s5 =	sadd.s32 s21, s3  }
0x9d: {  	[timem:s7], [sflag:s22] =	dma.local [hbm:s5], s20  }
0x9e: {  	_ =	swait.ge [sflag:s22], s20  }
0x9f: {  	s4 =	ssub.s32 $0x0, s20;
	[sflag:s22] =	ssyncset.done $0x0  }
0xa0: {  	[sflag:s22] =	ssyncadd.s32 s4;
	_ =	sdelay $0x1  }
0xa1: {  	s23 =	simm.s32 $0x1B8B  }
0xa2: {  	_ =	swait.ge [sflag:s23], $0x1  }
0xa3: {  	[sflag:s23] =	ssyncset.done $0x0  }
0xa4: {  	s25 =	simm.s32 $0x1B8E;
	s24 =	sld [smem:$0x3FFE];
	[sflag:s23] =	ssyncadd.s32 $0xFFFFFFFF  }
0xa5: {  	s26 =	simm.s32 $execute0_lowered;
	[smem:$0x3FD2] =	sst s25  }
0xa6: {  	s5 =	sshll.u32 s26, $0x1;
	_ =	strace $0x80000049;
	[dreg:$0x1] =	wrdreg $0xFFFFFFFF  }
0xa7: {  	s28 =	simm.s32 $_size_execute0_lowered;
	s3 =	sadd.s32 s3, s5;
	[dreg:$0x0] =	wrdreg $0x0  }
0xa8: {  	s5 =	sshll.u32 s28, $0x1;
	[dreg:$0x2] =	wrdreg s3  }
0xa9: {  	[dreg:$0x3] =	wrdreg s5  }
0xaa: {  	[dreg:$0x4] =	wrdreg $0xC0  }
0xab: {  	_ =	task [dreg:s7], $0x5FFFF  }
0xac: {  	[dreg:$0x1] =	wrdreg $0xFFFFFFFF  }
0xad: {  	[dreg:$0x0] =	wrdreg $0x60  }
0xae: {  	[dreg:$0x2] =	wrdreg s24  }
0xaf: {  	[dreg:$0x3] =	wrdreg s2  }
0xb0: {  	[dreg:$0x4] =	wrdreg $0x12B400  }
0xb1: {  	[dreg:$0x5] =	wrdreg $0x8F000  }
0xb2: {  	[dreg:$0x6] =	wrdreg $0x9  }
0xb3: {  	_ =	task.clear_ibuf [dreg:s7], $0x7FFFF;
	_ =	strace $0x90000049  }
0xb4: {  	s29 =	simm.s32 $0x9;
	_ =	strace $0x8000004B  }
0xb5: {  	_ =	swait.ge [sflag:s29], $0x1  }
0xb6: {  	[sflag:s29] =	ssyncadd.s32 $0xFFFFFFFF  }
0xb7: {  	_ =	strace $0x9000004B  }
0xb8: {  	_ =	sfence  }
0xb9: {  	s30 =	sld [smem:$0x0];
	_ =	sdelay $0x2  }
0xba: {  	s31 =	sshll.u32 s1, $0xD;
	s1 =	sshrl.u32 s1, $0x2  }
0xbb: {  	s3 =	sand.u32 $0x4000, s31;
	s1 =	sadd.s32 s1, s30  }
0xbc: {  	s0 =	sor.u32 s3, s0;
	s1 =	sshll.u32 s1, $0x11  }
0xbd: {  	s0 =	sor.u32 s1, s0  }
0xbe: {  	s0 =	sadd.s32 $0x8F2B, s0  }
0xbf: {  	[sflag:s0] =	ssyncadd.remote.s32 $0x1  }
0xc0: {  	_ =	sfence.sel $0xFFFF  }
0xc1: {  	[dreg:$0x0] =	wrdreg $0xFFFFFFFF;
	(pc) =	sbr.abs _section_cstart, $3  }
0xc2: {  	[dreg:$0x1] =	wrdreg $0xFFFFFFFF  }
0xc3: {  	_ =	task.clear_ibuf [dreg:s7], $0x2FFFF;
	_ =	strace $0x9FFFFFFF  }
0xc4: {  	(tm) =	ssettm $0x7FFFFFFF  }
0xc5: {  	_ =	shalt  }
tec
execute0_lowered:
.L_overlay_start_1:
0x0: {  	(tag) =	ssettag $0x1  }
0x1: {  	s0 =	rddreg [dreg:$0x0]  }
0x2: {  	s2 =	rddreg [dreg:$0x1]  }
0x3: {  	s1 =	simm.s32 $0x0;
	s3 =	srdreg.scid;
	s17 =	stileid.u32  }
0x4: {  	[smem:$0x7FF] =	sst s1;
	s3 =	sand.u32 $0x1, s3;
	s7 =	smul.u32 $0x4F00, s17  }
0x5: {  	s4 =	sadd.s32 $0xCC00, s0;
	s5 =	sadd.s32 $0x2E00, s0;
	s6 =	ssub.s32 $0x2, s3  }
0x6: {  	s0 =	sadd.s32 $0x64C00, s0;
	s8 =	sshrl.u32 s6, $0x1;
	s7 =	sshrl.u32 s7, $0x3  }
0x7: {  	s9 =	smul.u32 $0x9C400, s3;
	s6 =	ssub.s32 s6, s8;
	s10 =	sadd.s32 s4, s7  }
0x8: {  	s12 =	sadd.s32 s5, s7;
	s7 =	sadd.s32 $0x4F0, s7;
	[dreg:$0x5] =	wrdreg s10  }
0x9: {  	s8 =	smul.u32 $0x9C40, s17;
	[dreg:$0x6] =	wrdreg s12;
	s4 =	sadd.s32 s4, s7  }
0xa: {  	s3 =	smul.u32 $0xA0000, s3;
	s13 =	sadd.s32 s5, s7;
	[dreg:$0x7] =	wrdreg s4  }
0xb: {  	s5 =	smul.u32 $0xA000, s17;
	[dreg:$0x8] =	wrdreg s13;
	s4 =	sadd.s32 $0x1F40, s8  }
0xc: {  	s14 =	sadd.s32 s9, s8;
	s11 =	sadd.s32 $0x5DC0, s8;
	s12 =	sadd.s32 $0x7D00, s8  }
0xd: {  	s15 =	sadd.s32 s9, s4;
	s7 =	sshrl.u32 s14, $0x3;
	s13 =	sadd.s32 s9, s11  }
0xe: {  	s20 =	sadd.s32 s3, s5;
	s14 =	rddreg [dreg:$0x2];
	s10 =	sshrl.u32 s15, $0x3  }
0xf: {  	s7 =	sadd.s32 s2, s7;
	s19 =	sshrl.u32 s13, $0x3;
	s15 =	sadd.s32 $0x6000, s5  }
0x10: {  	[dreg:$0x9] =	wrdreg s7;
	s16 =	sadd.s32 s2, s10;
	s7 =	sadd.s32 $0x3E80, s8  }
0x11: {  	s24 =	sadd.s32 s3, s15;
	s30 =	sadd.s32 s15, s14;
	s18 =	sadd.s32 s9, s7  }
0x12: {  	s15 =	simm.s32 $0x4F00;
	[dreg:$0xa] =	wrdreg s16;
	s10 =	sshrl.u32 s18, $0x3  }
0x13: {  	s9 =	sadd.s32 s9, s12;
	s16 =	rddreg [dreg:$0x3];
	s10 =	sadd.s32 s2, s10  }
0x14: {  	s9 =	sshrl.u32 s9, $0x3;
	[dreg:$0xb] =	wrdreg s10;
	s10 =	sadd.s32 s2, s19  }
0x15: {  	s2 =	sadd.s32 s2, s9;
	s9 =	sadd.s32 $0x2000, s5;
	[dreg:$0xc] =	wrdreg s10  }
0x16: {  	s19 =	smul.u32 $0x28000, s17;
	[dreg:$0xd] =	wrdreg s2;
	s2 =	sshrl.u32 s20, $0x3  }
0x17: {  	s10 =	sadd.s32 $0x4000, s5;
	s21 =	sadd.s32 s3, s9;
	s20 =	sadd.s32 s5, s14  }
0x18: {  	s28 =	sadd.s32 s9, s14;
	s9 =	simm.s32 $0x4E00;
	s2 =	sadd.s32 s0, s2  }
0x19: {  	s22 =	sadd.s32 s3, s10;
	s26 =	sshrl.u32 s19, $0x2;
	s29 =	sadd.s32 s10, s14  }
0x1a: {  	s10 =	simm.s32 $0x4E80;
	[dreg:$0xe] =	wrdreg s2;
	s2 =	sshrl.u32 s21, $0x3  }
0x1b: {  	s13 =	sshrl.u32 s22, $0x3;
	s19 =	sadd.s32 s26, s14;
	s21 =	smax.u32 s6, $0x1  }
0x1c: {  	s22 =	sadd.s32 s8, s16;
	s26 =	sadd.s32 s12, s16;
	s6 =	simm.s32 $0x2  }
0x1d: {  	s8 =	simm.s32 $0x2700;
	s2 =	sadd.s32 s0, s2;
	s23 =	sadd.s32 s0, s13  }
0x1e: {  	s13 =	sadd.s32 $0x8000, s5;
	s5 =	simm.s32 $0x1;
	[dreg:$0xf] =	wrdreg s2  }
0x1f: {  	[dreg:$0x10] =	wrdreg s23;
	s2 =	sshrl.u32 s24, $0x3;
	s3 =	sadd.s32 s3, s13  }
0x20: {  	s23 =	sadd.s32 s4, s16;
	s24 =	sadd.s32 s7, s16;
	s31 =	sadd.s32 s13, s14  }
0x21: {  	s4 =	simm.s32 $0x80;
	s7 =	simm.s32 $0x4D80;
	s2 =	sadd.s32 s0, s2  }
0x22: {  	s25 =	sshrl.u32 s3, $0x3;
	s3 =	simm.s32 $0x2780;
	[dreg:$0x11] =	wrdreg s2  }
0x23: {  	s18 =	sadd.s32 s0, s25;
	s25 =	sadd.s32 s11, s16;
	s0 =	simm.s32 $0x3  }
0x24: {  	v0 =	vimm.f32 $0.0e+00;
	s2 =	simm.s32 $0x6F00;
	s11 =	simm.s32 $0x0;
	_ =	strace $0x8000004A  }
.LBB2_1:
0x25: {  	[tilespmem:$0x4F00] =	vst v0  }
0x26: {  	[tilespmem:$0x4F10] =	vst v0  }
0x27: {  	[tilespmem:$0x4F20] =	vst v0  }
0x28: {  	[tilespmem:$0x4F30] =	vst v0  }
0x29: {  	[tilespmem:$0x4F40] =	vst v0  }
0x2a: {  	[tilespmem:$0x4F50] =	vst v0  }
0x2b: {  	[tilespmem:$0x4F60] =	vst v0  }
0x2c: {  	[tilespmem:$0x4F70] =	vst v0  }
0x2d: {  	[tilespmem:$0x4F80] =	vst v0  }
0x2e: {  	[tilespmem:$0x4F90] =	vst v0  }
0x2f: {  	[tilespmem:$0x4FA0] =	vst v0  }
0x30: {  	[tilespmem:$0x4FB0] =	vst v0  }
0x31: {  	[tilespmem:$0x4FC0] =	vst v0  }
0x32: {  	[tilespmem:$0x4FD0] =	vst v0  }
0x33: {  	[tilespmem:$0x4FE0] =	vst v0  }
0x34: {  	[tilespmem:$0x4FF0] =	vst v0  }
0x35: {  	[tilespmem:$0x5000] =	vst v0  }
0x36: {  	[tilespmem:$0x5010] =	vst v0  }
0x37: {  	[tilespmem:$0x5020] =	vst v0  }
0x38: {  	[tilespmem:$0x5030] =	vst v0  }
0x39: {  	[tilespmem:$0x5040] =	vst v0  }
0x3a: {  	[tilespmem:$0x5050] =	vst v0  }
0x3b: {  	[tilespmem:$0x5060] =	vst v0  }
0x3c: {  	[tilespmem:$0x5070] =	vst v0  }
0x3d: {  	[tilespmem:$0x5080] =	vst v0  }
0x3e: {  	[tilespmem:$0x5090] =	vst v0  }
0x3f: {  	[tilespmem:$0x50A0] =	vst v0  }
0x40: {  	[tilespmem:$0x50B0] =	vst v0  }
0x41: {  	[tilespmem:$0x50C0] =	vst v0  }
0x42: {  	[tilespmem:$0x50D0] =	vst v0  }
0x43: {  	[tilespmem:$0x50E0] =	vst v0  }
0x44: {  	[tilespmem:$0x50F0] =	vst v0  }
0x45: {  	[tilespmem:$0x5100] =	vst v0  }
0x46: {  	[tilespmem:$0x5110] =	vst v0  }
0x47: {  	[tilespmem:$0x5120] =	vst v0  }
0x48: {  	[tilespmem:$0x5130] =	vst v0  }
0x49: {  	[tilespmem:$0x5140] =	vst v0  }
0x4a: {  	[tilespmem:$0x5150] =	vst v0  }
0x4b: {  	[tilespmem:$0x5160] =	vst v0  }
0x4c: {  	[tilespmem:$0x5170] =	vst v0  }
0x4d: {  	[tilespmem:$0x5180] =	vst v0  }
0x4e: {  	[tilespmem:$0x5190] =	vst v0  }
0x4f: {  	[tilespmem:$0x51A0] =	vst v0  }
0x50: {  	[tilespmem:$0x51B0] =	vst v0  }
0x51: {  	[tilespmem:$0x51C0] =	vst v0  }
0x52: {  	[tilespmem:$0x51D0] =	vst v0  }
0x53: {  	[tilespmem:$0x51E0] =	vst v0  }
0x54: {  	[tilespmem:$0x51F0] =	vst v0  }
0x55: {  	[tilespmem:$0x5200] =	vst v0  }
0x56: {  	[tilespmem:$0x5210] =	vst v0  }
0x57: {  	[tilespmem:$0x5220] =	vst v0  }
0x58: {  	[tilespmem:$0x5230] =	vst v0  }
0x59: {  	[tilespmem:$0x5240] =	vst v0  }
0x5a: {  	[tilespmem:$0x5250] =	vst v0  }
0x5b: {  	[tilespmem:$0x5260] =	vst v0  }
0x5c: {  	[tilespmem:$0x5270] =	vst v0  }
0x5d: {  	[tilespmem:$0x5280] =	vst v0  }
0x5e: {  	[tilespmem:$0x5290] =	vst v0  }
0x5f: {  	[tilespmem:$0x52A0] =	vst v0  }
0x60: {  	[tilespmem:$0x52B0] =	vst v0  }
0x61: {  	[tilespmem:$0x52C0] =	vst v0  }
0x62: {  	[tilespmem:$0x52D0] =	vst v0  }
0x63: {  	[tilespmem:$0x52E0] =	vst v0  }
0x64: {  	[tilespmem:$0x52F0] =	vst v0;
	s12 =	sadd.s32 $0x0, s19  }
0x65: {  	[spmem:s12] =	stream.linear.scatter [tilespmem:s15], [sflag:$0x3], $0x400, $0x38;
	[tilespmem:$0x1CB40] =	vst v63  }
0x66: {  	s12 =	simm.s32 $0x1000;
	_ =	swait.ge [sflag:s0], $0x400  }
.LBB2_2:
0x67: {  	s13 =	sshra.s32 s12, $0x2;
	[sflag:s0] =	ssyncset.done $0x0;
	p0 =	seq.s32 s12, $0x27000  }
.Ltmp0:
0x68: {  	s13 =	sadd.s32 s13, s19;
	[sflag:s0] =	ssyncadd.s32 $0xFFFFFC00;
	(pc) =	sbr.rel @!p0 .LBB2_2-.Ltmp0, $3  }
0x69: {  	[spmem:s13] =	stream.linear.scatter [tilespmem:s15], [sflag:$0x3], $0x400, $0x38;
	[tilespmem:$0x1CB40] =	vst v63  }
0x6a: {  	s12 =	sadd.s32 $0x1000, s12;
	_ =	sdelay $0x1  }
0x6b: {  	_ =	swait.ge [sflag:s0], $0x400  }
0x6c: {  	[sflag:s0] =	ssyncset.done $0x0  }
0x6d: {  	s12 =	simm.s32 $0x0;
	s13 =	rddreg [dreg:$0x9];
	[sflag:s0] =	ssyncadd.s32 $0xFFFFFC00  }
0x6e: {  	[tilespmem:s2], [sflag:$0x3] =	stream.linear.gather [hbm4b:s13+s12], $0x1F40, $0x38;
	[tilespmem:$0x1CB40] =	vst v63  }
0x6f: {  	_ =	swait.ge [sflag:s0], $0x1F40  }
0x70: {  	[sflag:s0] =	ssyncset.done $0x0  }
0x71: {  	[sflag:s0] =	ssyncadd.s32 $0xFFFFE0C0  }
0x72: {  	[spmem:s22] =	stream.linear.scatter [tilespmem:s2], [sflag:$0x3], $0x1F40, $0x38;
	[tilespmem:$0x1CB40] =	vst v63  }
0x73: {  	_ =	swait.ge [sflag:s0], $0x1F40  }
0x74: {  	[sflag:s0] =	ssyncset.done $0x0  }
0x75: {  	s17 =	rddreg [dreg:$0xa];
	[sflag:s0] =	ssyncadd.s32 $0xFFFFE0C0  }
0x76: {  	[tilespmem:s2], [sflag:$0x3] =	stream.linear.gather [hbm4b:s17+s12], $0x1F40, $0x38;
	[tilespmem:$0x1CB40] =	vst v63  }
0x77: {  	_ =	swait.ge [sflag:s0], $0x1F40  }
0x78: {  	[sflag:s0] =	ssyncset.done $0x0  }
0x79: {  	[sflag:s0] =	ssyncadd.s32 $0xFFFFE0C0  }
0x7a: {  	[spmem:s23] =	stream.linear.scatter [tilespmem:s2], [sflag:$0x3], $0x1F40, $0x38;
	[tilespmem:$0x1CB40] =	vst v63  }
0x7b: {  	_ =	swait.ge [sflag:s0], $0x1F40  }
0x7c: {  	[sflag:s0] =	ssyncset.done $0x0  }
0x7d: {  	s17 =	rddreg [dreg:$0xb];
	[sflag:s0] =	ssyncadd.s32 $0xFFFFE0C0  }
0x7e: {  	[tilespmem:s2], [sflag:$0x3] =	stream.linear.gather [hbm4b:s17+s12], $0x1F40, $0x38;
	[tilespmem:$0x1CB40] =	vst v63  }
0x7f: {  	_ =	swait.ge [sflag:s0], $0x1F40  }
0x80: {  	[sflag:s0] =	ssyncset.done $0x0  }
0x81: {  	[sflag:s0] =	ssyncadd.s32 $0xFFFFE0C0  }
0x82: {  	[spmem:s24] =	stream.linear.scatter [tilespmem:s2], [sflag:$0x3], $0x1F40, $0x38;
	[tilespmem:$0x1CB40] =	vst v63  }
0x83: {  	_ =	swait.ge [sflag:s0], $0x1F40  }
0x84: {  	[sflag:s0] =	ssyncset.done $0x0  }
0x85: {  	s17 =	rddreg [dreg:$0xc];
	[sflag:s0] =	ssyncadd.s32 $0xFFFFE0C0  }
0x86: {  	[tilespmem:s2], [sflag:$0x3] =	stream.linear.gather [hbm4b:s17+s12], $0x1F40, $0x38;
	[tilespmem:$0x1CB40] =	vst v63  }
0x87: {  	_ =	swait.ge [sflag:s0], $0x1F40  }
0x88: {  	[sflag:s0] =	ssyncset.done $0x0  }
0x89: {  	[sflag:s0] =	ssyncadd.s32 $0xFFFFE0C0  }
0x8a: {  	[spmem:s25] =	stream.linear.scatter [tilespmem:s2], [sflag:$0x3], $0x1F40, $0x38;
	[tilespmem:$0x1CB40] =	vst v63  }
0x8b: {  	_ =	swait.ge [sflag:s0], $0x1F40  }
0x8c: {  	[sflag:s0] =	ssyncset.done $0x0  }
0x8d: {  	s17 =	rddreg [dreg:$0xd];
	[sflag:s0] =	ssyncadd.s32 $0xFFFFE0C0  }
0x8e: {  	[tilespmem:s2], [sflag:$0x3] =	stream.linear.gather [hbm4b:s17+s12], $0x1F40, $0x38;
	[tilespmem:$0x1CB40] =	vst v63  }
0x8f: {  	_ =	swait.ge [sflag:s0], $0x1F40  }
0x90: {  	[sflag:s0] =	ssyncset.done $0x0  }
0x91: {  	[sflag:s0] =	ssyncadd.s32 $0xFFFFE0C0  }
0x92: {  	[spmem:s26] =	stream.linear.scatter [tilespmem:s2], [sflag:$0x3], $0x1F40, $0x38;
	[tilespmem:$0x1CB40] =	vst v63  }
0x93: {  	_ =	swait.ge [sflag:s0], $0x1F40  }
0x94: {  	[sflag:s0] =	ssyncset.done $0x0  }
0x95: {  	[sflag:s0] =	ssyncadd.s32 $0xFFFFE0C0  }
0x96: {  	[bflag:$0x0] =	sbarrier.arrive $0xFFFF  }
0x97: {  	s17 =	rddreg [dreg:$0x5]  }
0x98: {  	[tilespmem:s12], [sflag:$0x3] =	stream.linear.gather [hbm4b:s17+s12], $0x2780, $0x38;
	[tilespmem:$0x1CB40] =	vst v63  }
0x99: {  	_ =	swait.ge [sflag:s0], $0x2780  }
0x9a: {  	[sflag:s0] =	ssyncset.done $0x0  }
0x9b: {  	s17 =	rddreg [dreg:$0x6];
	[sflag:s0] =	ssyncadd.s32 $0xFFFFD880  }
0x9c: {  	[tilespmem:s3], [sflag:$0x3] =	stream.linear.gather [hbm4b:s17+s12], $0x2780, $0x38;
	[tilespmem:$0x1CB40] =	vst v63  }
0x9d: {  	_ =	swait.ge [sflag:s0], $0x2780  }
0x9e: {  	[sflag:s0] =	ssyncset.done $0x0  }
0x9f: {  	[sflag:s0] =	ssyncadd.s32 $0xFFFFD880  }
0xa0: {  	[tilespmem:s15], [sflag:$0x1] =	stream.indirect.gather [spmem:s16], $0x40, s12, s4, $0xb8;
	[tilespmem:$0x1CB40] =	vst v63  }
0xa1: {  	_ = 	snop  }
0xa2: {  	[tilespmem:s2], [sflag:$0x2] =	stream.indirect.gather [spmem:s16], $0x40, s4, s4, $0xb8;
	[tilespmem:$0x1CB40] =	vst v63  }
0xa3: {  	_ =	swait.ge [sflag:s5], $0x2000  }
0xa4: {  	[sflag:s5] =	ssyncset.done $0x0  }
0xa5: {  	s17 =	simm.s32 $0x2780;
	[sflag:s5] =	ssyncadd.s32 $0xFFFFE000  }
0xa6: {  	[spmem:s14] =	stream.indirect.scatter.add.f32 [tilespmem:s15], [sflag:$0x3], $0x40, s17, s4, $0xb8;
	[tilespmem:$0x1CB40] =	vst v63  }
0xa7: {  	_ =	swait.ge [sflag:s0], $0x2000  }
0xa8: {  	[sflag:s0] =	ssyncset.done $0x0  }
0xa9: {  	s13 =	simm.s32 $0x100;
	[sflag:s0] =	ssyncadd.s32 $0xFFFFE000  }
0xaa: {  	[tilespmem:s15], [sflag:$0x1] =	stream.indirect.gather [spmem:s16], $0x40, s13, s4, $0xb8;
	[tilespmem:$0x1CB40] =	vst v63  }
0xab: {  	_ =	swait.ge [sflag:s6], $0x2000  }
0xac: {  	[sflag:s6] =	ssyncset.done $0x0  }
0xad: {  	s17 =	simm.s32 $0x2800;
	[sflag:s6] =	ssyncadd.s32 $0xFFFFE000  }
0xae: {  	[spmem:s14] =	stream.indirect.scatter.add.f32 [tilespmem:s2], [sflag:$0x3], $0x40, s17, s4, $0xb8;
	[tilespmem:$0x1CB40] =	vst v63  }
0xaf: {  	_ =	swait.ge [sflag:s0], $0x2000  }
0xb0: {  	[sflag:s0] =	ssyncset.done $0x0  }
0xb1: {  	s12 =	simm.s32 $0x400;
	s13 =	simm.s32 $0x180;
	[sflag:s0] =	ssyncadd.s32 $0xFFFFE000  }
.LBB2_4:
0xb2: {  	[tilespmem:s2], [sflag:$0x2] =	stream.indirect.gather [spmem:s16], $0x40, s13, s4, $0xb8;
	[tilespmem:$0x1CB40] =	vst v63  }
0xb3: {  	s13 =	smov.u32 s12  }
0xb4: {  	p0 =	sne.s32 s12, $0x9400;
	s12 =	sadd.s32 $0x400, s12;
	_ =	swait.ge [sflag:s5], $0x2000  }
0xb5: {  	s13 =	sshra.s32 s13, $0x2;
	[sflag:s5] =	ssyncset.done $0x0  }
0xb6: {  	s17 =	sadd.s32 $0x2780, s13;
	[sflag:s5] =	ssyncadd.s32 $0xFFFFE000  }
0xb7: {  	[spmem:s14] =	stream.indirect.scatter.add.f32 [tilespmem:s15], [sflag:$0x3], $0x40, s17, s4, $0xb8;
	[tilespmem:$0x1CB40] =	vst v63  }
0xb8: {  	_ =	swait.ge [sflag:s0], $0x2000  }
0xb9: {  	[sflag:s0] =	ssyncset.done $0x0  }
0xba: {  	s17 =	sadd.s32 $0x100, s13;
	[sflag:s0] =	ssyncadd.s32 $0xFFFFE000  }
0xbb: {  	[tilespmem:s15], [sflag:$0x1] =	stream.indirect.gather [spmem:s16], $0x40, s17, s4, $0xb8;
	[tilespmem:$0x1CB40] =	vst v63  }
0xbc: {  	_ =	swait.ge [sflag:s6], $0x2000  }
0xbd: {  	[sflag:s6] =	ssyncset.done $0x0  }
.Ltmp1:
0xbe: {  	s17 =	sadd.s32 $0x2800, s13;
	[sflag:s6] =	ssyncadd.s32 $0xFFFFE000;
	(pc) =	sbr.rel @p0 .LBB2_4-.Ltmp1, $4  }
0xbf: {  	[spmem:s14] =	stream.indirect.scatter.add.f32 [tilespmem:s2], [sflag:$0x3], $0x40, s17, s4, $0xb8;
	[tilespmem:$0x1CB40] =	vst v63  }
0xc0: {  	_ =	swait.ge [sflag:s0], $0x2000  }
0xc1: {  	[sflag:s0] =	ssyncset.done $0x0  }
0xc2: {  	s13 =	sadd.s32 $0x180, s13;
	[sflag:s0] =	ssyncadd.s32 $0xFFFFE000  }
0xc3: {  	[tilespmem:s2], [sflag:$0x2] =	stream.indirect.gather [spmem:s16], $0x40, s13, s4, $0xb8;
	[tilespmem:$0x1CB40] =	vst v63  }
0xc4: {  	_ =	swait.ge [sflag:s5], $0x2000  }
0xc5: {  	[sflag:s5] =	ssyncset.done $0x0  }
0xc6: {  	[sflag:s5] =	ssyncadd.s32 $0xFFFFE000  }
0xc7: {  	[spmem:s14] =	stream.indirect.scatter.add.f32 [tilespmem:s15], [sflag:$0x3], $0x40, s7, s4, $0xb8;
	[tilespmem:$0x1CB40] =	vst v63  }
0xc8: {  	_ =	swait.ge [sflag:s0], $0x2000  }
0xc9: {  	[sflag:s0] =	ssyncset.done $0x0  }
0xca: {  	[sflag:s0] =	ssyncadd.s32 $0xFFFFE000  }
0xcb: {  	[tilespmem:s15], [sflag:$0x1] =	stream.indirect.gather [spmem:s16], $0x40, s8, s4, $0xb8;
	[tilespmem:$0x1CB40] =	vst v63  }
0xcc: {  	_ =	swait.ge [sflag:s6], $0x2000  }
0xcd: {  	[sflag:s6] =	ssyncset.done $0x0  }
0xce: {  	[sflag:s6] =	ssyncadd.s32 $0xFFFFE000  }
0xcf: {  	[spmem:s14] =	stream.indirect.scatter.add.f32 [tilespmem:s2], [sflag:$0x3], $0x40, s9, s4, $0xb8;
	[tilespmem:$0x1CB40] =	vst v63  }
0xd0: {  	_ =	swait.ge [sflag:s0], $0x2000  }
0xd1: {  	[sflag:s0] =	ssyncset.done $0x0  }
0xd2: {  	[sflag:s0] =	ssyncadd.s32 $0xFFFFE000  }
0xd3: {  	_ =	swait.ge [sflag:s5], $0x2000  }
0xd4: {  	[sflag:s5] =	ssyncset.done $0x0  }
0xd5: {  	[sflag:s5] =	ssyncadd.s32 $0xFFFFE000  }
0xd6: {  	[spmem:s14] =	stream.indirect.scatter.add.f32 [tilespmem:s15], [sflag:$0x3], $0x40, s10, s4, $0xb8;
	[tilespmem:$0x1CB40] =	vst v63  }
0xd7: {  	_ =	swait.ge [sflag:s0], $0x2000  }
0xd8: {  	[sflag:s0] =	ssyncset.done $0x0  }
0xd9: {  	s12 =	simm.s32 $0x0;
	s17 =	rddreg [dreg:$0x7];
	[sflag:s0] =	ssyncadd.s32 $0xFFFFE000  }
0xda: {  	[tilespmem:s12], [sflag:$0x3] =	stream.linear.gather [hbm4b:s17+s12], $0x2780, $0x38;
	[tilespmem:$0x1CB40] =	vst v63  }
0xdb: {  	_ =	swait.ge [sflag:s0], $0x2780  }
0xdc: {  	[sflag:s0] =	ssyncset.done $0x0  }
0xdd: {  	s17 =	rddreg [dreg:$0x8];
	[sflag:s0] =	ssyncadd.s32 $0xFFFFD880  }
0xde: {  	[tilespmem:s3], [sflag:$0x3] =	stream.linear.gather [hbm4b:s17+s12], $0x2780, $0x38;
	[tilespmem:$0x1CB40] =	vst v63  }
0xdf: {  	_ =	swait.ge [sflag:s0], $0x2780  }
0xe0: {  	[sflag:s0] =	ssyncset.done $0x0  }
0xe1: {  	[sflag:s0] =	ssyncadd.s32 $0xFFFFD880  }
0xe2: {  	[tilespmem:s15], [sflag:$0x1] =	stream.indirect.gather [spmem:s16], $0x40, s12, s4, $0xb8;
	[tilespmem:$0x1CB40] =	vst v63  }
0xe3: {  	_ = 	snop  }
0xe4: {  	[tilespmem:s2], [sflag:$0x2] =	stream.indirect.gather [spmem:s16], $0x40, s4, s4, $0xb8;
	[tilespmem:$0x1CB40] =	vst v63  }
0xe5: {  	_ =	swait.ge [sflag:s5], $0x2000  }
0xe6: {  	[sflag:s5] =	ssyncset.done $0x0  }
0xe7: {  	s17 =	simm.s32 $0x2780;
	[sflag:s5] =	ssyncadd.s32 $0xFFFFE000  }
0xe8: {  	[spmem:s14] =	stream.indirect.scatter.add.f32 [tilespmem:s15], [sflag:$0x3], $0x40, s17, s4, $0xb8;
	[tilespmem:$0x1CB40] =	vst v63  }
0xe9: {  	_ =	swait.ge [sflag:s0], $0x2000  }
0xea: {  	[sflag:s0] =	ssyncset.done $0x0  }
0xeb: {  	s13 =	simm.s32 $0x100;
	[sflag:s0] =	ssyncadd.s32 $0xFFFFE000  }
0xec: {  	[tilespmem:s15], [sflag:$0x1] =	stream.indirect.gather [spmem:s16], $0x40, s13, s4, $0xb8;
	[tilespmem:$0x1CB40] =	vst v63  }
0xed: {  	_ =	swait.ge [sflag:s6], $0x2000  }
0xee: {  	[sflag:s6] =	ssyncset.done $0x0  }
0xef: {  	s17 =	simm.s32 $0x2800;
	[sflag:s6] =	ssyncadd.s32 $0xFFFFE000  }
0xf0: {  	[spmem:s14] =	stream.indirect.scatter.add.f32 [tilespmem:s2], [sflag:$0x3], $0x40, s17, s4, $0xb8;
	[tilespmem:$0x1CB40] =	vst v63  }
0xf1: {  	_ =	swait.ge [sflag:s0], $0x2000  }
0xf2: {  	[sflag:s0] =	ssyncset.done $0x0  }
0xf3: {  	s12 =	simm.s32 $0x400;
	s13 =	simm.s32 $0x180;
	[sflag:s0] =	ssyncadd.s32 $0xFFFFE000  }
.LBB2_6:
0xf4: {  	[tilespmem:s2], [sflag:$0x2] =	stream.indirect.gather [spmem:s16], $0x40, s13, s4, $0xb8;
	[tilespmem:$0x1CB40] =	vst v63  }
0xf5: {  	s13 =	smov.u32 s12  }
0xf6: {  	p0 =	sne.s32 s12, $0x9400;
	s12 =	sadd.s32 $0x400, s12;
	_ =	swait.ge [sflag:s5], $0x2000  }
0xf7: {  	s13 =	sshra.s32 s13, $0x2;
	[sflag:s5] =	ssyncset.done $0x0  }
0xf8: {  	s17 =	sadd.s32 $0x2780, s13;
	[sflag:s5] =	ssyncadd.s32 $0xFFFFE000  }
0xf9: {  	[spmem:s14] =	stream.indirect.scatter.add.f32 [tilespmem:s15], [sflag:$0x3], $0x40, s17, s4, $0xb8;
	[tilespmem:$0x1CB40] =	vst v63  }
0xfa: {  	_ =	swait.ge [sflag:s0], $0x2000  }
0xfb: {  	[sflag:s0] =	ssyncset.done $0x0  }
0xfc: {  	s17 =	sadd.s32 $0x100, s13;
	[sflag:s0] =	ssyncadd.s32 $0xFFFFE000  }
0xfd: {  	[tilespmem:s15], [sflag:$0x1] =	stream.indirect.gather [spmem:s16], $0x40, s17, s4, $0xb8;
	[tilespmem:$0x1CB40] =	vst v63  }
0xfe: {  	_ =	swait.ge [sflag:s6], $0x2000  }
0xff: {  	[sflag:s6] =	ssyncset.done $0x0  }
.Ltmp2:
0x100: {  	s17 =	sadd.s32 $0x2800, s13;
	[sflag:s6] =	ssyncadd.s32 $0xFFFFE000;
	(pc) =	sbr.rel @p0 .LBB2_6-.Ltmp2, $4  }
0x101: {  	[spmem:s14] =	stream.indirect.scatter.add.f32 [tilespmem:s2], [sflag:$0x3], $0x40, s17, s4, $0xb8;
	[tilespmem:$0x1CB40] =	vst v63  }
0x102: {  	_ =	swait.ge [sflag:s0], $0x2000  }
0x103: {  	[sflag:s0] =	ssyncset.done $0x0  }
0x104: {  	s13 =	sadd.s32 $0x180, s13;
	[sflag:s0] =	ssyncadd.s32 $0xFFFFE000  }
0x105: {  	[tilespmem:s2], [sflag:$0x2] =	stream.indirect.gather [spmem:s16], $0x40, s13, s4, $0xb8;
	[tilespmem:$0x1CB40] =	vst v63  }
0x106: {  	_ =	swait.ge [sflag:s5], $0x2000  }
0x107: {  	[sflag:s5] =	ssyncset.done $0x0  }
0x108: {  	[sflag:s5] =	ssyncadd.s32 $0xFFFFE000  }
0x109: {  	[spmem:s14] =	stream.indirect.scatter.add.f32 [tilespmem:s15], [sflag:$0x3], $0x40, s7, s4, $0xb8;
	[tilespmem:$0x1CB40] =	vst v63  }
0x10a: {  	_ =	swait.ge [sflag:s0], $0x2000  }
0x10b: {  	[sflag:s0] =	ssyncset.done $0x0  }
0x10c: {  	[sflag:s0] =	ssyncadd.s32 $0xFFFFE000  }
0x10d: {  	[tilespmem:s15], [sflag:$0x1] =	stream.indirect.gather [spmem:s16], $0x40, s8, s4, $0xb8;
	[tilespmem:$0x1CB40] =	vst v63  }
0x10e: {  	_ =	swait.ge [sflag:s6], $0x2000  }
0x10f: {  	[sflag:s6] =	ssyncset.done $0x0  }
0x110: {  	[sflag:s6] =	ssyncadd.s32 $0xFFFFE000  }
0x111: {  	[spmem:s14] =	stream.indirect.scatter.add.f32 [tilespmem:s2], [sflag:$0x3], $0x40, s9, s4, $0xb8;
	[tilespmem:$0x1CB40] =	vst v63  }
0x112: {  	_ =	swait.ge [sflag:s0], $0x2000  }
0x113: {  	[sflag:s0] =	ssyncset.done $0x0  }
0x114: {  	[sflag:s0] =	ssyncadd.s32 $0xFFFFE000  }
0x115: {  	_ =	swait.ge [sflag:s5], $0x2000  }
0x116: {  	[sflag:s5] =	ssyncset.done $0x0  }
0x117: {  	[sflag:s5] =	ssyncadd.s32 $0xFFFFE000  }
0x118: {  	[spmem:s14] =	stream.indirect.scatter.add.f32 [tilespmem:s15], [sflag:$0x3], $0x40, s10, s4, $0xb8;
	[tilespmem:$0x1CB40] =	vst v63  }
0x119: {  	_ =	swait.ge [sflag:s0], $0x2000  }
0x11a: {  	[sflag:s0] =	ssyncset.done $0x0  }
0x11b: {  	[sflag:s0] =	ssyncadd.s32 $0xFFFFE000  }
0x11c: {  	[bflag:$0x0] =	sbarrier.arrive $0xFFFF  }
0x11d: {  	[tilespmem:s15], [sflag:$0x3] =	stream.linear.gather [spmem:s20], $0x2000, $0x38;
	[tilespmem:$0x1CB40] =	vst v63  }
0x11e: {  	_ =	swait.ge [sflag:s0], $0x2000  }
0x11f: {  	[sflag:s0] =	ssyncset.done $0x0  }
0x120: {  	s12 =	rddreg [dreg:$0xe];
	[sflag:s0] =	ssyncadd.s32 $0xFFFFE000  }
0x121: {  	[hbm4b:s12+s1] =	stream.linear.scatter [tilespmem:s15], [sflag:$0x3], $0x2000, $0x38;
	[tilespmem:$0x1CB40] =	vst v63  }
0x122: {  	_ =	swait.ge [sflag:s0], $0x2000  }
0x123: {  	[sflag:s0] =	ssyncset.done $0x0  }
0x124: {  	[sflag:s0] =	ssyncadd.s32 $0xFFFFE000  }
0x125: {  	[tilespmem:s15], [sflag:$0x3] =	stream.linear.gather [spmem:s28], $0x2000, $0x38;
	[tilespmem:$0x1CB40] =	vst v63  }
0x126: {  	_ =	swait.ge [sflag:s0], $0x2000  }
0x127: {  	[sflag:s0] =	ssyncset.done $0x0  }
0x128: {  	s17 =	rddreg [dreg:$0xf];
	[sflag:s0] =	ssyncadd.s32 $0xFFFFE000  }
0x129: {  	[hbm4b:s17+s1] =	stream.linear.scatter [tilespmem:s15], [sflag:$0x3], $0x2000, $0x38;
	[tilespmem:$0x1CB40] =	vst v63  }
0x12a: {  	_ =	swait.ge [sflag:s0], $0x2000  }
0x12b: {  	[sflag:s0] =	ssyncset.done $0x0  }
0x12c: {  	[sflag:s0] =	ssyncadd.s32 $0xFFFFE000  }
0x12d: {  	[tilespmem:s15], [sflag:$0x3] =	stream.linear.gather [spmem:s29], $0x2000, $0x38;
	[tilespmem:$0x1CB40] =	vst v63  }
0x12e: {  	_ =	swait.ge [sflag:s0], $0x2000  }
0x12f: {  	[sflag:s0] =	ssyncset.done $0x0  }
0x130: {  	s13 =	rddreg [dreg:$0x10];
	[sflag:s0] =	ssyncadd.s32 $0xFFFFE000  }
0x131: {  	[hbm4b:s13+s1] =	stream.linear.scatter [tilespmem:s15], [sflag:$0x3], $0x2000, $0x38;
	[tilespmem:$0x1CB40] =	vst v63  }
0x132: {  	_ =	swait.ge [sflag:s0], $0x2000  }
0x133: {  	[sflag:s0] =	ssyncset.done $0x0  }
0x134: {  	[sflag:s0] =	ssyncadd.s32 $0xFFFFE000  }
0x135: {  	[tilespmem:s15], [sflag:$0x3] =	stream.linear.gather [spmem:s30], $0x2000, $0x38;
	[tilespmem:$0x1CB40] =	vst v63  }
0x136: {  	_ =	swait.ge [sflag:s0], $0x2000  }
0x137: {  	[sflag:s0] =	ssyncset.done $0x0  }
0x138: {  	s17 =	rddreg [dreg:$0x11];
	[sflag:s0] =	ssyncadd.s32 $0xFFFFE000  }
0x139: {  	[hbm4b:s17+s1] =	stream.linear.scatter [tilespmem:s15], [sflag:$0x3], $0x2000, $0x38;
	[tilespmem:$0x1CB40] =	vst v63  }
0x13a: {  	_ =	swait.ge [sflag:s0], $0x2000  }
0x13b: {  	[sflag:s0] =	ssyncset.done $0x0  }
0x13c: {  	[sflag:s0] =	ssyncadd.s32 $0xFFFFE000  }
0x13d: {  	[tilespmem:s15], [sflag:$0x3] =	stream.linear.gather [spmem:s31], $0x2000, $0x38;
	[tilespmem:$0x1CB40] =	vst v63  }
0x13e: {  	s11 =	sadd.s32 $0x1, s11;
	_ =	swait.ge [sflag:s0], $0x2000  }
0x13f: {  	p0 =	sne.s32 s11, s21;
	[sflag:s0] =	ssyncset.done $0x0  }
.Ltmp3:
0x140: {  	[sflag:s0] =	ssyncadd.s32 $0xFFFFE000;
	(pc) =	sbr.rel @p0 .LBB2_1-.Ltmp3, $4  }
0x141: {  	[hbm4b:s18+s1] =	stream.linear.scatter [tilespmem:s15], [sflag:$0x3], $0x2000, $0x38;
	[tilespmem:$0x1CB40] =	vst v63  }
0x142: {  	_ =	swait.ge [sflag:s0], $0x2000  }
0x143: {  	[sflag:s0] =	ssyncset.done $0x0  }
0x144: {  	[sflag:s0] =	ssyncadd.s32 $0xFFFFE000  }
0x145: {  	_ =	sfence.sel $0x180000  }
0x146: {  	[bflag:$0x0] =	sbarrier.arrive $0xFFFF  }
0x147: {  	_ =	strace $0x9000004A  }
0x148: {  	s0 =	stileid.u32;
	[bflag:$0x2] =	sbarrier.arrive $0xFFFF  }
0x149: {  	p0 =	sne.s32 s0, $0x0;
	s0 =	rddreg [dreg:$0x4]  }
0x14a: {  	s0 =	sadd.s32 @!p0 $0x100000, s0  }
0x14b: {  	[sflag:s0] =	ssyncadd.tile.s32 @!p0 $0x1;
	_ =	shalt  }
.Lfunc_end2:
_tile_overlayer_lowered:
.L_overlay_start_2:
0x14c: {  	(tag) =	ssettag $0x2  }
0x14d: {  	s0 =	rddreg [dreg:$0x0];
	s2 =	stileid.u32  }
0x14e: {  	s1 =	rddreg [dreg:$0x1];
	p0 =	sne.s32 s2, $0x0  }
0x14f: {  	s3 =	rddreg [dreg:$0x2];
	[bflag:$0x3] =	sbarrier.arrive $0xFFFF;
	s2 =	simm.s32 @!p0 $0x1C03  }
0x150: {  	[timem:s3], [sflag:s2] =	dma.local @!p0 [hbm:s0], s1  }
0x151: {  	s0 =	simm.s32 @!p0 $0x3  }
0x152: {  	_ =	swait.ge @!p0 [sflag:s0], s1  }
0x153: {  	s1 =	ssub.s32 @!p0 $0x0, s1;
	[sflag:s0] =	ssyncset.done @!p0 $0x0  }
0x154: {  	[sflag:s0] =	ssyncadd.s32 @!p0 s1  }
0x155: {  	[bflag:$0x3] =	sbarrier.arrive $0xFFFF  }
0x156: {  	_ =	shalt  }

</sc_bundles>
